<compile_context>
chip_gen: v7x
topology: tpu7x:2x2x1
jax: 0.10.2.dev20260603
libtpu: 0.0.44.dev20260713+nightly
codegen_flags: <defaults>
</compile_context>

<pallas_src>
import functools
import jax
import jax.numpy as jnp
from jax import lax
from jax.experimental import pallas as pl
from jax.experimental.pallas import tpu as pltpu
from jax.experimental.pallas import tpu_sc as plsc

N = 10000
E = 320000
D_IN = 128
D_HID = 128
N_CLASS = 40

NC = 2
NS = 16
NW = NC * NS

EPW = E // NW
CHUNK = 125
NCHUNK = EPW // CHUNK
NP = 10240
ROWS_PT = NP // NS
IDXH = NCHUNK // 2

ROW_BLK = 400


def _mp_kernel(q_hbm, src_hbm, dst_hbm, zeros_hbm, out_hbm,
               idx_s, idx_d, rows0, rows1, agg_sh,
               semg0, semg1, sems0, sems1, semz):
    cid = lax.axis_index("c")
    sid = lax.axis_index("s")
    wid = cid * NS + sid
    base = pl.multiple_of(sid * ROWS_PT, 8)

    def zero_body(t, _):
        pltpu.async_copy(zeros_hbm, agg_sh.at[pl.ds(base + t * 64, 64)], semz)
        return 0

    lax.fori_loop(0, ROWS_PT // 64, zero_body, 0)
    pltpu.sync_copy(src_hbm.at[wid], idx_s)
    pltpu.sync_copy(dst_hbm.at[wid, pl.ds(0, IDXH)], idx_d)

    pltpu.async_copy(q_hbm.at[idx_s.at[0]], rows0, semg0)
    pltpu.async_copy(q_hbm.at[idx_s.at[1]], rows1, semg1)

    def zero_wait(t, _):
        pltpu.make_async_copy(zeros_hbm, agg_sh.at[pl.ds(base, 64)],
                              semz).wait()
        return 0

    lax.fori_loop(0, ROWS_PT // 64, zero_wait, 0)
    plsc.subcore_barrier()

    wide = q_hbm.shape[1] >= 64

    def body(i, _):
        j0 = i * 2
        jl0 = jnp.where(j0 < IDXH, j0, j0 - IDXH)

        @pl.when(j0 == IDXH)
        def _():
            pltpu.sync_copy(dst_hbm.at[wid, pl.ds(IDXH, IDXH)], idx_d)

        pltpu.make_async_copy(q_hbm.at[idx_s.at[j0]], rows0, semg0).wait()
        if wide:
            pltpu.sync_copy(rows0, agg_sh.at[idx_d.at[jl0]], add=True)

            @pl.when(j0 + 2 < NCHUNK)
            def _():
                pltpu.async_copy(q_hbm.at[idx_s.at[j0 + 2]], rows0, semg0)

            pltpu.make_async_copy(q_hbm.at[idx_s.at[j0 + 1]], rows1,
                                  semg1).wait()
            pltpu.sync_copy(rows1, agg_sh.at[idx_d.at[jl0 + 1]], add=True)

            @pl.when(j0 + 3 < NCHUNK)
            def _():
                pltpu.async_copy(q_hbm.at[idx_s.at[j0 + 3]], rows1, semg1)
        else:
            pltpu.async_copy(rows0, agg_sh.at[idx_d.at[jl0]], sems0,
                             add=True)
            pltpu.make_async_copy(q_hbm.at[idx_s.at[j0 + 1]], rows1,
                                  semg1).wait()
            pltpu.async_copy(rows1, agg_sh.at[idx_d.at[jl0 + 1]], sems1,
                             add=True)

            pltpu.make_async_copy(rows0, agg_sh.at[idx_d.at[jl0]],
                                  sems0).wait()

            @pl.when(j0 + 2 < NCHUNK)
            def _():
                pltpu.async_copy(q_hbm.at[idx_s.at[j0 + 2]], rows0, semg0)

            pltpu.make_async_copy(rows1, agg_sh.at[idx_d.at[jl0 + 1]],
                                  sems1).wait()

            @pl.when(j0 + 3 < NCHUNK)
            def _():
                pltpu.async_copy(q_hbm.at[idx_s.at[j0 + 3]], rows1, semg1)

        return 0

    lax.fori_loop(0, NCHUNK // 2, body, 0)

    plsc.subcore_barrier()
    pltpu.sync_copy(agg_sh.at[pl.ds(base, ROWS_PT)],
                    out_hbm.at[cid, pl.ds(base, ROWS_PT)])


def _degree_kernel(src_hbm, dst_hbm, zeros_hbm, out_hbm,
                   idx_s, idx_d, ones_lo, ones_hi, h_sh, semz, semd):
    cid = lax.axis_index("c")
    sid = lax.axis_index("s")
    wid = cid * NS + sid
    base = pl.multiple_of(sid * ROWS_PT, 8)

    lane = lax.iota(jnp.int32, 16)
    lo = jnp.where(lane < 8, 1.0, 0.0).astype(jnp.float32)
    hi = jnp.where(lane < 8, 0.0, 1.0).astype(jnp.float32)

    def fill_body(k, _):
        ones_lo[k] = lo
        ones_hi[k] = hi
        return 0

    lax.fori_loop(0, CHUNK, fill_body, 0)

    def zero_body(t, _):
        pltpu.async_copy(zeros_hbm, h_sh.at[pl.ds(base + t * 64, 64)], semz)
        return 0

    lax.fori_loop(0, ROWS_PT // 64, zero_body, 0)
    pltpu.sync_copy(src_hbm.at[wid, pl.ds(0, IDXH)], idx_s)
    pltpu.sync_copy(dst_hbm.at[wid, pl.ds(0, IDXH)], idx_d)

    def zero_wait(t, _):
        pltpu.make_async_copy(zeros_hbm, h_sh.at[pl.ds(base, 64)], semz).wait()
        return 0

    lax.fori_loop(0, ROWS_PT // 64, zero_wait, 0)
    plsc.subcore_barrier()

    GRP = 4

    for h in range(2):
        if h == 1:
            pltpu.sync_copy(src_hbm.at[wid, pl.ds(IDXH, IDXH)], idx_s)
            pltpu.sync_copy(dst_hbm.at[wid, pl.ds(IDXH, IDXH)], idx_d)

        def grp_body(g, _):
            for kk in range(GRP):
                jl = g * GRP + kk
                pltpu.async_copy(ones_lo, h_sh.at[idx_s.at[jl]], semd,
                                 add=True)
                pltpu.async_copy(ones_hi, h_sh.at[idx_d.at[jl]], semd,
                                 add=True)
            for kk in range(GRP):
                jl = g * GRP + kk
                pltpu.make_async_copy(ones_lo, h_sh.at[idx_s.at[jl]],
                                      semd).wait()
                pltpu.make_async_copy(ones_hi, h_sh.at[idx_d.at[jl]],
                                      semd).wait()
            return 0

        lax.fori_loop(0, IDXH // GRP, grp_body, 0)

    plsc.subcore_barrier()
    pltpu.sync_copy(h_sh.at[pl.ds(base, ROWS_PT)],
                    out_hbm.at[cid, pl.ds(base, ROWS_PT)])


def _degrees(src3, dst3):
    mesh = plsc.VectorSubcoreMesh(core_axis_name="c", subcore_axis_name="s")
    zeros = jnp.zeros((64, 16), jnp.float32)
    return pl.kernel(
        _degree_kernel,
        out_type=jax.ShapeDtypeStruct((NC, NP, 16), jnp.float32),
        mesh=mesh,
        scratch_types=[
            pltpu.VMEM((IDXH, CHUNK), jnp.int32),
            pltpu.VMEM((IDXH, CHUNK), jnp.int32),
            pltpu.VMEM((CHUNK, 16), jnp.float32),
            pltpu.VMEM((CHUNK, 16), jnp.float32),
            pltpu.VMEM_SHARED((NP, 16), jnp.float32),
            pltpu.SemaphoreType.DMA,
            pltpu.SemaphoreType.DMA,
        ],
        compiler_params=pltpu.CompilerParams(use_tc_tiling_on_sc=False),
    )(src3, dst3, zeros)


def _message_pass(q, src3, dst3, d):
    mesh = plsc.VectorSubcoreMesh(core_axis_name="c", subcore_axis_name="s")
    zeros = jnp.zeros((64, d), jnp.float32)
    return pl.kernel(
        _mp_kernel,
        out_type=jax.ShapeDtypeStruct((NC, NP, d), jnp.float32),
        mesh=mesh,
        scratch_types=[
            pltpu.VMEM((NCHUNK, CHUNK), jnp.int32),
            pltpu.VMEM((IDXH, CHUNK), jnp.int32),
            pltpu.VMEM((CHUNK, d), jnp.float32),
            pltpu.VMEM((CHUNK, d), jnp.float32),
            pltpu.VMEM_SHARED((NP, d), jnp.float32),
            pltpu.SemaphoreType.DMA,
            pltpu.SemaphoreType.DMA,
            pltpu.SemaphoreType.DMA,
            pltpu.SemaphoreType.DMA,
            pltpu.SemaphoreType.DMA,
        ],
        compiler_params=None if d % 128 == 0 else pltpu.CompilerParams(
            use_tc_tiling_on_sc=False),
    )(q, src3, dst3, zeros)


def _tc0_body(x_ref, w1_ref, y1_ref):
    y1_ref[...] = jnp.dot(x_ref[...], w1_ref[...],
                          preferred_element_type=jnp.float32)


def _tc0(x, w1):
    grid = (N // ROW_BLK,)
    return pl.pallas_call(
        _tc0_body,
        grid=grid,
        in_specs=[
            pl.BlockSpec((ROW_BLK, D_IN), lambda i: (i, 0)),
            pl.BlockSpec((D_IN, D_HID), lambda i: (0, 0)),
        ],
        out_specs=pl.BlockSpec((ROW_BLK, D_HID), lambda i: (i, 0)),
        out_shape=jax.ShapeDtypeStruct((N, D_HID), jnp.float32),
    )(x, w1)


def _tc1_body(h_ref, y1_ref, q1_ref, dsrc_ref, ddst_ref):
    deg_out = h_ref[0, :, 0:1] + h_ref[1, :, 0:1]
    deg_in = h_ref[0, :, 8:9] + h_ref[1, :, 8:9]
    dinv_s = lax.rsqrt(jnp.maximum(deg_out, 1.0))
    dinv_d = lax.rsqrt(jnp.maximum(deg_in, 1.0))
    q1_ref[...] = y1_ref[...] * dinv_s
    dsrc_ref[...] = dinv_s
    ddst_ref[...] = dinv_d


def _tc1(hist, y1):
    grid = (N // ROW_BLK,)
    return pl.pallas_call(
        _tc1_body,
        grid=grid,
        in_specs=[
            pl.BlockSpec((NC, ROW_BLK, 16), lambda i: (0, i, 0)),
            pl.BlockSpec((ROW_BLK, D_HID), lambda i: (i, 0)),
        ],
        out_specs=[
            pl.BlockSpec((ROW_BLK, D_HID), lambda i: (i, 0)),
            pl.BlockSpec((ROW_BLK, 1), lambda i: (i, 0)),
            pl.BlockSpec((ROW_BLK, 1), lambda i: (i, 0)),
        ],
        out_shape=[
            jax.ShapeDtypeStruct((N, D_HID), jnp.float32),
            jax.ShapeDtypeStruct((N, 1), jnp.float32),
            jax.ShapeDtypeStruct((N, 1), jnp.float32),
        ],
    )(hist, y1)


def _tc2_body(part_ref, ddst_ref, dsrc_ref, b1_ref, w2_ref, q2_ref):
    p = part_ref[0] + part_ref[1]
    h = jnp.maximum(p * ddst_ref[...] + b1_ref[...], 0.0)
    q2_ref[...] = jnp.dot(h * dsrc_ref[...], w2_ref[...],
                          preferred_element_type=jnp.float32)


def _tc2(parts, dinv_dst, dinv_src, b1, w2):
    grid = (N // ROW_BLK,)
    return pl.pallas_call(
        _tc2_body,
        grid=grid,
        in_specs=[
            pl.BlockSpec((NC, ROW_BLK, D_HID), lambda i: (0, i, 0)),
            pl.BlockSpec((ROW_BLK, 1), lambda i: (i, 0)),
            pl.BlockSpec((ROW_BLK, 1), lambda i: (i, 0)),
            pl.BlockSpec((1, D_HID), lambda i: (0, 0)),
            pl.BlockSpec((D_HID, N_CLASS), lambda i: (0, 0)),
        ],
        out_specs=pl.BlockSpec((ROW_BLK, N_CLASS), lambda i: (i, 0)),
        out_shape=jax.ShapeDtypeStruct((N, N_CLASS), jnp.float32),
    )(parts, dinv_dst, dinv_src, b1, w2)


def _tc3_body(part_ref, ddst_ref, b2_ref, out_ref):
    p = part_ref[0] + part_ref[1]
    out_ref[...] = p * ddst_ref[...] + b2_ref[...]


def _tc3(parts, dinv_dst, b2):
    grid = (N // ROW_BLK,)
    return pl.pallas_call(
        _tc3_body,
        grid=grid,
        in_specs=[
            pl.BlockSpec((NC, ROW_BLK, N_CLASS), lambda i: (0, i, 0)),
            pl.BlockSpec((ROW_BLK, 1), lambda i: (i, 0)),
            pl.BlockSpec((1, N_CLASS), lambda i: (0, 0)),
        ],
        out_specs=pl.BlockSpec((ROW_BLK, N_CLASS), lambda i: (i, 0)),
        out_shape=jax.ShapeDtypeStruct((N, N_CLASS), jnp.float32),
    )(parts, dinv_dst, b2)


def kernel(x, edge_index, W1, b1, W2, b2):
    src = edge_index[0]
    dst = edge_index[1]
    src3 = src.reshape(NW, NCHUNK, CHUNK)
    dst3 = dst.reshape(NW, NCHUNK, CHUNK)

    hist = _degrees(src3, dst3)
    y1 = _tc0(x, W1)

    q1, dinv_src, dinv_dst = _tc1(hist, y1)
    parts1 = _message_pass(q1, src3, dst3, D_HID)
    q2 = _tc2(parts1, dinv_dst, dinv_src, b1.reshape(1, D_HID), W2)
    parts2 = _message_pass(q2, src3, dst3, N_CLASS)
    out = _tc3(parts2, dinv_dst, b2.reshape(1, N_CLASS))
    return out

# --- scband reference (transcript-rebuilt; emitter-appended) ---
"""Pipeline reference for scband-gsr-finetune-75977971466892 (READ-ONLY COPY).

The authoritative reference and input builder live on the scoring server;
editing this copy changes nothing except your own understanding.
"""

import jax, jax.numpy as jnp
import numpy as np

N = 10000
E = 320000
D_IN = 128
D_HID = 128
N_CLASS = 40


def setup_inputs(seed: int = 0) -> dict:
    key = jax.random.key(seed)
    k1, k2, k3, k4, k5, k6 = jax.random.split(key, 6)
    x = jax.random.normal(k1, (N, D_IN), dtype=jnp.float32)
    edge_index = jax.random.randint(k2, (2, E), 0, N, dtype=jnp.int32)
    # GraphConv weights (Glorot-ish init)
    W1 = jax.random.normal(k3, (D_IN, D_HID), dtype=jnp.float32) / np.sqrt(D_IN)
    b1 = jnp.zeros((D_HID,), dtype=jnp.float32)
    W2 = jax.random.normal(k4, (D_HID, N_CLASS), dtype=jnp.float32) / np.sqrt(D_HID)
    b2 = jnp.zeros((N_CLASS,), dtype=jnp.float32)
    return {"x": x, "edge_index": edge_index, "W1": W1, "b1": b1, "W2": W2, "b2": b2}


def _gcn_layer(h, src, dst, dinv_src, dinv_dst, W, b):
    # DGL GraphConv with norm='both': D_dst^{-1/2} A D_src^{-1/2} X W + b
    h = h * dinv_src[:, None]
    msg = jnp.take(h, src, axis=0)
    agg = jnp.zeros((N, h.shape[1]), dtype=h.dtype).at[dst].add(msg)
    agg = agg * dinv_dst[:, None]
    return agg @ W + b


def reference(x, edge_index, W1, b1, W2, b2):
    src = edge_index[0]
    dst = edge_index[1]
    deg_out = jnp.bincount(src, length=N)
    deg_in = jnp.bincount(dst, length=N)
    dinv_src = jnp.power(jnp.clip(deg_out, 1, None).astype(jnp.float32), -0.5)
    dinv_dst = jnp.power(jnp.clip(deg_in, 1, None).astype(jnp.float32), -0.5)
    # TwoLayerGCN forward (eval mode: dropout is identity)
    h = _gcn_layer(x, src, dst, dinv_src, dinv_dst, W1, b1)
    h = jax.nn.relu(h)
    out = _gcn_layer(h, src, dst, dinv_src, dinv_dst, W2, b2)
    return out

if __name__ == "__main__":
    import jax
    _d = setup_inputs()
    print(jax.jit(kernel)(*tuple(_d.values())))

</pallas_src>

<mosaic_0001>
#map = affine_map<(d0, d1) -> (0, 0, 0)>
#map1 = affine_map<(d0, d1) -> (0, 0)>
module attributes {stable_mosaic.version = 14 : i64} {
  func.func @_degree_kernel(%arg0: i32, %arg1: i32, %arg2: memref<32x80x125xi32, #tpu.memory_space<hbm>>, %arg3: memref<32x80x125xi32, #tpu.memory_space<hbm>>, %arg4: memref<64x16xf32, #tpu.memory_space<hbm>>, %arg5: memref<2x10240x16xf32, #tpu.memory_space<hbm>>, %arg6: memref<40x125xi32, #tpu.memory_space<vmem>>, %arg7: memref<40x125xi32, #tpu.memory_space<vmem>>, %arg8: memref<125x16xf32, #tpu.memory_space<vmem>>, %arg9: memref<125x16xf32, #tpu.memory_space<vmem>>, %arg10: memref<10240x16xf32, #tpu.memory_space<vmem_shared>>, %arg11: memref<!tpu.dma_semaphore, #tpu.memory_space<semaphore_mem>>, %arg12: memref<!tpu.dma_semaphore, #tpu.memory_space<semaphore_mem>>) attributes {dimension_semantics = [#tpu.dimension_semantics<core_parallel>, #tpu.dimension_semantics<subcore_parallel>], iteration_bounds = array<i64: 2, 16>, scalar_prefetch = 0 : i64, scratch_operands = 7 : i64, tpu.core_type = #tpu.core_type<sc_vector_subcore>, window_params = [{transform_indices = #map}, {transform_indices = #map}, {transform_indices = #map1}, {transform_indices = #map}]} {
    %mul3A = arith.constant 16 : i32
    %mul3A_0 = arith.muli %arg0, %mul3A : i32
    %add3A = arith.addi %mul3A_0, %arg1 : i32
    %mul3A_1 = arith.constant 640 : i32
    %mul3A_2 = arith.muli %arg1, %mul3A_1 : i32
    %multiple_of3A = tpu.assume_multiple %mul3A_2, 8 : i32
    %iota3A = tpu.iota {dimensions = array<i32: 0>} : vector<16xi32>
    %lt3A = arith.constant 8 : i32
    %lt3A_3 = vector.broadcast %lt3A : i32 to vector<16xi32>
    %lt3A_4 = arith.cmpi slt, %iota3A, %lt3A_3 : vector<16xi32>
    %jit3A = arith.constant 1.000000e+00 : f32
    %jit3A_5 = arith.constant 0.000000e+00 : f32
    %broadcast_in_dim3A = vector.broadcast %jit3A : f32 to vector<16xf32>
    %broadcast_in_dim3A_6 = vector.broadcast %jit3A_5 : f32 to vector<16xf32>
    %select_n3A = arith.select %lt3A_4, %broadcast_in_dim3A, %broadcast_in_dim3A_6 : vector<16xi1>, vector<16xf32>
    %lt3A_7 = arith.constant 8 : i32
    %lt3A_8 = vector.broadcast %lt3A_7 : i32 to vector<16xi32>
    %lt3A_9 = arith.cmpi slt, %iota3A, %lt3A_8 : vector<16xi32>
    %jit3A_10 = arith.constant 0.000000e+00 : f32
    %jit3A_11 = arith.constant 1.000000e+00 : f32
    %broadcast_in_dim3A_12 = vector.broadcast %jit3A_10 : f32 to vector<16xf32>
    %broadcast_in_dim3A_13 = vector.broadcast %jit3A_11 : f32 to vector<16xf32>
    %select_n3A_14 = arith.select %lt3A_9, %broadcast_in_dim3A_12, %broadcast_in_dim3A_13 : vector<16xi1>, vector<16xf32>
    %scan3A = arith.constant 0 : i32
    %scan3A_15 = arith.constant 0 : i32
    %scan3A_16 = arith.constant 125 : i32
    %scan3A_17 = arith.addi %scan3A_15, %scan3A_16 : i32
    %scan3A_18 = arith.constant 1 : i32
    %scan3A_19 = scf.for %scan3A_50 = %scan3A_15 to %scan3A_17 step %scan3A_18 iter_args(%scan3A_51 = %scan3A) -> (i32)  : i32 {
      %swap3A = arith.index_cast %scan3A_50 : i32 to index
      %swap3A_52 = arith.constant 0 : index
      %swap3A_53 = tpu.vector_load %arg8[%swap3A, %swap3A_52] {strides = array<i32>} : memref<125x16xf32, #tpu.memory_space<vmem>>, vector<1x16xf32>,
      %swap3A_54 = vector.shape_cast %swap3A_53 : vector<1x16xf32> to vector<16xf32>
      %swap3A_55 = vector.shape_cast %select_n3A : vector<16xf32> to vector<1x16xf32>
      tpu.vector_store %arg8[%swap3A, %swap3A_52], %swap3A_55 {strides = array<i32>} : memref<125x16xf32, #tpu.memory_space<vmem>>, vector<1x16xf32>,
      %swap3A_56 = arith.index_cast %scan3A_50 : i32 to index
      %swap3A_57 = arith.constant 0 : index
      %swap3A_58 = tpu.vector_load %arg9[%swap3A_56, %swap3A_57] {strides = array<i32>} : memref<125x16xf32, #tpu.memory_space<vmem>>, vector<1x16xf32>,
      %swap3A_59 = vector.shape_cast %swap3A_58 : vector<1x16xf32> to vector<16xf32>
      %swap3A_60 = vector.shape_cast %select_n3A_14 : vector<16xf32> to vector<1x16xf32>
      tpu.vector_store %arg9[%swap3A_56, %swap3A_57], %swap3A_60 {strides = array<i32>} : memref<125x16xf32, #tpu.memory_space<vmem>>, vector<1x16xf32>,
      %scan3A_61 = arith.constant 0 : i32
      scf.yield %scan3A_61 : i32
    }
    %scan3A_20 = arith.constant 125 : i32
    %scan3A_21 = arith.constant 0 : i32
    %scan3A_22 = arith.constant 0 : i32
    %scan3A_23 = arith.constant 10 : i32
    %scan3A_24 = arith.addi %scan3A_22, %scan3A_23 : i32
    %scan3A_25 = arith.constant 1 : i32
    %scan3A_26 = scf.for %scan3A_50 = %scan3A_22 to %scan3A_24 step %scan3A_25 iter_args(%scan3A_51 = %scan3A_21) -> (i32)  : i32 {
      %mul3A_52 = arith.constant 64 : i32
      %mul3A_53 = arith.muli %scan3A_50, %mul3A_52 : i32
      %add3A_54 = arith.addi %multiple_of3A, %mul3A_53 : i32
      %dma_start3A = arith.constant 0 : i32
      %dma_start3A_55 = tpu.memref_slice %arg10[%add3A_54, %dma_start3A] : memref<10240x16xf32, #tpu.memory_space<vmem_shared>> -> memref<64x16xf32, #tpu.memory_space<vmem_shared>>
      tpu.enqueue_dma source(%arg4 : memref<64x16xf32, #tpu.memory_space<hbm>>) target(%dma_start3A_55 : memref<64x16xf32, #tpu.memory_space<vmem_shared>>) target_semaphore(%arg11 : memref<!tpu.dma_semaphore, #tpu.memory_space<semaphore_mem>>)
      %scan3A_56 = arith.constant 0 : i32
      scf.yield %scan3A_56 : i32
    }
    %scan3A_27 = arith.constant 10 : i32
    "tpu.region"() ({
      %run_scoped3A = tpu.sem_alloc : memref<!tpu.dma_semaphore, #tpu.memory_space<semaphore_mem>>
      %dma_start3A = arith.constant 0 : i32
      %dma_start3A_50 = arith.constant 0 : i32
      %dma_start3A_51 = tpu.memref_slice %arg2[%add3A, %dma_start3A, %dma_start3A_50] : memref<32x80x125xi32, #tpu.memory_space<hbm>> -> memref<1x40x125xi32, #tpu.memory_space<hbm>>
      %dma_start3A_52 = tpu.memref_squeeze %dma_start3A_51 : memref<1x40x125xi32, #tpu.memory_space<hbm>> -> memref<40x125xi32, #tpu.memory_space<hbm>>
      %dma_start3A_53 = arith.constant 0 : i32
      %dma_start3A_54 = arith.constant 0 : i32
      %dma_start3A_55 = tpu.memref_slice %arg2[%add3A, %dma_start3A_53, %dma_start3A_54] : memref<32x80x125xi32, #tpu.memory_space<hbm>> -> memref<1x40x125xi32, #tpu.memory_space<hbm>>
      %dma_start3A_56 = tpu.memref_squeeze %dma_start3A_55 : memref<1x40x125xi32, #tpu.memory_space<hbm>> -> memref<40x125xi32, #tpu.memory_space<hbm>>
      tpu.enqueue_dma source(%dma_start3A_56 : memref<40x125xi32, #tpu.memory_space<hbm>>) target(%arg6 : memref<40x125xi32, #tpu.memory_space<vmem>>) target_semaphore(%run_scoped3A : memref<!tpu.dma_semaphore, #tpu.memory_space<semaphore_mem>>)
      %dma_wait3A = arith.constant 0 : i32
      %dma_wait3A_57 = arith.constant 0 : i32
      %dma_wait3A_58 = tpu.memref_slice %arg2[%add3A, %dma_wait3A, %dma_wait3A_57] : memref<32x80x125xi32, #tpu.memory_space<hbm>> -> memref<1x40x125xi32, #tpu.memory_space<hbm>>
      %dma_wait3A_59 = tpu.memref_squeeze %dma_wait3A_58 : memref<1x40x125xi32, #tpu.memory_space<hbm>> -> memref<40x125xi32, #tpu.memory_space<hbm>>
      %dma_wait3A_60 = arith.constant 0 : i32
      %dma_wait3A_61 = arith.constant 0 : i32
      %dma_wait3A_62 = tpu.memref_slice %arg2[%add3A, %dma_wait3A_60, %dma_wait3A_61] : memref<32x80x125xi32, #tpu.memory_space<hbm>> -> memref<1x40x125xi32, #tpu.memory_space<hbm>>
      %dma_wait3A_63 = tpu.memref_squeeze %dma_wait3A_62 : memref<1x40x125xi32, #tpu.memory_space<hbm>> -> memref<40x125xi32, #tpu.memory_space<hbm>>
      tpu.wait_dma2 semaphore(%run_scoped3A : memref<!tpu.dma_semaphore, #tpu.memory_space<semaphore_mem>>) src(%dma_wait3A_63 : memref<40x125xi32, #tpu.memory_space<hbm>>) dst(%arg6 : memref<40x125xi32, #tpu.memory_space<vmem>>)
      tpu.yield
    }) : () -> ()
    "tpu.region"() ({
      %run_scoped3A = tpu.sem_alloc : memref<!tpu.dma_semaphore, #tpu.memory_space<semaphore_mem>>
      %dma_start3A = arith.constant 0 : i32
      %dma_start3A_50 = arith.constant 0 : i32
      %dma_start3A_51 = tpu.memref_slice %arg3[%add3A, %dma_start3A, %dma_start3A_50] : memref<32x80x125xi32, #tpu.memory_space<hbm>> -> memref<1x40x125xi32, #tpu.memory_space<hbm>>
      %dma_start3A_52 = tpu.memref_squeeze %dma_start3A_51 : memref<1x40x125xi32, #tpu.memory_space<hbm>> -> memref<40x125xi32, #tpu.memory_space<hbm>>
      %dma_start3A_53 = arith.constant 0 : i32
      %dma_start3A_54 = arith.constant 0 : i32
      %dma_start3A_55 = tpu.memref_slice %arg3[%add3A, %dma_start3A_53, %dma_start3A_54] : memref<32x80x125xi32, #tpu.memory_space<hbm>> -> memref<1x40x125xi32, #tpu.memory_space<hbm>>
      %dma_start3A_56 = tpu.memref_squeeze %dma_start3A_55 : memref<1x40x125xi32, #tpu.memory_space<hbm>> -> memref<40x125xi32, #tpu.memory_space<hbm>>
      tpu.enqueue_dma source(%dma_start3A_56 : memref<40x125xi32, #tpu.memory_space<hbm>>) target(%arg7 : memref<40x125xi32, #tpu.memory_space<vmem>>) target_semaphore(%run_scoped3A : memref<!tpu.dma_semaphore, #tpu.memory_space<semaphore_mem>>)
      %dma_wait3A = arith.constant 0 : i32
      %dma_wait3A_57 = arith.constant 0 : i32
      %dma_wait3A_58 = tpu.memref_slice %arg3[%add3A, %dma_wait3A, %dma_wait3A_57] : memref<32x80x125xi32, #tpu.memory_space<hbm>> -> memref<1x40x125xi32, #tpu.memory_space<hbm>>
      %dma_wait3A_59 = tpu.memref_squeeze %dma_wait3A_58 : memref<1x40x125xi32, #tpu.memory_space<hbm>> -> memref<40x125xi32, #tpu.memory_space<hbm>>
      %dma_wait3A_60 = arith.constant 0 : i32
      %dma_wait3A_61 = arith.constant 0 : i32
      %dma_wait3A_62 = tpu.memref_slice %arg3[%add3A, %dma_wait3A_60, %dma_wait3A_61] : memref<32x80x125xi32, #tpu.memory_space<hbm>> -> memref<1x40x125xi32, #tpu.memory_space<hbm>>
      %dma_wait3A_63 = tpu.memref_squeeze %dma_wait3A_62 : memref<1x40x125xi32, #tpu.memory_space<hbm>> -> memref<40x125xi32, #tpu.memory_space<hbm>>
      tpu.wait_dma2 semaphore(%run_scoped3A : memref<!tpu.dma_semaphore, #tpu.memory_space<semaphore_mem>>) src(%dma_wait3A_63 : memref<40x125xi32, #tpu.memory_space<hbm>>) dst(%arg7 : memref<40x125xi32, #tpu.memory_space<vmem>>)
      tpu.yield
    }) : () -> ()
    %scan3A_28 = arith.constant 0 : i32
    %scan3A_29 = arith.constant 0 : i32
    %scan3A_30 = arith.constant 10 : i32
    %scan3A_31 = arith.addi %scan3A_29, %scan3A_30 : i32
    %scan3A_32 = arith.constant 1 : i32
    %scan3A_33 = scf.for %scan3A_50 = %scan3A_29 to %scan3A_31 step %scan3A_32 iter_args(%scan3A_51 = %scan3A_28) -> (i32)  : i32 {
      %dma_wait3A = arith.constant 0 : i32
      %dma_wait3A_52 = tpu.memref_slice %arg10[%multiple_of3A, %dma_wait3A] : memref<10240x16xf32, #tpu.memory_space<vmem_shared>> -> memref<64x16xf32, #tpu.memory_space<vmem_shared>>
      tpu.wait_dma2 semaphore(%arg11 : memref<!tpu.dma_semaphore, #tpu.memory_space<semaphore_mem>>) src(%arg4 : memref<64x16xf32, #tpu.memory_space<hbm>>) dst(%dma_wait3A_52 : memref<64x16xf32, #tpu.memory_space<vmem_shared>>)
      %scan3A_53 = arith.constant 0 : i32
      scf.yield %scan3A_53 : i32
    }
    %scan3A_34 = arith.constant 10 : i32
    %barrier3A = arith.constant 0 : index
    tpu.barrier barrier_id(%barrier3A)
    %scan3A_35 = arith.constant 0 : i32
    %scan3A_36 = arith.constant 0 : i32
    %scan3A_37 = arith.constant 10 : i32
    %scan3A_38 = arith.addi %scan3A_36, %scan3A_37 : i32
    %scan3A_39 = arith.constant 1 : i32
    %scan3A_40 = scf.for %scan3A_50 = %scan3A_36 to %scan3A_38 step %scan3A_39 iter_args(%scan3A_51 = %scan3A_35) -> (i32)  : i32 {
      %mul3A_52 = arith.constant 4 : i32
      %mul3A_53 = arith.muli %scan3A_50, %mul3A_52 : i32
      %add3A_54 = arith.constant 0 : i32
      %add3A_55 = arith.addi %mul3A_53, %add3A_54 : i32
      %dma_start3A = arith.constant 0 : i32
      %dma_start3A_56 = tpu.memref_slice %arg6[%add3A_55, %dma_start3A] : memref<40x125xi32, #tpu.memory_space<vmem>> -> memref<1x125xi32, #tpu.memory_space<vmem>>
      %dma_start3A_57 = tpu.memref_squeeze %dma_start3A_56 : memref<1x125xi32, #tpu.memory_space<vmem>> -> memref<125xi32, #tpu.memory_space<vmem>>
      %dma_start3A_58 = arith.constant 0 : i32
      %dma_start3A_59 = arith.constant 0 : i32
      %dma_start3A_60 = tpu.memref_slice %arg10[%dma_start3A_58, %dma_start3A_59] : memref<10240x16xf32, #tpu.memory_space<vmem_shared>> -> memref<10240x16xf32, #tpu.memory_space<vmem_shared>>
      tpu.enqueue_indirect_dma source(%arg8 : memref<125x16xf32, #tpu.memory_space<vmem>>) target(%dma_start3A_60 : memref<10240x16xf32, #tpu.memory_space<vmem_shared>>) offsets(%dma_start3A_57 : memref<125xi32, #tpu.memory_space<vmem>>) semaphore(%arg12 : memref<!tpu.dma_semaphore, #tpu.memory_space<semaphore_mem>>) {add = true}
      %dma_start3A_61 = arith.constant 0 : i32
      %dma_start3A_62 = tpu.memref_slice %arg7[%add3A_55, %dma_start3A_61] : memref<40x125xi32, #tpu.memory_space<vmem>> -> memref<1x125xi32, #tpu.memory_space<vmem>>
      %dma_start3A_63 = tpu.memref_squeeze %dma_start3A_62 : memref<1x125xi32, #tpu.memory_space<vmem>> -> memref<125xi32, #tpu.memory_space<vmem>>
      %dma_start3A_64 = arith.constant 0 : i32
      %dma_start3A_65 = arith.constant 0 : i32
      %dma_start3A_66 = tpu.memref_slice %arg10[%dma_start3A_64, %dma_start3A_65] : memref<10240x16xf32, #tpu.memory_space<vmem_shared>> -> memref<10240x16xf32, #tpu.memory_space<vmem_shared>>
      tpu.enqueue_indirect_dma source(%arg9 : memref<125x16xf32, #tpu.memory_space<vmem>>) target(%dma_start3A_66 : memref<10240x16xf32, #tpu.memory_space<vmem_shared>>) offsets(%dma_start3A_63 : memref<125xi32, #tpu.memory_space<vmem>>) semaphore(%arg12 : memref<!tpu.dma_semaphore, #tpu.memory_space<semaphore_mem>>) {add = true}
      %mul3A_67 = arith.constant 4 : i32
      %mul3A_68 = arith.muli %scan3A_50, %mul3A_67 : i32
      %add3A_69 = arith.constant 1 : i32
      %add3A_70 = arith.addi %mul3A_68, %add3A_69 : i32
      %dma_start3A_71 = arith.constant 0 : i32
      %dma_start3A_72 = tpu.memref_slice %arg6[%add3A_70, %dma_start3A_71] : memref<40x125xi32, #tpu.memory_space<vmem>> -> memref<1x125xi32, #tpu.memory_space<vmem>>
      %dma_start3A_73 = tpu.memref_squeeze %dma_start3A_72 : memref<1x125xi32, #tpu.memory_space<vmem>> -> memref<125xi32, #tpu.memory_space<vmem>>
      %dma_start3A_74 = arith.constant 0 : i32
      %dma_start3A_75 = arith.constant 0 : i32
      %dma_start3A_76 = tpu.memref_slice %arg10[%dma_start3A_74, %dma_start3A_75] : memref<10240x16xf32, #tpu.memory_space<vmem_shared>> -> memref<10240x16xf32, #tpu.memory_space<vmem_shared>>
      tpu.enqueue_indirect_dma source(%arg8 : memref<125x16xf32, #tpu.memory_space<vmem>>) target(%dma_start3A_76 : memref<10240x16xf32, #tpu.memory_space<vmem_shared>>) offsets(%dma_start3A_73 : memref<125xi32, #tpu.memory_space<vmem>>) semaphore(%arg12 : memref<!tpu.dma_semaphore, #tpu.memory_space<semaphore_mem>>) {add = true}
      %dma_start3A_77 = arith.constant 0 : i32
      %dma_start3A_78 = tpu.memref_slice %arg7[%add3A_70, %dma_start3A_77] : memref<40x125xi32, #tpu.memory_space<vmem>> -> memref<1x125xi32, #tpu.memory_space<vmem>>
      %dma_start3A_79 = tpu.memref_squeeze %dma_start3A_78 : memref<1x125xi32, #tpu.memory_space<vmem>> -> memref<125xi32, #tpu.memory_space<vmem>>
      %dma_start3A_80 = arith.constant 0 : i32
      %dma_start3A_81 = arith.constant 0 : i32
      %dma_start3A_82 = tpu.memref_slice %arg10[%dma_start3A_80, %dma_start3A_81] : memref<10240x16xf32, #tpu.memory_space<vmem_shared>> -> memref<10240x16xf32, #tpu.memory_space<vmem_shared>>
      tpu.enqueue_indirect_dma source(%arg9 : memref<125x16xf32, #tpu.memory_space<vmem>>) target(%dma_start3A_82 : memref<10240x16xf32, #tpu.memory_space<vmem_shared>>) offsets(%dma_start3A_79 : memref<125xi32, #tpu.memory_space<vmem>>) semaphore(%arg12 : memref<!tpu.dma_semaphore, #tpu.memory_space<semaphore_mem>>) {add = true}
      %mul3A_83 = arith.constant 4 : i32
      %mul3A_84 = arith.muli %scan3A_50, %mul3A_83 : i32
      %add3A_85 = arith.constant 2 : i32
      %add3A_86 = arith.addi %mul3A_84, %add3A_85 : i32
      %dma_start3A_87 = arith.constant 0 : i32
      %dma_start3A_88 = tpu.memref_slice %arg6[%add3A_86, %dma_start3A_87] : memref<40x125xi32, #tpu.memory_space<vmem>> -> memref<1x125xi32, #tpu.memory_space<vmem>>
      %dma_start3A_89 = tpu.memref_squeeze %dma_start3A_88 : memref<1x125xi32, #tpu.memory_space<vmem>> -> memref<125xi32, #tpu.memory_space<vmem>>
      %dma_start3A_90 = arith.constant 0 : i32
      %dma_start3A_91 = arith.constant 0 : i32
      %dma_start3A_92 = tpu.memref_slice %arg10[%dma_start3A_90, %dma_start3A_91] : memref<10240x16xf32, #tpu.memory_space<vmem_shared>> -> memref<10240x16xf32, #tpu.memory_space<vmem_shared>>
      tpu.enqueue_indirect_dma source(%arg8 : memref<125x16xf32, #tpu.memory_space<vmem>>) target(%dma_start3A_92 : memref<10240x16xf32, #tpu.memory_space<vmem_shared>>) offsets(%dma_start3A_89 : memref<125xi32, #tpu.memory_space<vmem>>) semaphore(%arg12 : memref<!tpu.dma_semaphore, #tpu.memory_space<semaphore_mem>>) {add = true}
      %dma_start3A_93 = arith.constant 0 : i32
      %dma_start3A_94 = tpu.memref_slice %arg7[%add3A_86, %dma_start3A_93] : memref<40x125xi32, #tpu.memory_space<vmem>> -> memref<1x125xi32, #tpu.memory_space<vmem>>
      %dma_start3A_95 = tpu.memref_squeeze %dma_start3A_94 : memref<1x125xi32, #tpu.memory_space<vmem>> -> memref<125xi32, #tpu.memory_space<vmem>>
      %dma_start3A_96 = arith.constant 0 : i32
      %dma_start3A_97 = arith.constant 0 : i32
      %dma_start3A_98 = tpu.memref_slice %arg10[%dma_start3A_96, %dma_start3A_97] : memref<10240x16xf32, #tpu.memory_space<vmem_shared>> -> memref<10240x16xf32, #tpu.memory_space<vmem_shared>>
      tpu.enqueue_indirect_dma source(%arg9 : memref<125x16xf32, #tpu.memory_space<vmem>>) target(%dma_start3A_98 : memref<10240x16xf32, #tpu.memory_space<vmem_shared>>) offsets(%dma_start3A_95 : memref<125xi32, #tpu.memory_space<vmem>>) semaphore(%arg12 : memref<!tpu.dma_semaphore, #tpu.memory_space<semaphore_mem>>) {add = true}
      %mul3A_99 = arith.constant 4 : i32
      %mul3A_100 = arith.muli %scan3A_50, %mul3A_99 : i32
      %add3A_101 = arith.constant 3 : i32
      %add3A_102 = arith.addi %mul3A_100, %add3A_101 : i32
      %dma_start3A_103 = arith.constant 0 : i32
      %dma_start3A_104 = tpu.memref_slice %arg6[%add3A_102, %dma_start3A_103] : memref<40x125xi32, #tpu.memory_space<vmem>> -> memref<1x125xi32, #tpu.memory_space<vmem>>
      %dma_start3A_105 = tpu.memref_squeeze %dma_start3A_104 : memref<1x125xi32, #tpu.memory_space<vmem>> -> memref<125xi32, #tpu.memory_space<vmem>>
      %dma_start3A_106 = arith.constant 0 : i32
      %dma_start3A_107 = arith.constant 0 : i32
      %dma_start3A_108 = tpu.memref_slice %arg10[%dma_start3A_106, %dma_start3A_107] : memref<10240x16xf32, #tpu.memory_space<vmem_shared>> -> memref<10240x16xf32, #tpu.memory_space<vmem_shared>>
      tpu.enqueue_indirect_dma source(%arg8 : memref<125x16xf32, #tpu.memory_space<vmem>>) target(%dma_start3A_108 : memref<10240x16xf32, #tpu.memory_space<vmem_shared>>) offsets(%dma_start3A_105 : memref<125xi32, #tpu.memory_space<vmem>>) semaphore(%arg12 : memref<!tpu.dma_semaphore, #tpu.memory_space<semaphore_mem>>) {add = true}
      %dma_start3A_109 = arith.constant 0 : i32
      %dma_start3A_110 = tpu.memref_slice %arg7[%add3A_102, %dma_start3A_109] : memref<40x125xi32, #tpu.memory_space<vmem>> -> memref<1x125xi32, #tpu.memory_space<vmem>>
      %dma_start3A_111 = tpu.memref_squeeze %dma_start3A_110 : memref<1x125xi32, #tpu.memory_space<vmem>> -> memref<125xi32, #tpu.memory_space<vmem>>
      %dma_start3A_112 = arith.constant 0 : i32
      %dma_start3A_113 = arith.constant 0 : i32
      %dma_start3A_114 = tpu.memref_slice %arg10[%dma_start3A_112, %dma_start3A_113] : memref<10240x16xf32, #tpu.memory_space<vmem_shared>> -> memref<10240x16xf32, #tpu.memory_space<vmem_shared>>
      tpu.enqueue_indirect_dma source(%arg9 : memref<125x16xf32, #tpu.memory_space<vmem>>) target(%dma_start3A_114 : memref<10240x16xf32, #tpu.memory_space<vmem_shared>>) offsets(%dma_start3A_111 : memref<125xi32, #tpu.memory_space<vmem>>) semaphore(%arg12 : memref<!tpu.dma_semaphore, #tpu.memory_space<semaphore_mem>>) {add = true}
      %mul3A_115 = arith.constant 4 : i32
      %mul3A_116 = arith.muli %scan3A_50, %mul3A_115 : i32
      %add3A_117 = arith.constant 0 : i32
      %add3A_118 = arith.addi %mul3A_116, %add3A_117 : i32
      %dma_wait3A = arith.constant 0 : i32
      %dma_wait3A_119 = tpu.memref_slice %arg6[%add3A_118, %dma_wait3A] : memref<40x125xi32, #tpu.memory_space<vmem>> -> memref<1x125xi32, #tpu.memory_space<vmem>>
      %dma_wait3A_120 = tpu.memref_squeeze %dma_wait3A_119 : memref<1x125xi32, #tpu.memory_space<vmem>> -> memref<125xi32, #tpu.memory_space<vmem>>
      %dma_wait3A_121 = arith.constant 0 : i32
      %dma_wait3A_122 = arith.constant 0 : i32
      %dma_wait3A_123 = tpu.memref_slice %arg10[%dma_wait3A_121, %dma_wait3A_122] : memref<10240x16xf32, #tpu.memory_space<vmem_shared>> -> memref<10240x16xf32, #tpu.memory_space<vmem_shared>>
      tpu.wait_indirect_dma semaphore(%arg12 : memref<!tpu.dma_semaphore, #tpu.memory_space<semaphore_mem>>) src(%arg8 : memref<125x16xf32, #tpu.memory_space<vmem>>) dst(%dma_wait3A_123 : memref<10240x16xf32, #tpu.memory_space<vmem_shared>>)
      %dma_wait3A_124 = arith.constant 0 : i32
      %dma_wait3A_125 = tpu.memref_slice %arg7[%add3A_118, %dma_wait3A_124] : memref<40x125xi32, #tpu.memory_space<vmem>> -> memref<1x125xi32, #tpu.memory_space<vmem>>
      %dma_wait3A_126 = tpu.memref_squeeze %dma_wait3A_125 : memref<1x125xi32, #tpu.memory_space<vmem>> -> memref<125xi32, #tpu.memory_space<vmem>>
      %dma_wait3A_127 = arith.constant 0 : i32
      %dma_wait3A_128 = arith.constant 0 : i32
      %dma_wait3A_129 = tpu.memref_slice %arg10[%dma_wait3A_127, %dma_wait3A_128] : memref<10240x16xf32, #tpu.memory_space<vmem_shared>> -> memref<10240x16xf32, #tpu.memory_space<vmem_shared>>
      tpu.wait_indirect_dma semaphore(%arg12 : memref<!tpu.dma_semaphore, #tpu.memory_space<semaphore_mem>>) src(%arg9 : memref<125x16xf32, #tpu.memory_space<vmem>>) dst(%dma_wait3A_129 : memref<10240x16xf32, #tpu.memory_space<vmem_shared>>)
      %mul3A_130 = arith.constant 4 : i32
      %mul3A_131 = arith.muli %scan3A_50, %mul3A_130 : i32
      %add3A_132 = arith.constant 1 : i32
      %add3A_133 = arith.addi %mul3A_131, %add3A_132 : i32
      %dma_wait3A_134 = arith.constant 0 : i32
      %dma_wait3A_135 = tpu.memref_slice %arg6[%add3A_133, %dma_wait3A_134] : memref<40x125xi32, #tpu.memory_space<vmem>> -> memref<1x125xi32, #tpu.memory_space<vmem>>
      %dma_wait3A_136 = tpu.memref_squeeze %dma_wait3A_135 : memref<1x125xi32, #tpu.memory_space<vmem>> -> memref<125xi32, #tpu.memory_space<vmem>>
      %dma_wait3A_137 = arith.constant 0 : i32
      %dma_wait3A_138 = arith.constant 0 : i32
      %dma_wait3A_139 = tpu.memref_slice %arg10[%dma_wait3A_137, %dma_wait3A_138] : memref<10240x16xf32, #tpu.memory_space<vmem_shared>> -> memref<10240x16xf32, #tpu.memory_space<vmem_shared>>
      tpu.wait_indirect_dma semaphore(%arg12 : memref<!tpu.dma_semaphore, #tpu.memory_space<semaphore_mem>>) src(%arg8 : memref<125x16xf32, #tpu.memory_space<vmem>>) dst(%dma_wait3A_139 : memref<10240x16xf32, #tpu.memory_space<vmem_shared>>)
      %dma_wait3A_140 = arith.constant 0 : i32
      %dma_wait3A_141 = tpu.memref_slice %arg7[%add3A_133, %dma_wait3A_140] : memref<40x125xi32, #tpu.memory_space<vmem>> -> memref<1x125xi32, #tpu.memory_space<vmem>>
      %dma_wait3A_142 = tpu.memref_squeeze %dma_wait3A_141 : memref<1x125xi32, #tpu.memory_space<vmem>> -> memref<125xi32, #tpu.memory_space<vmem>>
      %dma_wait3A_143 = arith.constant 0 : i32
      %dma_wait3A_144 = arith.constant 0 : i32
      %dma_wait3A_145 = tpu.memref_slice %arg10[%dma_wait3A_143, %dma_wait3A_144] : memref<10240x16xf32, #tpu.memory_space<vmem_shared>> -> memref<10240x16xf32, #tpu.memory_space<vmem_shared>>
      tpu.wait_indirect_dma semaphore(%arg12 : memref<!tpu.dma_semaphore, #tpu.memory_space<semaphore_mem>>) src(%arg9 : memref<125x16xf32, #tpu.memory_space<vmem>>) dst(%dma_wait3A_145 : memref<10240x16xf32, #tpu.memory_space<vmem_shared>>)
      %mul3A_146 = arith.constant 4 : i32
      %mul3A_147 = arith.muli %scan3A_50, %mul3A_146 : i32
      %add3A_148 = arith.constant 2 : i32
      %add3A_149 = arith.addi %mul3A_147, %add3A_148 : i32
      %dma_wait3A_150 = arith.constant 0 : i32
      %dma_wait3A_151 = tpu.memref_slice %arg6[%add3A_149, %dma_wait3A_150] : memref<40x125xi32, #tpu.memory_space<vmem>> -> memref<1x125xi32, #tpu.memory_space<vmem>>
      %dma_wait3A_152 = tpu.memref_squeeze %dma_wait3A_151 : memref<1x125xi32, #tpu.memory_space<vmem>> -> memref<125xi32, #tpu.memory_space<vmem>>
      %dma_wait3A_153 = arith.constant 0 : i32
      %dma_wait3A_154 = arith.constant 0 : i32
      %dma_wait3A_155 = tpu.memref_slice %arg10[%dma_wait3A_153, %dma_wait3A_154] : memref<10240x16xf32, #tpu.memory_space<vmem_shared>> -> memref<10240x16xf32, #tpu.memory_space<vmem_shared>>
      tpu.wait_indirect_dma semaphore(%arg12 : memref<!tpu.dma_semaphore, #tpu.memory_space<semaphore_mem>>) src(%arg8 : memref<125x16xf32, #tpu.memory_space<vmem>>) dst(%dma_wait3A_155 : memref<10240x16xf32, #tpu.memory_space<vmem_shared>>)
      %dma_wait3A_156 = arith.constant 0 : i32
      %dma_wait3A_157 = tpu.memref_slice %arg7[%add3A_149, %dma_wait3A_156] : memref<40x125xi32, #tpu.memory_space<vmem>> -> memref<1x125xi32, #tpu.memory_space<vmem>>
      %dma_wait3A_158 = tpu.memref_squeeze %dma_wait3A_157 : memref<1x125xi32, #tpu.memory_space<vmem>> -> memref<125xi32, #tpu.memory_space<vmem>>
      %dma_wait3A_159 = arith.constant 0 : i32
      %dma_wait3A_160 = arith.constant 0 : i32
      %dma_wait3A_161 = tpu.memref_slice %arg10[%dma_wait3A_159, %dma_wait3A_160] : memref<10240x16xf32, #tpu.memory_space<vmem_shared>> -> memref<10240x16xf32, #tpu.memory_space<vmem_shared>>
      tpu.wait_indirect_dma semaphore(%arg12 : memref<!tpu.dma_semaphore, #tpu.memory_space<semaphore_mem>>) src(%arg9 : memref<125x16xf32, #tpu.memory_space<vmem>>) dst(%dma_wait3A_161 : memref<10240x16xf32, #tpu.memory_space<vmem_shared>>)
      %mul3A_162 = arith.constant 4 : i32
      %mul3A_163 = arith.muli %scan3A_50, %mul3A_162 : i32
      %add3A_164 = arith.constant 3 : i32
      %add3A_165 = arith.addi %mul3A_163, %add3A_164 : i32
      %dma_wait3A_166 = arith.constant 0 : i32
      %dma_wait3A_167 = tpu.memref_slice %arg6[%add3A_165, %dma_wait3A_166] : memref<40x125xi32, #tpu.memory_space<vmem>> -> memref<1x125xi32, #tpu.memory_space<vmem>>
      %dma_wait3A_168 = tpu.memref_squeeze %dma_wait3A_167 : memref<1x125xi32, #tpu.memory_space<vmem>> -> memref<125xi32, #tpu.memory_space<vmem>>
      %dma_wait3A_169 = arith.constant 0 : i32
      %dma_wait3A_170 = arith.constant 0 : i32
      %dma_wait3A_171 = tpu.memref_slice %arg10[%dma_wait3A_169, %dma_wait3A_170] : memref<10240x16xf32, #tpu.memory_space<vmem_shared>> -> memref<10240x16xf32, #tpu.memory_space<vmem_shared>>
      tpu.wait_indirect_dma semaphore(%arg12 : memref<!tpu.dma_semaphore, #tpu.memory_space<semaphore_mem>>) src(%arg8 : memref<125x16xf32, #tpu.memory_space<vmem>>) dst(%dma_wait3A_171 : memref<10240x16xf32, #tpu.memory_space<vmem_shared>>)
      %dma_wait3A_172 = arith.constant 0 : i32
      %dma_wait3A_173 = tpu.memref_slice %arg7[%add3A_165, %dma_wait3A_172] : memref<40x125xi32, #tpu.memory_space<vmem>> -> memref<1x125xi32, #tpu.memory_space<vmem>>
      %dma_wait3A_174 = tpu.memref_squeeze %dma_wait3A_173 : memref<1x125xi32, #tpu.memory_space<vmem>> -> memref<125xi32, #tpu.memory_space<vmem>>
      %dma_wait3A_175 = arith.constant 0 : i32
      %dma_wait3A_176 = arith.constant 0 : i32
      %dma_wait3A_177 = tpu.memref_slice %arg10[%dma_wait3A_175, %dma_wait3A_176] : memref<10240x16xf32, #tpu.memory_space<vmem_shared>> -> memref<10240x16xf32, #tpu.memory_space<vmem_shared>>
      tpu.wait_indirect_dma semaphore(%arg12 : memref<!tpu.dma_semaphore, #tpu.memory_space<semaphore_mem>>) src(%arg9 : memref<125x16xf32, #tpu.memory_space<vmem>>) dst(%dma_wait3A_177 : memref<10240x16xf32, #tpu.memory_space<vmem_shared>>)
      %scan3A_178 = arith.constant 0 : i32
      scf.yield %scan3A_178 : i32
    }
    %scan3A_41 = arith.constant 10 : i32
    "tpu.region"() ({
      %run_scoped3A = tpu.sem_alloc : memref<!tpu.dma_semaphore, #tpu.memory_space<semaphore_mem>>
      %dma_start3A = arith.constant 40 : i32
      %dma_start3A_50 = arith.constant 0 : i32
      %dma_start3A_51 = tpu.memref_slice %arg2[%add3A, %dma_start3A, %dma_start3A_50] : memref<32x80x125xi32, #tpu.memory_space<hbm>> -> memref<1x40x125xi32, #tpu.memory_space<hbm>>
      %dma_start3A_52 = tpu.memref_squeeze %dma_start3A_51 : memref<1x40x125xi32, #tpu.memory_space<hbm>> -> memref<40x125xi32, #tpu.memory_space<hbm>>
      %dma_start3A_53 = arith.constant 40 : i32
      %dma_start3A_54 = arith.constant 0 : i32
      %dma_start3A_55 = tpu.memref_slice %arg2[%add3A, %dma_start3A_53, %dma_start3A_54] : memref<32x80x125xi32, #tpu.memory_space<hbm>> -> memref<1x40x125xi32, #tpu.memory_space<hbm>>
      %dma_start3A_56 = tpu.memref_squeeze %dma_start3A_55 : memref<1x40x125xi32, #tpu.memory_space<hbm>> -> memref<40x125xi32, #tpu.memory_space<hbm>>
      tpu.enqueue_dma source(%dma_start3A_56 : memref<40x125xi32, #tpu.memory_space<hbm>>) target(%arg6 : memref<40x125xi32, #tpu.memory_space<vmem>>) target_semaphore(%run_scoped3A : memref<!tpu.dma_semaphore, #tpu.memory_space<semaphore_mem>>)
      %dma_wait3A = arith.constant 40 : i32
      %dma_wait3A_57 = arith.constant 0 : i32
      %dma_wait3A_58 = tpu.memref_slice %arg2[%add3A, %dma_wait3A, %dma_wait3A_57] : memref<32x80x125xi32, #tpu.memory_space<hbm>> -> memref<1x40x125xi32, #tpu.memory_space<hbm>>
      %dma_wait3A_59 = tpu.memref_squeeze %dma_wait3A_58 : memref<1x40x125xi32, #tpu.memory_space<hbm>> -> memref<40x125xi32, #tpu.memory_space<hbm>>
      %dma_wait3A_60 = arith.constant 40 : i32
      %dma_wait3A_61 = arith.constant 0 : i32
      %dma_wait3A_62 = tpu.memref_slice %arg2[%add3A, %dma_wait3A_60, %dma_wait3A_61] : memref<32x80x125xi32, #tpu.memory_space<hbm>> -> memref<1x40x125xi32, #tpu.memory_space<hbm>>
      %dma_wait3A_63 = tpu.memref_squeeze %dma_wait3A_62 : memref<1x40x125xi32, #tpu.memory_space<hbm>> -> memref<40x125xi32, #tpu.memory_space<hbm>>
      tpu.wait_dma2 semaphore(%run_scoped3A : memref<!tpu.dma_semaphore, #tpu.memory_space<semaphore_mem>>) src(%dma_wait3A_63 : memref<40x125xi32, #tpu.memory_space<hbm>>) dst(%arg6 : memref<40x125xi32, #tpu.memory_space<vmem>>)
      tpu.yield
    }) : () -> ()
    "tpu.region"() ({
      %run_scoped3A = tpu.sem_alloc : memref<!tpu.dma_semaphore, #tpu.memory_space<semaphore_mem>>
      %dma_start3A = arith.constant 40 : i32
      %dma_start3A_50 = arith.constant 0 : i32
      %dma_start3A_51 = tpu.memref_slice %arg3[%add3A, %dma_start3A, %dma_start3A_50] : memref<32x80x125xi32, #tpu.memory_space<hbm>> -> memref<1x40x125xi32, #tpu.memory_space<hbm>>
      %dma_start3A_52 = tpu.memref_squeeze %dma_start3A_51 : memref<1x40x125xi32, #tpu.memory_space<hbm>> -> memref<40x125xi32, #tpu.memory_space<hbm>>
      %dma_start3A_53 = arith.constant 40 : i32
      %dma_start3A_54 = arith.constant 0 : i32
      %dma_start3A_55 = tpu.memref_slice %arg3[%add3A, %dma_start3A_53, %dma_start3A_54] : memref<32x80x125xi32, #tpu.memory_space<hbm>> -> memref<1x40x125xi32, #tpu.memory_space<hbm>>
      %dma_start3A_56 = tpu.memref_squeeze %dma_start3A_55 : memref<1x40x125xi32, #tpu.memory_space<hbm>> -> memref<40x125xi32, #tpu.memory_space<hbm>>
      tpu.enqueue_dma source(%dma_start3A_56 : memref<40x125xi32, #tpu.memory_space<hbm>>) target(%arg7 : memref<40x125xi32, #tpu.memory_space<vmem>>) target_semaphore(%run_scoped3A : memref<!tpu.dma_semaphore, #tpu.memory_space<semaphore_mem>>)
      %dma_wait3A = arith.constant 40 : i32
      %dma_wait3A_57 = arith.constant 0 : i32
      %dma_wait3A_58 = tpu.memref_slice %arg3[%add3A, %dma_wait3A, %dma_wait3A_57] : memref<32x80x125xi32, #tpu.memory_space<hbm>> -> memref<1x40x125xi32, #tpu.memory_space<hbm>>
      %dma_wait3A_59 = tpu.memref_squeeze %dma_wait3A_58 : memref<1x40x125xi32, #tpu.memory_space<hbm>> -> memref<40x125xi32, #tpu.memory_space<hbm>>
      %dma_wait3A_60 = arith.constant 40 : i32
      %dma_wait3A_61 = arith.constant 0 : i32
      %dma_wait3A_62 = tpu.memref_slice %arg3[%add3A, %dma_wait3A_60, %dma_wait3A_61] : memref<32x80x125xi32, #tpu.memory_space<hbm>> -> memref<1x40x125xi32, #tpu.memory_space<hbm>>
      %dma_wait3A_63 = tpu.memref_squeeze %dma_wait3A_62 : memref<1x40x125xi32, #tpu.memory_space<hbm>> -> memref<40x125xi32, #tpu.memory_space<hbm>>
      tpu.wait_dma2 semaphore(%run_scoped3A : memref<!tpu.dma_semaphore, #tpu.memory_space<semaphore_mem>>) src(%dma_wait3A_63 : memref<40x125xi32, #tpu.memory_space<hbm>>) dst(%arg7 : memref<40x125xi32, #tpu.memory_space<vmem>>)
      tpu.yield
    }) : () -> ()
    %scan3A_42 = arith.constant 0 : i32
    %scan3A_43 = arith.constant 0 : i32
    %scan3A_44 = arith.constant 10 : i32
    %scan3A_45 = arith.addi %scan3A_43, %scan3A_44 : i32
    %scan3A_46 = arith.constant 1 : i32
    %scan3A_47 = scf.for %scan3A_50 = %scan3A_43 to %scan3A_45 step %scan3A_46 iter_args(%scan3A_51 = %scan3A_42) -> (i32)  : i32 {
      %mul3A_52 = arith.constant 4 : i32
      %mul3A_53 = arith.muli %scan3A_50, %mul3A_52 : i32
      %add3A_54 = arith.constant 0 : i32
      %add3A_55 = arith.addi %mul3A_53, %add3A_54 : i32
      %dma_start3A = arith.constant 0 : i32
      %dma_start3A_56 = tpu.memref_slice %arg6[%add3A_55, %dma_start3A] : memref<40x125xi32, #tpu.memory_space<vmem>> -> memref<1x125xi32, #tpu.memory_space<vmem>>
      %dma_start3A_57 = tpu.memref_squeeze %dma_start3A_56 : memref<1x125xi32, #tpu.memory_space<vmem>> -> memref<125xi32, #tpu.memory_space<vmem>>
      %dma_start3A_58 = arith.constant 0 : i32
      %dma_start3A_59 = arith.constant 0 : i32
      %dma_start3A_60 = tpu.memref_slice %arg10[%dma_start3A_58, %dma_start3A_59] : memref<10240x16xf32, #tpu.memory_space<vmem_shared>> -> memref<10240x16xf32, #tpu.memory_space<vmem_shared>>
      tpu.enqueue_indirect_dma source(%arg8 : memref<125x16xf32, #tpu.memory_space<vmem>>) target(%dma_start3A_60 : memref<10240x16xf32, #tpu.memory_space<vmem_shared>>) offsets(%dma_start3A_57 : memref<125xi32, #tpu.memory_space<vmem>>) semaphore(%arg12 : memref<!tpu.dma_semaphore, #tpu.memory_space<semaphore_mem>>) {add = true}
      %dma_start3A_61 = arith.constant 0 : i32
      %dma_start3A_62 = tpu.memref_slice %arg7[%add3A_55, %dma_start3A_61] : memref<40x125xi32, #tpu.memory_space<vmem>> -> memref<1x125xi32, #tpu.memory_space<vmem>>
      %dma_start3A_63 = tpu.memref_squeeze %dma_start3A_62 : memref<1x125xi32, #tpu.memory_space<vmem>> -> memref<125xi32, #tpu.memory_space<vmem>>
      %dma_start3A_64 = arith.constant 0 : i32
      %dma_start3A_65 = arith.constant 0 : i32
      %dma_start3A_66 = tpu.memref_slice %arg10[%dma_start3A_64, %dma_start3A_65] : memref<10240x16xf32, #tpu.memory_space<vmem_shared>> -> memref<10240x16xf32, #tpu.memory_space<vmem_shared>>
      tpu.enqueue_indirect_dma source(%arg9 : memref<125x16xf32, #tpu.memory_space<vmem>>) target(%dma_start3A_66 : memref<10240x16xf32, #tpu.memory_space<vmem_shared>>) offsets(%dma_start3A_63 : memref<125xi32, #tpu.memory_space<vmem>>) semaphore(%arg12 : memref<!tpu.dma_semaphore, #tpu.memory_space<semaphore_mem>>) {add = true}
      %mul3A_67 = arith.constant 4 : i32
      %mul3A_68 = arith.muli %scan3A_50, %mul3A_67 : i32
      %add3A_69 = arith.constant 1 : i32
      %add3A_70 = arith.addi %mul3A_68, %add3A_69 : i32
      %dma_start3A_71 = arith.constant 0 : i32
      %dma_start3A_72 = tpu.memref_slice %arg6[%add3A_70, %dma_start3A_71] : memref<40x125xi32, #tpu.memory_space<vmem>> -> memref<1x125xi32, #tpu.memory_space<vmem>>
      %dma_start3A_73 = tpu.memref_squeeze %dma_start3A_72 : memref<1x125xi32, #tpu.memory_space<vmem>> -> memref<125xi32, #tpu.memory_space<vmem>>
      %dma_start3A_74 = arith.constant 0 : i32
      %dma_start3A_75 = arith.constant 0 : i32
      %dma_start3A_76 = tpu.memref_slice %arg10[%dma_start3A_74, %dma_start3A_75] : memref<10240x16xf32, #tpu.memory_space<vmem_shared>> -> memref<10240x16xf32, #tpu.memory_space<vmem_shared>>
      tpu.enqueue_indirect_dma source(%arg8 : memref<125x16xf32, #tpu.memory_space<vmem>>) target(%dma_start3A_76 : memref<10240x16xf32, #tpu.memory_space<vmem_shared>>) offsets(%dma_start3A_73 : memref<125xi32, #tpu.memory_space<vmem>>) semaphore(%arg12 : memref<!tpu.dma_semaphore, #tpu.memory_space<semaphore_mem>>) {add = true}
      %dma_start3A_77 = arith.constant 0 : i32
      %dma_start3A_78 = tpu.memref_slice %arg7[%add3A_70, %dma_start3A_77] : memref<40x125xi32, #tpu.memory_space<vmem>> -> memref<1x125xi32, #tpu.memory_space<vmem>>
      %dma_start3A_79 = tpu.memref_squeeze %dma_start3A_78 : memref<1x125xi32, #tpu.memory_space<vmem>> -> memref<125xi32, #tpu.memory_space<vmem>>
      %dma_start3A_80 = arith.constant 0 : i32
      %dma_start3A_81 = arith.constant 0 : i32
      %dma_start3A_82 = tpu.memref_slice %arg10[%dma_start3A_80, %dma_start3A_81] : memref<10240x16xf32, #tpu.memory_space<vmem_shared>> -> memref<10240x16xf32, #tpu.memory_space<vmem_shared>>
      tpu.enqueue_indirect_dma source(%arg9 : memref<125x16xf32, #tpu.memory_space<vmem>>) target(%dma_start3A_82 : memref<10240x16xf32, #tpu.memory_space<vmem_shared>>) offsets(%dma_start3A_79 : memref<125xi32, #tpu.memory_space<vmem>>) semaphore(%arg12 : memref<!tpu.dma_semaphore, #tpu.memory_space<semaphore_mem>>) {add = true}
      %mul3A_83 = arith.constant 4 : i32
      %mul3A_84 = arith.muli %scan3A_50, %mul3A_83 : i32
      %add3A_85 = arith.constant 2 : i32
      %add3A_86 = arith.addi %mul3A_84, %add3A_85 : i32
      %dma_start3A_87 = arith.constant 0 : i32
      %dma_start3A_88 = tpu.memref_slice %arg6[%add3A_86, %dma_start3A_87] : memref<40x125xi32, #tpu.memory_space<vmem>> -> memref<1x125xi32, #tpu.memory_space<vmem>>
      %dma_start3A_89 = tpu.memref_squeeze %dma_start3A_88 : memref<1x125xi32, #tpu.memory_space<vmem>> -> memref<125xi32, #tpu.memory_space<vmem>>
      %dma_start3A_90 = arith.constant 0 : i32
      %dma_start3A_91 = arith.constant 0 : i32
      %dma_start3A_92 = tpu.memref_slice %arg10[%dma_start3A_90, %dma_start3A_91] : memref<10240x16xf32, #tpu.memory_space<vmem_shared>> -> memref<10240x16xf32, #tpu.memory_space<vmem_shared>>
      tpu.enqueue_indirect_dma source(%arg8 : memref<125x16xf32, #tpu.memory_space<vmem>>) target(%dma_start3A_92 : memref<10240x16xf32, #tpu.memory_space<vmem_shared>>) offsets(%dma_start3A_89 : memref<125xi32, #tpu.memory_space<vmem>>) semaphore(%arg12 : memref<!tpu.dma_semaphore, #tpu.memory_space<semaphore_mem>>) {add = true}
      %dma_start3A_93 = arith.constant 0 : i32
      %dma_start3A_94 = tpu.memref_slice %arg7[%add3A_86, %dma_start3A_93] : memref<40x125xi32, #tpu.memory_space<vmem>> -> memref<1x125xi32, #tpu.memory_space<vmem>>
      %dma_start3A_95 = tpu.memref_squeeze %dma_start3A_94 : memref<1x125xi32, #tpu.memory_space<vmem>> -> memref<125xi32, #tpu.memory_space<vmem>>
      %dma_start3A_96 = arith.constant 0 : i32
      %dma_start3A_97 = arith.constant 0 : i32
      %dma_start3A_98 = tpu.memref_slice %arg10[%dma_start3A_96, %dma_start3A_97] : memref<10240x16xf32, #tpu.memory_space<vmem_shared>> -> memref<10240x16xf32, #tpu.memory_space<vmem_shared>>
      tpu.enqueue_indirect_dma source(%arg9 : memref<125x16xf32, #tpu.memory_space<vmem>>) target(%dma_start3A_98 : memref<10240x16xf32, #tpu.memory_space<vmem_shared>>) offsets(%dma_start3A_95 : memref<125xi32, #tpu.memory_space<vmem>>) semaphore(%arg12 : memref<!tpu.dma_semaphore, #tpu.memory_space<semaphore_mem>>) {add = true}
      %mul3A_99 = arith.constant 4 : i32
      %mul3A_100 = arith.muli %scan3A_50, %mul3A_99 : i32
      %add3A_101 = arith.constant 3 : i32
      %add3A_102 = arith.addi %mul3A_100, %add3A_101 : i32
      %dma_start3A_103 = arith.constant 0 : i32
      %dma_start3A_104 = tpu.memref_slice %arg6[%add3A_102, %dma_start3A_103] : memref<40x125xi32, #tpu.memory_space<vmem>> -> memref<1x125xi32, #tpu.memory_space<vmem>>
      %dma_start3A_105 = tpu.memref_squeeze %dma_start3A_104 : memref<1x125xi32, #tpu.memory_space<vmem>> -> memref<125xi32, #tpu.memory_space<vmem>>
      %dma_start3A_106 = arith.constant 0 : i32
      %dma_start3A_107 = arith.constant 0 : i32
      %dma_start3A_108 = tpu.memref_slice %arg10[%dma_start3A_106, %dma_start3A_107] : memref<10240x16xf32, #tpu.memory_space<vmem_shared>> -> memref<10240x16xf32, #tpu.memory_space<vmem_shared>>
      tpu.enqueue_indirect_dma source(%arg8 : memref<125x16xf32, #tpu.memory_space<vmem>>) target(%dma_start3A_108 : memref<10240x16xf32, #tpu.memory_space<vmem_shared>>) offsets(%dma_start3A_105 : memref<125xi32, #tpu.memory_space<vmem>>) semaphore(%arg12 : memref<!tpu.dma_semaphore, #tpu.memory_space<semaphore_mem>>) {add = true}
      %dma_start3A_109 = arith.constant 0 : i32
      %dma_start3A_110 = tpu.memref_slice %arg7[%add3A_102, %dma_start3A_109] : memref<40x125xi32, #tpu.memory_space<vmem>> -> memref<1x125xi32, #tpu.memory_space<vmem>>
      %dma_start3A_111 = tpu.memref_squeeze %dma_start3A_110 : memref<1x125xi32, #tpu.memory_space<vmem>> -> memref<125xi32, #tpu.memory_space<vmem>>
      %dma_start3A_112 = arith.constant 0 : i32
      %dma_start3A_113 = arith.constant 0 : i32
      %dma_start3A_114 = tpu.memref_slice %arg10[%dma_start3A_112, %dma_start3A_113] : memref<10240x16xf32, #tpu.memory_space<vmem_shared>> -> memref<10240x16xf32, #tpu.memory_space<vmem_shared>>
      tpu.enqueue_indirect_dma source(%arg9 : memref<125x16xf32, #tpu.memory_space<vmem>>) target(%dma_start3A_114 : memref<10240x16xf32, #tpu.memory_space<vmem_shared>>) offsets(%dma_start3A_111 : memref<125xi32, #tpu.memory_space<vmem>>) semaphore(%arg12 : memref<!tpu.dma_semaphore, #tpu.memory_space<semaphore_mem>>) {add = true}
      %mul3A_115 = arith.constant 4 : i32
      %mul3A_116 = arith.muli %scan3A_50, %mul3A_115 : i32
      %add3A_117 = arith.constant 0 : i32
      %add3A_118 = arith.addi %mul3A_116, %add3A_117 : i32
      %dma_wait3A = arith.constant 0 : i32
      %dma_wait3A_119 = tpu.memref_slice %arg6[%add3A_118, %dma_wait3A] : memref<40x125xi32, #tpu.memory_space<vmem>> -> memref<1x125xi32, #tpu.memory_space<vmem>>
      %dma_wait3A_120 = tpu.memref_squeeze %dma_wait3A_119 : memref<1x125xi32, #tpu.memory_space<vmem>> -> memref<125xi32, #tpu.memory_space<vmem>>
      %dma_wait3A_121 = arith.constant 0 : i32
      %dma_wait3A_122 = arith.constant 0 : i32
      %dma_wait3A_123 = tpu.memref_slice %arg10[%dma_wait3A_121, %dma_wait3A_122] : memref<10240x16xf32, #tpu.memory_space<vmem_shared>> -> memref<10240x16xf32, #tpu.memory_space<vmem_shared>>
      tpu.wait_indirect_dma semaphore(%arg12 : memref<!tpu.dma_semaphore, #tpu.memory_space<semaphore_mem>>) src(%arg8 : memref<125x16xf32, #tpu.memory_space<vmem>>) dst(%dma_wait3A_123 : memref<10240x16xf32, #tpu.memory_space<vmem_shared>>)
      %dma_wait3A_124 = arith.constant 0 : i32
      %dma_wait3A_125 = tpu.memref_slice %arg7[%add3A_118, %dma_wait3A_124] : memref<40x125xi32, #tpu.memory_space<vmem>> -> memref<1x125xi32, #tpu.memory_space<vmem>>
      %dma_wait3A_126 = tpu.memref_squeeze %dma_wait3A_125 : memref<1x125xi32, #tpu.memory_space<vmem>> -> memref<125xi32, #tpu.memory_space<vmem>>
      %dma_wait3A_127 = arith.constant 0 : i32
      %dma_wait3A_128 = arith.constant 0 : i32
      %dma_wait3A_129 = tpu.memref_slice %arg10[%dma_wait3A_127, %dma_wait3A_128] : memref<10240x16xf32, #tpu.memory_space<vmem_shared>> -> memref<10240x16xf32, #tpu.memory_space<vmem_shared>>
      tpu.wait_indirect_dma semaphore(%arg12 : memref<!tpu.dma_semaphore, #tpu.memory_space<semaphore_mem>>) src(%arg9 : memref<125x16xf32, #tpu.memory_space<vmem>>) dst(%dma_wait3A_129 : memref<10240x16xf32, #tpu.memory_space<vmem_shared>>)
      %mul3A_130 = arith.constant 4 : i32
      %mul3A_131 = arith.muli %scan3A_50, %mul3A_130 : i32
      %add3A_132 = arith.constant 1 : i32
      %add3A_133 = arith.addi %mul3A_131, %add3A_132 : i32
      %dma_wait3A_134 = arith.constant 0 : i32
      %dma_wait3A_135 = tpu.memref_slice %arg6[%add3A_133, %dma_wait3A_134] : memref<40x125xi32, #tpu.memory_space<vmem>> -> memref<1x125xi32, #tpu.memory_space<vmem>>
      %dma_wait3A_136 = tpu.memref_squeeze %dma_wait3A_135 : memref<1x125xi32, #tpu.memory_space<vmem>> -> memref<125xi32, #tpu.memory_space<vmem>>
      %dma_wait3A_137 = arith.constant 0 : i32
      %dma_wait3A_138 = arith.constant 0 : i32
      %dma_wait3A_139 = tpu.memref_slice %arg10[%dma_wait3A_137, %dma_wait3A_138] : memref<10240x16xf32, #tpu.memory_space<vmem_shared>> -> memref<10240x16xf32, #tpu.memory_space<vmem_shared>>
      tpu.wait_indirect_dma semaphore(%arg12 : memref<!tpu.dma_semaphore, #tpu.memory_space<semaphore_mem>>) src(%arg8 : memref<125x16xf32, #tpu.memory_space<vmem>>) dst(%dma_wait3A_139 : memref<10240x16xf32, #tpu.memory_space<vmem_shared>>)
      %dma_wait3A_140 = arith.constant 0 : i32
      %dma_wait3A_141 = tpu.memref_slice %arg7[%add3A_133, %dma_wait3A_140] : memref<40x125xi32, #tpu.memory_space<vmem>> -> memref<1x125xi32, #tpu.memory_space<vmem>>
      %dma_wait3A_142 = tpu.memref_squeeze %dma_wait3A_141 : memref<1x125xi32, #tpu.memory_space<vmem>> -> memref<125xi32, #tpu.memory_space<vmem>>
      %dma_wait3A_143 = arith.constant 0 : i32
      %dma_wait3A_144 = arith.constant 0 : i32
      %dma_wait3A_145 = tpu.memref_slice %arg10[%dma_wait3A_143, %dma_wait3A_144] : memref<10240x16xf32, #tpu.memory_space<vmem_shared>> -> memref<10240x16xf32, #tpu.memory_space<vmem_shared>>
      tpu.wait_indirect_dma semaphore(%arg12 : memref<!tpu.dma_semaphore, #tpu.memory_space<semaphore_mem>>) src(%arg9 : memref<125x16xf32, #tpu.memory_space<vmem>>) dst(%dma_wait3A_145 : memref<10240x16xf32, #tpu.memory_space<vmem_shared>>)
      %mul3A_146 = arith.constant 4 : i32
      %mul3A_147 = arith.muli %scan3A_50, %mul3A_146 : i32
      %add3A_148 = arith.constant 2 : i32
      %add3A_149 = arith.addi %mul3A_147, %add3A_148 : i32
      %dma_wait3A_150 = arith.constant 0 : i32
      %dma_wait3A_151 = tpu.memref_slice %arg6[%add3A_149, %dma_wait3A_150] : memref<40x125xi32, #tpu.memory_space<vmem>> -> memref<1x125xi32, #tpu.memory_space<vmem>>
      %dma_wait3A_152 = tpu.memref_squeeze %dma_wait3A_151 : memref<1x125xi32, #tpu.memory_space<vmem>> -> memref<125xi32, #tpu.memory_space<vmem>>
      %dma_wait3A_153 = arith.constant 0 : i32
      %dma_wait3A_154 = arith.constant 0 : i32
      %dma_wait3A_155 = tpu.memref_slice %arg10[%dma_wait3A_153, %dma_wait3A_154] : memref<10240x16xf32, #tpu.memory_space<vmem_shared>> -> memref<10240x16xf32, #tpu.memory_space<vmem_shared>>
      tpu.wait_indirect_dma semaphore(%arg12 : memref<!tpu.dma_semaphore, #tpu.memory_space<semaphore_mem>>) src(%arg8 : memref<125x16xf32, #tpu.memory_space<vmem>>) dst(%dma_wait3A_155 : memref<10240x16xf32, #tpu.memory_space<vmem_shared>>)
      %dma_wait3A_156 = arith.constant 0 : i32
      %dma_wait3A_157 = tpu.memref_slice %arg7[%add3A_149, %dma_wait3A_156] : memref<40x125xi32, #tpu.memory_space<vmem>> -> memref<1x125xi32, #tpu.memory_space<vmem>>
      %dma_wait3A_158 = tpu.memref_squeeze %dma_wait3A_157 : memref<1x125xi32, #tpu.memory_space<vmem>> -> memref<125xi32, #tpu.memory_space<vmem>>
      %dma_wait3A_159 = arith.constant 0 : i32
      %dma_wait3A_160 = arith.constant 0 : i32
      %dma_wait3A_161 = tpu.memref_slice %arg10[%dma_wait3A_159, %dma_wait3A_160] : memref<10240x16xf32, #tpu.memory_space<vmem_shared>> -> memref<10240x16xf32, #tpu.memory_space<vmem_shared>>
      tpu.wait_indirect_dma semaphore(%arg12 : memref<!tpu.dma_semaphore, #tpu.memory_space<semaphore_mem>>) src(%arg9 : memref<125x16xf32, #tpu.memory_space<vmem>>) dst(%dma_wait3A_161 : memref<10240x16xf32, #tpu.memory_space<vmem_shared>>)
      %mul3A_162 = arith.constant 4 : i32
      %mul3A_163 = arith.muli %scan3A_50, %mul3A_162 : i32
      %add3A_164 = arith.constant 3 : i32
      %add3A_165 = arith.addi %mul3A_163, %add3A_164 : i32
      %dma_wait3A_166 = arith.constant 0 : i32
      %dma_wait3A_167 = tpu.memref_slice %arg6[%add3A_165, %dma_wait3A_166] : memref<40x125xi32, #tpu.memory_space<vmem>> -> memref<1x125xi32, #tpu.memory_space<vmem>>
      %dma_wait3A_168 = tpu.memref_squeeze %dma_wait3A_167 : memref<1x125xi32, #tpu.memory_space<vmem>> -> memref<125xi32, #tpu.memory_space<vmem>>
      %dma_wait3A_169 = arith.constant 0 : i32
      %dma_wait3A_170 = arith.constant 0 : i32
      %dma_wait3A_171 = tpu.memref_slice %arg10[%dma_wait3A_169, %dma_wait3A_170] : memref<10240x16xf32, #tpu.memory_space<vmem_shared>> -> memref<10240x16xf32, #tpu.memory_space<vmem_shared>>
      tpu.wait_indirect_dma semaphore(%arg12 : memref<!tpu.dma_semaphore, #tpu.memory_space<semaphore_mem>>) src(%arg8 : memref<125x16xf32, #tpu.memory_space<vmem>>) dst(%dma_wait3A_171 : memref<10240x16xf32, #tpu.memory_space<vmem_shared>>)
      %dma_wait3A_172 = arith.constant 0 : i32
      %dma_wait3A_173 = tpu.memref_slice %arg7[%add3A_165, %dma_wait3A_172] : memref<40x125xi32, #tpu.memory_space<vmem>> -> memref<1x125xi32, #tpu.memory_space<vmem>>
      %dma_wait3A_174 = tpu.memref_squeeze %dma_wait3A_173 : memref<1x125xi32, #tpu.memory_space<vmem>> -> memref<125xi32, #tpu.memory_space<vmem>>
      %dma_wait3A_175 = arith.constant 0 : i32
      %dma_wait3A_176 = arith.constant 0 : i32
      %dma_wait3A_177 = tpu.memref_slice %arg10[%dma_wait3A_175, %dma_wait3A_176] : memref<10240x16xf32, #tpu.memory_space<vmem_shared>> -> memref<10240x16xf32, #tpu.memory_space<vmem_shared>>
      tpu.wait_indirect_dma semaphore(%arg12 : memref<!tpu.dma_semaphore, #tpu.memory_space<semaphore_mem>>) src(%arg9 : memref<125x16xf32, #tpu.memory_space<vmem>>) dst(%dma_wait3A_177 : memref<10240x16xf32, #tpu.memory_space<vmem_shared>>)
      %scan3A_178 = arith.constant 0 : i32
      scf.yield %scan3A_178 : i32
    }
    %scan3A_48 = arith.constant 10 : i32
    %barrier3A_49 = arith.constant 0 : index
    tpu.barrier barrier_id(%barrier3A_49)
    "tpu.region"() ({
      %run_scoped3A = tpu.sem_alloc : memref<!tpu.dma_semaphore, #tpu.memory_space<semaphore_mem>>
      %dma_start3A = arith.constant 0 : i32
      %dma_start3A_50 = tpu.memref_slice %arg5[%arg0, %multiple_of3A, %dma_start3A] : memref<2x10240x16xf32, #tpu.memory_space<hbm>> -> memref<1x640x16xf32, #tpu.memory_space<hbm>>
      %dma_start3A_51 = tpu.memref_squeeze %dma_start3A_50 : memref<1x640x16xf32, #tpu.memory_space<hbm>> -> memref<640x16xf32, #tpu.memory_space<hbm>>
      %dma_start3A_52 = arith.constant 0 : i32
      %dma_start3A_53 = tpu.memref_slice %arg10[%multiple_of3A, %dma_start3A_52] : memref<10240x16xf32, #tpu.memory_space<vmem_shared>> -> memref<640x16xf32, #tpu.memory_space<vmem_shared>>
      tpu.enqueue_dma source(%dma_start3A_53 : memref<640x16xf32, #tpu.memory_space<vmem_shared>>) target(%dma_start3A_51 : memref<640x16xf32, #tpu.memory_space<hbm>>) target_semaphore(%run_scoped3A : memref<!tpu.dma_semaphore, #tpu.memory_space<semaphore_mem>>)
      %dma_wait3A = arith.constant 0 : i32
      %dma_wait3A_54 = tpu.memref_slice %arg5[%arg0, %multiple_of3A, %dma_wait3A] : memref<2x10240x16xf32, #tpu.memory_space<hbm>> -> memref<1x640x16xf32, #tpu.memory_space<hbm>>
      %dma_wait3A_55 = tpu.memref_squeeze %dma_wait3A_54 : memref<1x640x16xf32, #tpu.memory_space<hbm>> -> memref<640x16xf32, #tpu.memory_space<hbm>>
      %dma_wait3A_56 = arith.constant 0 : i32
      %dma_wait3A_57 = tpu.memref_slice %arg10[%multiple_of3A, %dma_wait3A_56] : memref<10240x16xf32, #tpu.memory_space<vmem_shared>> -> memref<640x16xf32, #tpu.memory_space<vmem_shared>>
      tpu.wait_dma2 semaphore(%run_scoped3A : memref<!tpu.dma_semaphore, #tpu.memory_space<semaphore_mem>>) src(%dma_wait3A_57 : memref<640x16xf32, #tpu.memory_space<vmem_shared>>) dst(%dma_wait3A_55 : memref<640x16xf32, #tpu.memory_space<hbm>>)
      tpu.yield
    }) : () -> ()
    return
  }
}

#map = affine_map<(d0, d1) -> (0, 0)>
#map1 = affine_map<(d0, d1) -> (0, 0, 0)>
module attributes {stable_mosaic.version = 14 : i64} {
  func.func @_mp_kernel(%arg0: i32, %arg1: i32, %arg2: memref<10000x128xf32, #tpu.memory_space<hbm>>, %arg3: memref<32x80x125xi32, #tpu.memory_space<hbm>>, %arg4: memref<32x80x125xi32, #tpu.memory_space<hbm>>, %arg5: memref<64x128xf32, #tpu.memory_space<hbm>>, %arg6: memref<2x10240x128xf32, #tpu.memory_space<hbm>>, %arg7: memref<80x125xi32, #tpu.memory_space<vmem>>, %arg8: memref<40x125xi32, #tpu.memory_space<vmem>>, %arg9: memref<125x128xf32, #tpu.memory_space<vmem>>, %arg10: memref<125x128xf32, #tpu.memory_space<vmem>>, %arg11: memref<10240x128xf32, #tpu.memory_space<vmem_shared>>, %arg12: memref<!tpu.dma_semaphore, #tpu.memory_space<semaphore_mem>>, %arg13: memref<!tpu.dma_semaphore, #tpu.memory_space<semaphore_mem>>, %arg14: memref<!tpu.dma_semaphore, #tpu.memory_space<semaphore_mem>>, %arg15: memref<!tpu.dma_semaphore, #tpu.memory_space<semaphore_mem>>, %arg16: memref<!tpu.dma_semaphore, #tpu.memory_space<semaphore_mem>>) attributes {dimension_semantics = [#tpu.dimension_semantics<core_parallel>, #tpu.dimension_semantics<subcore_parallel>], iteration_bounds = array<i64: 2, 16>, scalar_prefetch = 0 : i64, scratch_operands = 10 : i64, tpu.core_type = #tpu.core_type<sc_vector_subcore>, window_params = [{transform_indices = #map}, {transform_indices = #map1}, {transform_indices = #map1}, {transform_indices = #map}, {transform_indices = #map1}]} {
    %mul3A = arith.constant 16 : i32
    %mul3A_0 = arith.muli %arg0, %mul3A : i32
    %add3A = arith.addi %mul3A_0, %arg1 : i32
    %mul3A_1 = arith.constant 640 : i32
    %mul3A_2 = arith.muli %arg1, %mul3A_1 : i32
    %multiple_of3A = tpu.assume_multiple %mul3A_2, 8 : i32
    %scan3A = arith.constant 0 : i32
    %scan3A_3 = arith.constant 0 : i32
    %scan3A_4 = arith.constant 10 : i32
    %scan3A_5 = arith.addi %scan3A_3, %scan3A_4 : i32
    %scan3A_6 = arith.constant 1 : i32
    %scan3A_7 = scf.for %scan3A_37 = %scan3A_3 to %scan3A_5 step %scan3A_6 iter_args(%scan3A_38 = %scan3A) -> (i32)  : i32 {
      %mul3A_39 = arith.constant 64 : i32
      %mul3A_40 = arith.muli %scan3A_37, %mul3A_39 : i32
      %add3A_41 = arith.addi %multiple_of3A, %mul3A_40 : i32
      %dma_start3A_42 = arith.constant 0 : i32
      %dma_start3A_43 = tpu.memref_slice %arg11[%add3A_41, %dma_start3A_42] : memref<10240x128xf32, #tpu.memory_space<vmem_shared>> -> memref<64x128xf32, #tpu.memory_space<vmem_shared>>
      tpu.enqueue_dma source(%arg5 : memref<64x128xf32, #tpu.memory_space<hbm>>) target(%dma_start3A_43 : memref<64x128xf32, #tpu.memory_space<vmem_shared>>) target_semaphore(%arg16 : memref<!tpu.dma_semaphore, #tpu.memory_space<semaphore_mem>>)
      %scan3A_44 = arith.constant 0 : i32
      scf.yield %scan3A_44 : i32
    }
    %scan3A_8 = arith.constant 10 : i32
    "tpu.region"() ({
      %run_scoped3A = tpu.sem_alloc : memref<!tpu.dma_semaphore, #tpu.memory_space<semaphore_mem>>
      %dma_start3A_37 = arith.constant 0 : i32
      %dma_start3A_38 = arith.constant 0 : i32
      %dma_start3A_39 = tpu.memref_slice %arg3[%add3A, %dma_start3A_37, %dma_start3A_38] : memref<32x80x125xi32, #tpu.memory_space<hbm>> -> memref<1x80x125xi32, #tpu.memory_space<hbm>>
      %dma_start3A_40 = tpu.memref_squeeze %dma_start3A_39 : memref<1x80x125xi32, #tpu.memory_space<hbm>> -> memref<80x125xi32, #tpu.memory_space<hbm>>
      %dma_start3A_41 = arith.constant 0 : i32
      %dma_start3A_42 = arith.constant 0 : i32
      %dma_start3A_43 = tpu.memref_slice %arg3[%add3A, %dma_start3A_41, %dma_start3A_42] : memref<32x80x125xi32, #tpu.memory_space<hbm>> -> memref<1x80x125xi32, #tpu.memory_space<hbm>>
      %dma_start3A_44 = tpu.memref_squeeze %dma_start3A_43 : memref<1x80x125xi32, #tpu.memory_space<hbm>> -> memref<80x125xi32, #tpu.memory_space<hbm>>
      tpu.enqueue_dma source(%dma_start3A_44 : memref<80x125xi32, #tpu.memory_space<hbm>>) target(%arg7 : memref<80x125xi32, #tpu.memory_space<vmem>>) target_semaphore(%run_scoped3A : memref<!tpu.dma_semaphore, #tpu.memory_space<semaphore_mem>>)
      %dma_wait3A = arith.constant 0 : i32
      %dma_wait3A_45 = arith.constant 0 : i32
      %dma_wait3A_46 = tpu.memref_slice %arg3[%add3A, %dma_wait3A, %dma_wait3A_45] : memref<32x80x125xi32, #tpu.memory_space<hbm>> -> memref<1x80x125xi32, #tpu.memory_space<hbm>>
      %dma_wait3A_47 = tpu.memref_squeeze %dma_wait3A_46 : memref<1x80x125xi32, #tpu.memory_space<hbm>> -> memref<80x125xi32, #tpu.memory_space<hbm>>
      %dma_wait3A_48 = arith.constant 0 : i32
      %dma_wait3A_49 = arith.constant 0 : i32
      %dma_wait3A_50 = tpu.memref_slice %arg3[%add3A, %dma_wait3A_48, %dma_wait3A_49] : memref<32x80x125xi32, #tpu.memory_space<hbm>> -> memref<1x80x125xi32, #tpu.memory_space<hbm>>
      %dma_wait3A_51 = tpu.memref_squeeze %dma_wait3A_50 : memref<1x80x125xi32, #tpu.memory_space<hbm>> -> memref<80x125xi32, #tpu.memory_space<hbm>>
      tpu.wait_dma2 semaphore(%run_scoped3A : memref<!tpu.dma_semaphore, #tpu.memory_space<semaphore_mem>>) src(%dma_wait3A_51 : memref<80x125xi32, #tpu.memory_space<hbm>>) dst(%arg7 : memref<80x125xi32, #tpu.memory_space<vmem>>)
      tpu.yield
    }) : () -> ()
    "tpu.region"() ({
      %run_scoped3A = tpu.sem_alloc : memref<!tpu.dma_semaphore, #tpu.memory_space<semaphore_mem>>
      %dma_start3A_37 = arith.constant 0 : i32
      %dma_start3A_38 = arith.constant 0 : i32
      %dma_start3A_39 = tpu.memref_slice %arg4[%add3A, %dma_start3A_37, %dma_start3A_38] : memref<32x80x125xi32, #tpu.memory_space<hbm>> -> memref<1x40x125xi32, #tpu.memory_space<hbm>>
      %dma_start3A_40 = tpu.memref_squeeze %dma_start3A_39 : memref<1x40x125xi32, #tpu.memory_space<hbm>> -> memref<40x125xi32, #tpu.memory_space<hbm>>
      %dma_start3A_41 = arith.constant 0 : i32
      %dma_start3A_42 = arith.constant 0 : i32
      %dma_start3A_43 = tpu.memref_slice %arg4[%add3A, %dma_start3A_41, %dma_start3A_42] : memref<32x80x125xi32, #tpu.memory_space<hbm>> -> memref<1x40x125xi32, #tpu.memory_space<hbm>>
      %dma_start3A_44 = tpu.memref_squeeze %dma_start3A_43 : memref<1x40x125xi32, #tpu.memory_space<hbm>> -> memref<40x125xi32, #tpu.memory_space<hbm>>
      tpu.enqueue_dma source(%dma_start3A_44 : memref<40x125xi32, #tpu.memory_space<hbm>>) target(%arg8 : memref<40x125xi32, #tpu.memory_space<vmem>>) target_semaphore(%run_scoped3A : memref<!tpu.dma_semaphore, #tpu.memory_space<semaphore_mem>>)
      %dma_wait3A = arith.constant 0 : i32
      %dma_wait3A_45 = arith.constant 0 : i32
      %dma_wait3A_46 = tpu.memref_slice %arg4[%add3A, %dma_wait3A, %dma_wait3A_45] : memref<32x80x125xi32, #tpu.memory_space<hbm>> -> memref<1x40x125xi32, #tpu.memory_space<hbm>>
      %dma_wait3A_47 = tpu.memref_squeeze %dma_wait3A_46 : memref<1x40x125xi32, #tpu.memory_space<hbm>> -> memref<40x125xi32, #tpu.memory_space<hbm>>
      %dma_wait3A_48 = arith.constant 0 : i32
      %dma_wait3A_49 = arith.constant 0 : i32
      %dma_wait3A_50 = tpu.memref_slice %arg4[%add3A, %dma_wait3A_48, %dma_wait3A_49] : memref<32x80x125xi32, #tpu.memory_space<hbm>> -> memref<1x40x125xi32, #tpu.memory_space<hbm>>
      %dma_wait3A_51 = tpu.memref_squeeze %dma_wait3A_50 : memref<1x40x125xi32, #tpu.memory_space<hbm>> -> memref<40x125xi32, #tpu.memory_space<hbm>>
      tpu.wait_dma2 semaphore(%run_scoped3A : memref<!tpu.dma_semaphore, #tpu.memory_space<semaphore_mem>>) src(%dma_wait3A_51 : memref<40x125xi32, #tpu.memory_space<hbm>>) dst(%arg8 : memref<40x125xi32, #tpu.memory_space<vmem>>)
      tpu.yield
    }) : () -> ()
    %dma_start3A = arith.constant 0 : i32
    %dma_start3A_9 = arith.constant 0 : i32
    %dma_start3A_10 = tpu.memref_slice %arg7[%dma_start3A, %dma_start3A_9] : memref<80x125xi32, #tpu.memory_space<vmem>> -> memref<1x125xi32, #tpu.memory_space<vmem>>
    %dma_start3A_11 = tpu.memref_squeeze %dma_start3A_10 : memref<1x125xi32, #tpu.memory_space<vmem>> -> memref<125xi32, #tpu.memory_space<vmem>>
    %dma_start3A_12 = arith.constant 0 : i32
    %dma_start3A_13 = arith.constant 0 : i32
    %dma_start3A_14 = tpu.memref_slice %arg2[%dma_start3A_12, %dma_start3A_13] : memref<10000x128xf32, #tpu.memory_space<hbm>> -> memref<10000x128xf32, #tpu.memory_space<hbm>>
    tpu.enqueue_indirect_dma source(%dma_start3A_14 : memref<10000x128xf32, #tpu.memory_space<hbm>>) target(%arg9 : memref<125x128xf32, #tpu.memory_space<vmem>>) offsets(%dma_start3A_11 : memref<125xi32, #tpu.memory_space<vmem>>) semaphore(%arg12 : memref<!tpu.dma_semaphore, #tpu.memory_space<semaphore_mem>>)
    %dma_start3A_15 = arith.constant 1 : i32
    %dma_start3A_16 = arith.constant 0 : i32
    %dma_start3A_17 = tpu.memref_slice %arg7[%dma_start3A_15, %dma_start3A_16] : memref<80x125xi32, #tpu.memory_space<vmem>> -> memref<1x125xi32, #tpu.memory_space<vmem>>
    %dma_start3A_18 = tpu.memref_squeeze %dma_start3A_17 : memref<1x125xi32, #tpu.memory_space<vmem>> -> memref<125xi32, #tpu.memory_space<vmem>>
    %dma_start3A_19 = arith.constant 0 : i32
    %dma_start3A_20 = arith.constant 0 : i32
    %dma_start3A_21 = tpu.memref_slice %arg2[%dma_start3A_19, %dma_start3A_20] : memref<10000x128xf32, #tpu.memory_space<hbm>> -> memref<10000x128xf32, #tpu.memory_space<hbm>>
    tpu.enqueue_indirect_dma source(%dma_start3A_21 : memref<10000x128xf32, #tpu.memory_space<hbm>>) target(%arg10 : memref<125x128xf32, #tpu.memory_space<vmem>>) offsets(%dma_start3A_18 : memref<125xi32, #tpu.memory_space<vmem>>) semaphore(%arg13 : memref<!tpu.dma_semaphore, #tpu.memory_space<semaphore_mem>>)
    %scan3A_22 = arith.constant 0 : i32
    %scan3A_23 = arith.constant 0 : i32
    %scan3A_24 = arith.constant 10 : i32
    %scan3A_25 = arith.addi %scan3A_23, %scan3A_24 : i32
    %scan3A_26 = arith.constant 1 : i32
    %scan3A_27 = scf.for %scan3A_37 = %scan3A_23 to %scan3A_25 step %scan3A_26 iter_args(%scan3A_38 = %scan3A_22) -> (i32)  : i32 {
      %dma_wait3A = arith.constant 0 : i32
      %dma_wait3A_39 = tpu.memref_slice %arg11[%multiple_of3A, %dma_wait3A] : memref<10240x128xf32, #tpu.memory_space<vmem_shared>> -> memref<64x128xf32, #tpu.memory_space<vmem_shared>>
      tpu.wait_dma2 semaphore(%arg16 : memref<!tpu.dma_semaphore, #tpu.memory_space<semaphore_mem>>) src(%arg5 : memref<64x128xf32, #tpu.memory_space<hbm>>) dst(%dma_wait3A_39 : memref<64x128xf32, #tpu.memory_space<vmem_shared>>)
      %scan3A_40 = arith.constant 0 : i32
      scf.yield %scan3A_40 : i32
    }
    %scan3A_28 = arith.constant 10 : i32
    %barrier3A = arith.constant 0 : index
    tpu.barrier barrier_id(%barrier3A)
    %scan3A_29 = arith.constant 0 : i32
    %scan3A_30 = arith.constant 0 : i32
    %scan3A_31 = arith.constant 40 : i32
    %scan3A_32 = arith.addi %scan3A_30, %scan3A_31 : i32
    %scan3A_33 = arith.constant 1 : i32
    %scan3A_34 = scf.for %scan3A_37 = %scan3A_30 to %scan3A_32 step %scan3A_33 iter_args(%scan3A_38 = %scan3A_29) -> (i32)  : i32 {
      %mul3A_39 = arith.constant 2 : i32
      %mul3A_40 = arith.muli %scan3A_37, %mul3A_39 : i32
      %lt3A = arith.constant 40 : i32
      %lt3A_41 = arith.cmpi slt, %mul3A_40, %lt3A : i32
      %sub3A = arith.constant 40 : i32
      %sub3A_42 = arith.subi %mul3A_40, %sub3A : i32
      %select_n3A = arith.select %lt3A_41, %mul3A_40, %sub3A_42 : i32
      %eq3A = arith.constant 40 : i32
      %eq3A_43 = arith.cmpi eq, %mul3A_40, %eq3A : i32
      %convert_element_type3A = arith.extui %eq3A_43 : i1 to i32
      %cond3A = arith.constant 0 : i32
      %cond3A_44 = arith.cmpi ne, %convert_element_type3A, %cond3A : i32
      scf.if %cond3A_44 {
        "tpu.region"() ({
          %run_scoped3A = tpu.sem_alloc : memref<!tpu.dma_semaphore, #tpu.memory_space<semaphore_mem>>
          %dma_start3A_75 = arith.constant 40 : i32
          %dma_start3A_76 = arith.constant 0 : i32
          %dma_start3A_77 = tpu.memref_slice %arg4[%add3A, %dma_start3A_75, %dma_start3A_76] : memref<32x80x125xi32, #tpu.memory_space<hbm>> -> memref<1x40x125xi32, #tpu.memory_space<hbm>>
          %dma_start3A_78 = tpu.memref_squeeze %dma_start3A_77 : memref<1x40x125xi32, #tpu.memory_space<hbm>> -> memref<40x125xi32, #tpu.memory_space<hbm>>
          %dma_start3A_79 = arith.constant 40 : i32
          %dma_start3A_80 = arith.constant 0 : i32
          %dma_start3A_81 = tpu.memref_slice %arg4[%add3A, %dma_start3A_79, %dma_start3A_80] : memref<32x80x125xi32, #tpu.memory_space<hbm>> -> memref<1x40x125xi32, #tpu.memory_space<hbm>>
          %dma_start3A_82 = tpu.memref_squeeze %dma_start3A_81 : memref<1x40x125xi32, #tpu.memory_space<hbm>> -> memref<40x125xi32, #tpu.memory_space<hbm>>
          tpu.enqueue_dma source(%dma_start3A_82 : memref<40x125xi32, #tpu.memory_space<hbm>>) target(%arg8 : memref<40x125xi32, #tpu.memory_space<vmem>>) target_semaphore(%run_scoped3A : memref<!tpu.dma_semaphore, #tpu.memory_space<semaphore_mem>>)
          %dma_wait3A_83 = arith.constant 40 : i32
          %dma_wait3A_84 = arith.constant 0 : i32
          %dma_wait3A_85 = tpu.memref_slice %arg4[%add3A, %dma_wait3A_83, %dma_wait3A_84] : memref<32x80x125xi32, #tpu.memory_space<hbm>> -> memref<1x40x125xi32, #tpu.memory_space<hbm>>
          %dma_wait3A_86 = tpu.memref_squeeze %dma_wait3A_85 : memref<1x40x125xi32, #tpu.memory_space<hbm>> -> memref<40x125xi32, #tpu.memory_space<hbm>>
          %dma_wait3A_87 = arith.constant 40 : i32
          %dma_wait3A_88 = arith.constant 0 : i32
          %dma_wait3A_89 = tpu.memref_slice %arg4[%add3A, %dma_wait3A_87, %dma_wait3A_88] : memref<32x80x125xi32, #tpu.memory_space<hbm>> -> memref<1x40x125xi32, #tpu.memory_space<hbm>>
          %dma_wait3A_90 = tpu.memref_squeeze %dma_wait3A_89 : memref<1x40x125xi32, #tpu.memory_space<hbm>> -> memref<40x125xi32, #tpu.memory_space<hbm>>
          tpu.wait_dma2 semaphore(%run_scoped3A : memref<!tpu.dma_semaphore, #tpu.memory_space<semaphore_mem>>) src(%dma_wait3A_90 : memref<40x125xi32, #tpu.memory_space<hbm>>) dst(%arg8 : memref<40x125xi32, #tpu.memory_space<vmem>>)
          tpu.yield
        }) : () -> ()
      } else {
      }
      %dma_wait3A = arith.constant 0 : i32
      %dma_wait3A_45 = tpu.memref_slice %arg7[%mul3A_40, %dma_wait3A] : memref<80x125xi32, #tpu.memory_space<vmem>> -> memref<1x125xi32, #tpu.memory_space<vmem>>
      %dma_wait3A_46 = tpu.memref_squeeze %dma_wait3A_45 : memref<1x125xi32, #tpu.memory_space<vmem>> -> memref<125xi32, #tpu.memory_space<vmem>>
      %dma_wait3A_47 = arith.constant 0 : i32
      %dma_wait3A_48 = arith.constant 0 : i32
      %dma_wait3A_49 = tpu.memref_slice %arg2[%dma_wait3A_47, %dma_wait3A_48] : memref<10000x128xf32, #tpu.memory_space<hbm>> -> memref<10000x128xf32, #tpu.memory_space<hbm>>
      tpu.wait_indirect_dma semaphore(%arg12 : memref<!tpu.dma_semaphore, #tpu.memory_space<semaphore_mem>>) src(%dma_wait3A_49 : memref<10000x128xf32, #tpu.memory_space<hbm>>) dst(%arg9 : memref<125x128xf32, #tpu.memory_space<vmem>>)
      "tpu.region"() ({
        %run_scoped3A = tpu.sem_alloc : memref<!tpu.dma_semaphore, #tpu.memory_space<semaphore_mem>>
        %dma_start3A_75 = arith.constant 0 : i32
        %dma_start3A_76 = tpu.memref_slice %arg8[%select_n3A, %dma_start3A_75] : memref<40x125xi32, #tpu.memory_space<vmem>> -> memref<1x125xi32, #tpu.memory_space<vmem>>
        %dma_start3A_77 = tpu.memref_squeeze %dma_start3A_76 : memref<1x125xi32, #tpu.memory_space<vmem>> -> memref<125xi32, #tpu.memory_space<vmem>>
        %dma_start3A_78 = arith.constant 0 : i32
        %dma_start3A_79 = arith.constant 0 : i32
        %dma_start3A_80 = tpu.memref_slice %arg11[%dma_start3A_78, %dma_start3A_79] : memref<10240x128xf32, #tpu.memory_space<vmem_shared>> -> memref<10240x128xf32, #tpu.memory_space<vmem_shared>>
        tpu.enqueue_indirect_dma source(%arg9 : memref<125x128xf32, #tpu.memory_space<vmem>>) target(%dma_start3A_80 : memref<10240x128xf32, #tpu.memory_space<vmem_shared>>) offsets(%dma_start3A_77 : memref<125xi32, #tpu.memory_space<vmem>>) semaphore(%run_scoped3A : memref<!tpu.dma_semaphore, #tpu.memory_space<semaphore_mem>>) {add = true}
        %dma_wait3A_81 = arith.constant 0 : i32
        %dma_wait3A_82 = tpu.memref_slice %arg8[%select_n3A, %dma_wait3A_81] : memref<40x125xi32, #tpu.memory_space<vmem>> -> memref<1x125xi32, #tpu.memory_space<vmem>>
        %dma_wait3A_83 = tpu.memref_squeeze %dma_wait3A_82 : memref<1x125xi32, #tpu.memory_space<vmem>> -> memref<125xi32, #tpu.memory_space<vmem>>
        %dma_wait3A_84 = arith.constant 0 : i32
        %dma_wait3A_85 = arith.constant 0 : i32
        %dma_wait3A_86 = tpu.memref_slice %arg11[%dma_wait3A_84, %dma_wait3A_85] : memref<10240x128xf32, #tpu.memory_space<vmem_shared>> -> memref<10240x128xf32, #tpu.memory_space<vmem_shared>>
        tpu.wait_indirect_dma semaphore(%run_scoped3A : memref<!tpu.dma_semaphore, #tpu.memory_space<semaphore_mem>>) src(%arg9 : memref<125x128xf32, #tpu.memory_space<vmem>>) dst(%dma_wait3A_86 : memref<10240x128xf32, #tpu.memory_space<vmem_shared>>)
        tpu.yield
      }) : () -> ()
      %add3A_50 = arith.constant 2 : i32
      %add3A_51 = arith.addi %mul3A_40, %add3A_50 : i32
      %lt3A_52 = arith.constant 80 : i32
      %lt3A_53 = arith.cmpi slt, %add3A_51, %lt3A_52 : i32
      %convert_element_type3A_54 = arith.extui %lt3A_53 : i1 to i32
      %cond3A_55 = arith.constant 0 : i32
      %cond3A_56 = arith.cmpi ne, %convert_element_type3A_54, %cond3A_55 : i32
      scf.if %cond3A_56 {
        %add3A_75 = arith.constant 2 : i32
        %add3A_76 = arith.addi %mul3A_40, %add3A_75 : i32
        %dma_start3A_77 = arith.constant 0 : i32
        %dma_start3A_78 = tpu.memref_slice %arg7[%add3A_76, %dma_start3A_77] : memref<80x125xi32, #tpu.memory_space<vmem>> -> memref<1x125xi32, #tpu.memory_space<vmem>>
        %dma_start3A_79 = tpu.memref_squeeze %dma_start3A_78 : memref<1x125xi32, #tpu.memory_space<vmem>> -> memref<125xi32, #tpu.memory_space<vmem>>
        %dma_start3A_80 = arith.constant 0 : i32
        %dma_start3A_81 = arith.constant 0 : i32
        %dma_start3A_82 = tpu.memref_slice %arg2[%dma_start3A_80, %dma_start3A_81] : memref<10000x128xf32, #tpu.memory_space<hbm>> -> memref<10000x128xf32, #tpu.memory_space<hbm>>
        tpu.enqueue_indirect_dma source(%dma_start3A_82 : memref<10000x128xf32, #tpu.memory_space<hbm>>) target(%arg9 : memref<125x128xf32, #tpu.memory_space<vmem>>) offsets(%dma_start3A_79 : memref<125xi32, #tpu.memory_space<vmem>>) semaphore(%arg12 : memref<!tpu.dma_semaphore, #tpu.memory_space<semaphore_mem>>)
      } else {
      }
      %add3A_57 = arith.constant 1 : i32
      %add3A_58 = arith.addi %mul3A_40, %add3A_57 : i32
      %dma_wait3A_59 = arith.constant 0 : i32
      %dma_wait3A_60 = tpu.memref_slice %arg7[%add3A_58, %dma_wait3A_59] : memref<80x125xi32, #tpu.memory_space<vmem>> -> memref<1x125xi32, #tpu.memory_space<vmem>>
      %dma_wait3A_61 = tpu.memref_squeeze %dma_wait3A_60 : memref<1x125xi32, #tpu.memory_space<vmem>> -> memref<125xi32, #tpu.memory_space<vmem>>
      %dma_wait3A_62 = arith.constant 0 : i32
      %dma_wait3A_63 = arith.constant 0 : i32
      %dma_wait3A_64 = tpu.memref_slice %arg2[%dma_wait3A_62, %dma_wait3A_63] : memref<10000x128xf32, #tpu.memory_space<hbm>> -> memref<10000x128xf32, #tpu.memory_space<hbm>>
      tpu.wait_indirect_dma semaphore(%arg13 : memref<!tpu.dma_semaphore, #tpu.memory_space<semaphore_mem>>) src(%dma_wait3A_64 : memref<10000x128xf32, #tpu.memory_space<hbm>>) dst(%arg10 : memref<125x128xf32, #tpu.memory_space<vmem>>)
      %add3A_65 = arith.constant 1 : i32
      %add3A_66 = arith.addi %select_n3A, %add3A_65 : i32
      "tpu.region"() ({
        %run_scoped3A = tpu.sem_alloc : memref<!tpu.dma_semaphore, #tpu.memory_space<semaphore_mem>>
        %dma_start3A_75 = arith.constant 0 : i32
        %dma_start3A_76 = tpu.memref_slice %arg8[%add3A_66, %dma_start3A_75] : memref<40x125xi32, #tpu.memory_space<vmem>> -> memref<1x125xi32, #tpu.memory_space<vmem>>
        %dma_start3A_77 = tpu.memref_squeeze %dma_start3A_76 : memref<1x125xi32, #tpu.memory_space<vmem>> -> memref<125xi32, #tpu.memory_space<vmem>>
        %dma_start3A_78 = arith.constant 0 : i32
        %dma_start3A_79 = arith.constant 0 : i32
        %dma_start3A_80 = tpu.memref_slice %arg11[%dma_start3A_78, %dma_start3A_79] : memref<10240x128xf32, #tpu.memory_space<vmem_shared>> -> memref<10240x128xf32, #tpu.memory_space<vmem_shared>>
        tpu.enqueue_indirect_dma source(%arg10 : memref<125x128xf32, #tpu.memory_space<vmem>>) target(%dma_start3A_80 : memref<10240x128xf32, #tpu.memory_space<vmem_shared>>) offsets(%dma_start3A_77 : memref<125xi32, #tpu.memory_space<vmem>>) semaphore(%run_scoped3A : memref<!tpu.dma_semaphore, #tpu.memory_space<semaphore_mem>>) {add = true}
        %dma_wait3A_81 = arith.constant 0 : i32
        %dma_wait3A_82 = tpu.memref_slice %arg8[%add3A_66, %dma_wait3A_81] : memref<40x125xi32, #tpu.memory_space<vmem>> -> memref<1x125xi32, #tpu.memory_space<vmem>>
        %dma_wait3A_83 = tpu.memref_squeeze %dma_wait3A_82 : memref<1x125xi32, #tpu.memory_space<vmem>> -> memref<125xi32, #tpu.memory_space<vmem>>
        %dma_wait3A_84 = arith.constant 0 : i32
        %dma_wait3A_85 = arith.constant 0 : i32
        %dma_wait3A_86 = tpu.memref_slice %arg11[%dma_wait3A_84, %dma_wait3A_85] : memref<10240x128xf32, #tpu.memory_space<vmem_shared>> -> memref<10240x128xf32, #tpu.memory_space<vmem_shared>>
        tpu.wait_indirect_dma semaphore(%run_scoped3A : memref<!tpu.dma_semaphore, #tpu.memory_space<semaphore_mem>>) src(%arg10 : memref<125x128xf32, #tpu.memory_space<vmem>>) dst(%dma_wait3A_86 : memref<10240x128xf32, #tpu.memory_space<vmem_shared>>)
        tpu.yield
      }) : () -> ()
      %add3A_67 = arith.constant 3 : i32
      %add3A_68 = arith.addi %mul3A_40, %add3A_67 : i32
      %lt3A_69 = arith.constant 80 : i32
      %lt3A_70 = arith.cmpi slt, %add3A_68, %lt3A_69 : i32
      %convert_element_type3A_71 = arith.extui %lt3A_70 : i1 to i32
      %cond3A_72 = arith.constant 0 : i32
      %cond3A_73 = arith.cmpi ne, %convert_element_type3A_71, %cond3A_72 : i32
      scf.if %cond3A_73 {
        %add3A_75 = arith.constant 3 : i32
        %add3A_76 = arith.addi %mul3A_40, %add3A_75 : i32
        %dma_start3A_77 = arith.constant 0 : i32
        %dma_start3A_78 = tpu.memref_slice %arg7[%add3A_76, %dma_start3A_77] : memref<80x125xi32, #tpu.memory_space<vmem>> -> memref<1x125xi32, #tpu.memory_space<vmem>>
        %dma_start3A_79 = tpu.memref_squeeze %dma_start3A_78 : memref<1x125xi32, #tpu.memory_space<vmem>> -> memref<125xi32, #tpu.memory_space<vmem>>
        %dma_start3A_80 = arith.constant 0 : i32
        %dma_start3A_81 = arith.constant 0 : i32
        %dma_start3A_82 = tpu.memref_slice %arg2[%dma_start3A_80, %dma_start3A_81] : memref<10000x128xf32, #tpu.memory_space<hbm>> -> memref<10000x128xf32, #tpu.memory_space<hbm>>
        tpu.enqueue_indirect_dma source(%dma_start3A_82 : memref<10000x128xf32, #tpu.memory_space<hbm>>) target(%arg10 : memref<125x128xf32, #tpu.memory_space<vmem>>) offsets(%dma_start3A_79 : memref<125xi32, #tpu.memory_space<vmem>>) semaphore(%arg13 : memref<!tpu.dma_semaphore, #tpu.memory_space<semaphore_mem>>)
      } else {
      }
      %scan3A_74 = arith.constant 0 : i32
      scf.yield %scan3A_74 : i32
    }
    %scan3A_35 = arith.constant 40 : i32
    %barrier3A_36 = arith.constant 0 : index
    tpu.barrier barrier_id(%barrier3A_36)
    "tpu.region"() ({
      %run_scoped3A = tpu.sem_alloc : memref<!tpu.dma_semaphore, #tpu.memory_space<semaphore_mem>>
      %dma_start3A_37 = arith.constant 0 : i32
      %dma_start3A_38 = tpu.memref_slice %arg6[%arg0, %multiple_of3A, %dma_start3A_37] : memref<2x10240x128xf32, #tpu.memory_space<hbm>> -> memref<1x640x128xf32, #tpu.memory_space<hbm>>
      %dma_start3A_39 = tpu.memref_squeeze %dma_start3A_38 : memref<1x640x128xf32, #tpu.memory_space<hbm>> -> memref<640x128xf32, #tpu.memory_space<hbm>>
      %dma_start3A_40 = arith.constant 0 : i32
      %dma_start3A_41 = tpu.memref_slice %arg11[%multiple_of3A, %dma_start3A_40] : memref<10240x128xf32, #tpu.memory_space<vmem_shared>> -> memref<640x128xf32, #tpu.memory_space<vmem_shared>>
      tpu.enqueue_dma source(%dma_start3A_41 : memref<640x128xf32, #tpu.memory_space<vmem_shared>>) target(%dma_start3A_39 : memref<640x128xf32, #tpu.memory_space<hbm>>) target_semaphore(%run_scoped3A : memref<!tpu.dma_semaphore, #tpu.memory_space<semaphore_mem>>)
      %dma_wait3A = arith.constant 0 : i32
      %dma_wait3A_42 = tpu.memref_slice %arg6[%arg0, %multiple_of3A, %dma_wait3A] : memref<2x10240x128xf32, #tpu.memory_space<hbm>> -> memref<1x640x128xf32, #tpu.memory_space<hbm>>
      %dma_wait3A_43 = tpu.memref_squeeze %dma_wait3A_42 : memref<1x640x128xf32, #tpu.memory_space<hbm>> -> memref<640x128xf32, #tpu.memory_space<hbm>>
      %dma_wait3A_44 = arith.constant 0 : i32
      %dma_wait3A_45 = tpu.memref_slice %arg11[%multiple_of3A, %dma_wait3A_44] : memref<10240x128xf32, #tpu.memory_space<vmem_shared>> -> memref<640x128xf32, #tpu.memory_space<vmem_shared>>
      tpu.wait_dma2 semaphore(%run_scoped3A : memref<!tpu.dma_semaphore, #tpu.memory_space<semaphore_mem>>) src(%dma_wait3A_45 : memref<640x128xf32, #tpu.memory_space<vmem_shared>>) dst(%dma_wait3A_43 : memref<640x128xf32, #tpu.memory_space<hbm>>)
      tpu.yield
    }) : () -> ()
    return
  }
}

#map = affine_map<(d0, d1) -> (0, 0)>
#map1 = affine_map<(d0, d1) -> (0, 0, 0)>
module attributes {stable_mosaic.version = 14 : i64} {
  func.func @_mp_kernel(%arg0: i32, %arg1: i32, %arg2: memref<10000x40xf32, #tpu.memory_space<hbm>>, %arg3: memref<32x80x125xi32, #tpu.memory_space<hbm>>, %arg4: memref<32x80x125xi32, #tpu.memory_space<hbm>>, %arg5: memref<64x40xf32, #tpu.memory_space<hbm>>, %arg6: memref<2x10240x40xf32, #tpu.memory_space<hbm>>, %arg7: memref<80x125xi32, #tpu.memory_space<vmem>>, %arg8: memref<40x125xi32, #tpu.memory_space<vmem>>, %arg9: memref<125x40xf32, #tpu.memory_space<vmem>>, %arg10: memref<125x40xf32, #tpu.memory_space<vmem>>, %arg11: memref<10240x40xf32, #tpu.memory_space<vmem_shared>>, %arg12: memref<!tpu.dma_semaphore, #tpu.memory_space<semaphore_mem>>, %arg13: memref<!tpu.dma_semaphore, #tpu.memory_space<semaphore_mem>>, %arg14: memref<!tpu.dma_semaphore, #tpu.memory_space<semaphore_mem>>, %arg15: memref<!tpu.dma_semaphore, #tpu.memory_space<semaphore_mem>>, %arg16: memref<!tpu.dma_semaphore, #tpu.memory_space<semaphore_mem>>) attributes {dimension_semantics = [#tpu.dimension_semantics<core_parallel>, #tpu.dimension_semantics<subcore_parallel>], iteration_bounds = array<i64: 2, 16>, scalar_prefetch = 0 : i64, scratch_operands = 10 : i64, tpu.core_type = #tpu.core_type<sc_vector_subcore>, window_params = [{transform_indices = #map}, {transform_indices = #map1}, {transform_indices = #map1}, {transform_indices = #map}, {transform_indices = #map1}]} {
    %mul3A = arith.constant 16 : i32
    %mul3A_0 = arith.muli %arg0, %mul3A : i32
    %add3A = arith.addi %mul3A_0, %arg1 : i32
    %mul3A_1 = arith.constant 640 : i32
    %mul3A_2 = arith.muli %arg1, %mul3A_1 : i32
    %multiple_of3A = tpu.assume_multiple %mul3A_2, 8 : i32
    %scan3A = arith.constant 0 : i32
    %scan3A_3 = arith.constant 0 : i32
    %scan3A_4 = arith.constant 10 : i32
    %scan3A_5 = arith.addi %scan3A_3, %scan3A_4 : i32
    %scan3A_6 = arith.constant 1 : i32
    %scan3A_7 = scf.for %scan3A_37 = %scan3A_3 to %scan3A_5 step %scan3A_6 iter_args(%scan3A_38 = %scan3A) -> (i32)  : i32 {
      %mul3A_39 = arith.constant 64 : i32
      %mul3A_40 = arith.muli %scan3A_37, %mul3A_39 : i32
      %add3A_41 = arith.addi %multiple_of3A, %mul3A_40 : i32
      %dma_start3A_42 = arith.constant 0 : i32
      %dma_start3A_43 = tpu.memref_slice %arg11[%add3A_41, %dma_start3A_42] : memref<10240x40xf32, #tpu.memory_space<vmem_shared>> -> memref<64x40xf32, #tpu.memory_space<vmem_shared>>
      tpu.enqueue_dma source(%arg5 : memref<64x40xf32, #tpu.memory_space<hbm>>) target(%dma_start3A_43 : memref<64x40xf32, #tpu.memory_space<vmem_shared>>) target_semaphore(%arg16 : memref<!tpu.dma_semaphore, #tpu.memory_space<semaphore_mem>>)
      %scan3A_44 = arith.constant 0 : i32
      scf.yield %scan3A_44 : i32
    }
    %scan3A_8 = arith.constant 10 : i32
    "tpu.region"() ({
      %run_scoped3A = tpu.sem_alloc : memref<!tpu.dma_semaphore, #tpu.memory_space<semaphore_mem>>
      %dma_start3A_37 = arith.constant 0 : i32
      %dma_start3A_38 = arith.constant 0 : i32
      %dma_start3A_39 = tpu.memref_slice %arg3[%add3A, %dma_start3A_37, %dma_start3A_38] : memref<32x80x125xi32, #tpu.memory_space<hbm>> -> memref<1x80x125xi32, #tpu.memory_space<hbm>>
      %dma_start3A_40 = tpu.memref_squeeze %dma_start3A_39 : memref<1x80x125xi32, #tpu.memory_space<hbm>> -> memref<80x125xi32, #tpu.memory_space<hbm>>
      %dma_start3A_41 = arith.constant 0 : i32
      %dma_start3A_42 = arith.constant 0 : i32
      %dma_start3A_43 = tpu.memref_slice %arg3[%add3A, %dma_start3A_41, %dma_start3A_42] : memref<32x80x125xi32, #tpu.memory_space<hbm>> -> memref<1x80x125xi32, #tpu.memory_space<hbm>>
      %dma_start3A_44 = tpu.memref_squeeze %dma_start3A_43 : memref<1x80x125xi32, #tpu.memory_space<hbm>> -> memref<80x125xi32, #tpu.memory_space<hbm>>
      tpu.enqueue_dma source(%dma_start3A_44 : memref<80x125xi32, #tpu.memory_space<hbm>>) target(%arg7 : memref<80x125xi32, #tpu.memory_space<vmem>>) target_semaphore(%run_scoped3A : memref<!tpu.dma_semaphore, #tpu.memory_space<semaphore_mem>>)
      %dma_wait3A = arith.constant 0 : i32
      %dma_wait3A_45 = arith.constant 0 : i32
      %dma_wait3A_46 = tpu.memref_slice %arg3[%add3A, %dma_wait3A, %dma_wait3A_45] : memref<32x80x125xi32, #tpu.memory_space<hbm>> -> memref<1x80x125xi32, #tpu.memory_space<hbm>>
      %dma_wait3A_47 = tpu.memref_squeeze %dma_wait3A_46 : memref<1x80x125xi32, #tpu.memory_space<hbm>> -> memref<80x125xi32, #tpu.memory_space<hbm>>
      %dma_wait3A_48 = arith.constant 0 : i32
      %dma_wait3A_49 = arith.constant 0 : i32
      %dma_wait3A_50 = tpu.memref_slice %arg3[%add3A, %dma_wait3A_48, %dma_wait3A_49] : memref<32x80x125xi32, #tpu.memory_space<hbm>> -> memref<1x80x125xi32, #tpu.memory_space<hbm>>
      %dma_wait3A_51 = tpu.memref_squeeze %dma_wait3A_50 : memref<1x80x125xi32, #tpu.memory_space<hbm>> -> memref<80x125xi32, #tpu.memory_space<hbm>>
      tpu.wait_dma2 semaphore(%run_scoped3A : memref<!tpu.dma_semaphore, #tpu.memory_space<semaphore_mem>>) src(%dma_wait3A_51 : memref<80x125xi32, #tpu.memory_space<hbm>>) dst(%arg7 : memref<80x125xi32, #tpu.memory_space<vmem>>)
      tpu.yield
    }) : () -> ()
    "tpu.region"() ({
      %run_scoped3A = tpu.sem_alloc : memref<!tpu.dma_semaphore, #tpu.memory_space<semaphore_mem>>
      %dma_start3A_37 = arith.constant 0 : i32
      %dma_start3A_38 = arith.constant 0 : i32
      %dma_start3A_39 = tpu.memref_slice %arg4[%add3A, %dma_start3A_37, %dma_start3A_38] : memref<32x80x125xi32, #tpu.memory_space<hbm>> -> memref<1x40x125xi32, #tpu.memory_space<hbm>>
      %dma_start3A_40 = tpu.memref_squeeze %dma_start3A_39 : memref<1x40x125xi32, #tpu.memory_space<hbm>> -> memref<40x125xi32, #tpu.memory_space<hbm>>
      %dma_start3A_41 = arith.constant 0 : i32
      %dma_start3A_42 = arith.constant 0 : i32
      %dma_start3A_43 = tpu.memref_slice %arg4[%add3A, %dma_start3A_41, %dma_start3A_42] : memref<32x80x125xi32, #tpu.memory_space<hbm>> -> memref<1x40x125xi32, #tpu.memory_space<hbm>>
      %dma_start3A_44 = tpu.memref_squeeze %dma_start3A_43 : memref<1x40x125xi32, #tpu.memory_space<hbm>> -> memref<40x125xi32, #tpu.memory_space<hbm>>
      tpu.enqueue_dma source(%dma_start3A_44 : memref<40x125xi32, #tpu.memory_space<hbm>>) target(%arg8 : memref<40x125xi32, #tpu.memory_space<vmem>>) target_semaphore(%run_scoped3A : memref<!tpu.dma_semaphore, #tpu.memory_space<semaphore_mem>>)
      %dma_wait3A = arith.constant 0 : i32
      %dma_wait3A_45 = arith.constant 0 : i32
      %dma_wait3A_46 = tpu.memref_slice %arg4[%add3A, %dma_wait3A, %dma_wait3A_45] : memref<32x80x125xi32, #tpu.memory_space<hbm>> -> memref<1x40x125xi32, #tpu.memory_space<hbm>>
      %dma_wait3A_47 = tpu.memref_squeeze %dma_wait3A_46 : memref<1x40x125xi32, #tpu.memory_space<hbm>> -> memref<40x125xi32, #tpu.memory_space<hbm>>
      %dma_wait3A_48 = arith.constant 0 : i32
      %dma_wait3A_49 = arith.constant 0 : i32
      %dma_wait3A_50 = tpu.memref_slice %arg4[%add3A, %dma_wait3A_48, %dma_wait3A_49] : memref<32x80x125xi32, #tpu.memory_space<hbm>> -> memref<1x40x125xi32, #tpu.memory_space<hbm>>
      %dma_wait3A_51 = tpu.memref_squeeze %dma_wait3A_50 : memref<1x40x125xi32, #tpu.memory_space<hbm>> -> memref<40x125xi32, #tpu.memory_space<hbm>>
      tpu.wait_dma2 semaphore(%run_scoped3A : memref<!tpu.dma_semaphore, #tpu.memory_space<semaphore_mem>>) src(%dma_wait3A_51 : memref<40x125xi32, #tpu.memory_space<hbm>>) dst(%arg8 : memref<40x125xi32, #tpu.memory_space<vmem>>)
      tpu.yield
    }) : () -> ()
    %dma_start3A = arith.constant 0 : i32
    %dma_start3A_9 = arith.constant 0 : i32
    %dma_start3A_10 = tpu.memref_slice %arg7[%dma_start3A, %dma_start3A_9] : memref<80x125xi32, #tpu.memory_space<vmem>> -> memref<1x125xi32, #tpu.memory_space<vmem>>
    %dma_start3A_11 = tpu.memref_squeeze %dma_start3A_10 : memref<1x125xi32, #tpu.memory_space<vmem>> -> memref<125xi32, #tpu.memory_space<vmem>>
    %dma_start3A_12 = arith.constant 0 : i32
    %dma_start3A_13 = arith.constant 0 : i32
    %dma_start3A_14 = tpu.memref_slice %arg2[%dma_start3A_12, %dma_start3A_13] : memref<10000x40xf32, #tpu.memory_space<hbm>> -> memref<10000x40xf32, #tpu.memory_space<hbm>>
    tpu.enqueue_indirect_dma source(%dma_start3A_14 : memref<10000x40xf32, #tpu.memory_space<hbm>>) target(%arg9 : memref<125x40xf32, #tpu.memory_space<vmem>>) offsets(%dma_start3A_11 : memref<125xi32, #tpu.memory_space<vmem>>) semaphore(%arg12 : memref<!tpu.dma_semaphore, #tpu.memory_space<semaphore_mem>>)
    %dma_start3A_15 = arith.constant 1 : i32
    %dma_start3A_16 = arith.constant 0 : i32
    %dma_start3A_17 = tpu.memref_slice %arg7[%dma_start3A_15, %dma_start3A_16] : memref<80x125xi32, #tpu.memory_space<vmem>> -> memref<1x125xi32, #tpu.memory_space<vmem>>
    %dma_start3A_18 = tpu.memref_squeeze %dma_start3A_17 : memref<1x125xi32, #tpu.memory_space<vmem>> -> memref<125xi32, #tpu.memory_space<vmem>>
    %dma_start3A_19 = arith.constant 0 : i32
    %dma_start3A_20 = arith.constant 0 : i32
    %dma_start3A_21 = tpu.memref_slice %arg2[%dma_start3A_19, %dma_start3A_20] : memref<10000x40xf32, #tpu.memory_space<hbm>> -> memref<10000x40xf32, #tpu.memory_space<hbm>>
    tpu.enqueue_indirect_dma source(%dma_start3A_21 : memref<10000x40xf32, #tpu.memory_space<hbm>>) target(%arg10 : memref<125x40xf32, #tpu.memory_space<vmem>>) offsets(%dma_start3A_18 : memref<125xi32, #tpu.memory_space<vmem>>) semaphore(%arg13 : memref<!tpu.dma_semaphore, #tpu.memory_space<semaphore_mem>>)
    %scan3A_22 = arith.constant 0 : i32
    %scan3A_23 = arith.constant 0 : i32
    %scan3A_24 = arith.constant 10 : i32
    %scan3A_25 = arith.addi %scan3A_23, %scan3A_24 : i32
    %scan3A_26 = arith.constant 1 : i32
    %scan3A_27 = scf.for %scan3A_37 = %scan3A_23 to %scan3A_25 step %scan3A_26 iter_args(%scan3A_38 = %scan3A_22) -> (i32)  : i32 {
      %dma_wait3A = arith.constant 0 : i32
      %dma_wait3A_39 = tpu.memref_slice %arg11[%multiple_of3A, %dma_wait3A] : memref<10240x40xf32, #tpu.memory_space<vmem_shared>> -> memref<64x40xf32, #tpu.memory_space<vmem_shared>>
      tpu.wait_dma2 semaphore(%arg16 : memref<!tpu.dma_semaphore, #tpu.memory_space<semaphore_mem>>) src(%arg5 : memref<64x40xf32, #tpu.memory_space<hbm>>) dst(%dma_wait3A_39 : memref<64x40xf32, #tpu.memory_space<vmem_shared>>)
      %scan3A_40 = arith.constant 0 : i32
      scf.yield %scan3A_40 : i32
    }
    %scan3A_28 = arith.constant 10 : i32
    %barrier3A = arith.constant 0 : index
    tpu.barrier barrier_id(%barrier3A)
    %scan3A_29 = arith.constant 0 : i32
    %scan3A_30 = arith.constant 0 : i32
    %scan3A_31 = arith.constant 40 : i32
    %scan3A_32 = arith.addi %scan3A_30, %scan3A_31 : i32
    %scan3A_33 = arith.constant 1 : i32
    %scan3A_34 = scf.for %scan3A_37 = %scan3A_30 to %scan3A_32 step %scan3A_33 iter_args(%scan3A_38 = %scan3A_29) -> (i32)  : i32 {
      %mul3A_39 = arith.constant 2 : i32
      %mul3A_40 = arith.muli %scan3A_37, %mul3A_39 : i32
      %lt3A = arith.constant 40 : i32
      %lt3A_41 = arith.cmpi slt, %mul3A_40, %lt3A : i32
      %sub3A = arith.constant 40 : i32
      %sub3A_42 = arith.subi %mul3A_40, %sub3A : i32
      %select_n3A = arith.select %lt3A_41, %mul3A_40, %sub3A_42 : i32
      %eq3A = arith.constant 40 : i32
      %eq3A_43 = arith.cmpi eq, %mul3A_40, %eq3A : i32
      %convert_element_type3A = arith.extui %eq3A_43 : i1 to i32
      %cond3A = arith.constant 0 : i32
      %cond3A_44 = arith.cmpi ne, %convert_element_type3A, %cond3A : i32
      scf.if %cond3A_44 {
        "tpu.region"() ({
          %run_scoped3A = tpu.sem_alloc : memref<!tpu.dma_semaphore, #tpu.memory_space<semaphore_mem>>
          %dma_start3A_101 = arith.constant 40 : i32
          %dma_start3A_102 = arith.constant 0 : i32
          %dma_start3A_103 = tpu.memref_slice %arg4[%add3A, %dma_start3A_101, %dma_start3A_102] : memref<32x80x125xi32, #tpu.memory_space<hbm>> -> memref<1x40x125xi32, #tpu.memory_space<hbm>>
          %dma_start3A_104 = tpu.memref_squeeze %dma_start3A_103 : memref<1x40x125xi32, #tpu.memory_space<hbm>> -> memref<40x125xi32, #tpu.memory_space<hbm>>
          %dma_start3A_105 = arith.constant 40 : i32
          %dma_start3A_106 = arith.constant 0 : i32
          %dma_start3A_107 = tpu.memref_slice %arg4[%add3A, %dma_start3A_105, %dma_start3A_106] : memref<32x80x125xi32, #tpu.memory_space<hbm>> -> memref<1x40x125xi32, #tpu.memory_space<hbm>>
          %dma_start3A_108 = tpu.memref_squeeze %dma_start3A_107 : memref<1x40x125xi32, #tpu.memory_space<hbm>> -> memref<40x125xi32, #tpu.memory_space<hbm>>
          tpu.enqueue_dma source(%dma_start3A_108 : memref<40x125xi32, #tpu.memory_space<hbm>>) target(%arg8 : memref<40x125xi32, #tpu.memory_space<vmem>>) target_semaphore(%run_scoped3A : memref<!tpu.dma_semaphore, #tpu.memory_space<semaphore_mem>>)
          %dma_wait3A_109 = arith.constant 40 : i32
          %dma_wait3A_110 = arith.constant 0 : i32
          %dma_wait3A_111 = tpu.memref_slice %arg4[%add3A, %dma_wait3A_109, %dma_wait3A_110] : memref<32x80x125xi32, #tpu.memory_space<hbm>> -> memref<1x40x125xi32, #tpu.memory_space<hbm>>
          %dma_wait3A_112 = tpu.memref_squeeze %dma_wait3A_111 : memref<1x40x125xi32, #tpu.memory_space<hbm>> -> memref<40x125xi32, #tpu.memory_space<hbm>>
          %dma_wait3A_113 = arith.constant 40 : i32
          %dma_wait3A_114 = arith.constant 0 : i32
          %dma_wait3A_115 = tpu.memref_slice %arg4[%add3A, %dma_wait3A_113, %dma_wait3A_114] : memref<32x80x125xi32, #tpu.memory_space<hbm>> -> memref<1x40x125xi32, #tpu.memory_space<hbm>>
          %dma_wait3A_116 = tpu.memref_squeeze %dma_wait3A_115 : memref<1x40x125xi32, #tpu.memory_space<hbm>> -> memref<40x125xi32, #tpu.memory_space<hbm>>
          tpu.wait_dma2 semaphore(%run_scoped3A : memref<!tpu.dma_semaphore, #tpu.memory_space<semaphore_mem>>) src(%dma_wait3A_116 : memref<40x125xi32, #tpu.memory_space<hbm>>) dst(%arg8 : memref<40x125xi32, #tpu.memory_space<vmem>>)
          tpu.yield
        }) : () -> ()
      } else {
      }
      %dma_wait3A = arith.constant 0 : i32
      %dma_wait3A_45 = tpu.memref_slice %arg7[%mul3A_40, %dma_wait3A] : memref<80x125xi32, #tpu.memory_space<vmem>> -> memref<1x125xi32, #tpu.memory_space<vmem>>
      %dma_wait3A_46 = tpu.memref_squeeze %dma_wait3A_45 : memref<1x125xi32, #tpu.memory_space<vmem>> -> memref<125xi32, #tpu.memory_space<vmem>>
      %dma_wait3A_47 = arith.constant 0 : i32
      %dma_wait3A_48 = arith.constant 0 : i32
      %dma_wait3A_49 = tpu.memref_slice %arg2[%dma_wait3A_47, %dma_wait3A_48] : memref<10000x40xf32, #tpu.memory_space<hbm>> -> memref<10000x40xf32, #tpu.memory_space<hbm>>
      tpu.wait_indirect_dma semaphore(%arg12 : memref<!tpu.dma_semaphore, #tpu.memory_space<semaphore_mem>>) src(%dma_wait3A_49 : memref<10000x40xf32, #tpu.memory_space<hbm>>) dst(%arg9 : memref<125x40xf32, #tpu.memory_space<vmem>>)
      %dma_start3A_50 = arith.constant 0 : i32
      %dma_start3A_51 = tpu.memref_slice %arg8[%select_n3A, %dma_start3A_50] : memref<40x125xi32, #tpu.memory_space<vmem>> -> memref<1x125xi32, #tpu.memory_space<vmem>>
      %dma_start3A_52 = tpu.memref_squeeze %dma_start3A_51 : memref<1x125xi32, #tpu.memory_space<vmem>> -> memref<125xi32, #tpu.memory_space<vmem>>
      %dma_start3A_53 = arith.constant 0 : i32
      %dma_start3A_54 = arith.constant 0 : i32
      %dma_start3A_55 = tpu.memref_slice %arg11[%dma_start3A_53, %dma_start3A_54] : memref<10240x40xf32, #tpu.memory_space<vmem_shared>> -> memref<10240x40xf32, #tpu.memory_space<vmem_shared>>
      tpu.enqueue_indirect_dma source(%arg9 : memref<125x40xf32, #tpu.memory_space<vmem>>) target(%dma_start3A_55 : memref<10240x40xf32, #tpu.memory_space<vmem_shared>>) offsets(%dma_start3A_52 : memref<125xi32, #tpu.memory_space<vmem>>) semaphore(%arg14 : memref<!tpu.dma_semaphore, #tpu.memory_space<semaphore_mem>>) {add = true}
      %add3A_56 = arith.constant 1 : i32
      %add3A_57 = arith.addi %mul3A_40, %add3A_56 : i32
      %dma_wait3A_58 = arith.constant 0 : i32
      %dma_wait3A_59 = tpu.memref_slice %arg7[%add3A_57, %dma_wait3A_58] : memref<80x125xi32, #tpu.memory_space<vmem>> -> memref<1x125xi32, #tpu.memory_space<vmem>>
      %dma_wait3A_60 = tpu.memref_squeeze %dma_wait3A_59 : memref<1x125xi32, #tpu.memory_space<vmem>> -> memref<125xi32, #tpu.memory_space<vmem>>
      %dma_wait3A_61 = arith.constant 0 : i32
      %dma_wait3A_62 = arith.constant 0 : i32
      %dma_wait3A_63 = tpu.memref_slice %arg2[%dma_wait3A_61, %dma_wait3A_62] : memref<10000x40xf32, #tpu.memory_space<hbm>> -> memref<10000x40xf32, #tpu.memory_space<hbm>>
      tpu.wait_indirect_dma semaphore(%arg13 : memref<!tpu.dma_semaphore, #tpu.memory_space<semaphore_mem>>) src(%dma_wait3A_63 : memref<10000x40xf32, #tpu.memory_space<hbm>>) dst(%arg10 : memref<125x40xf32, #tpu.memory_space<vmem>>)
      %add3A_64 = arith.constant 1 : i32
      %add3A_65 = arith.addi %select_n3A, %add3A_64 : i32
      %dma_start3A_66 = arith.constant 0 : i32
      %dma_start3A_67 = tpu.memref_slice %arg8[%add3A_65, %dma_start3A_66] : memref<40x125xi32, #tpu.memory_space<vmem>> -> memref<1x125xi32, #tpu.memory_space<vmem>>
      %dma_start3A_68 = tpu.memref_squeeze %dma_start3A_67 : memref<1x125xi32, #tpu.memory_space<vmem>> -> memref<125xi32, #tpu.memory_space<vmem>>
      %dma_start3A_69 = arith.constant 0 : i32
      %dma_start3A_70 = arith.constant 0 : i32
      %dma_start3A_71 = tpu.memref_slice %arg11[%dma_start3A_69, %dma_start3A_70] : memref<10240x40xf32, #tpu.memory_space<vmem_shared>> -> memref<10240x40xf32, #tpu.memory_space<vmem_shared>>
      tpu.enqueue_indirect_dma source(%arg10 : memref<125x40xf32, #tpu.memory_space<vmem>>) target(%dma_start3A_71 : memref<10240x40xf32, #tpu.memory_space<vmem_shared>>) offsets(%dma_start3A_68 : memref<125xi32, #tpu.memory_space<vmem>>) semaphore(%arg15 : memref<!tpu.dma_semaphore, #tpu.memory_space<semaphore_mem>>) {add = true}
      %dma_wait3A_72 = arith.constant 0 : i32
      %dma_wait3A_73 = tpu.memref_slice %arg8[%select_n3A, %dma_wait3A_72] : memref<40x125xi32, #tpu.memory_space<vmem>> -> memref<1x125xi32, #tpu.memory_space<vmem>>
      %dma_wait3A_74 = tpu.memref_squeeze %dma_wait3A_73 : memref<1x125xi32, #tpu.memory_space<vmem>> -> memref<125xi32, #tpu.memory_space<vmem>>
      %dma_wait3A_75 = arith.constant 0 : i32
      %dma_wait3A_76 = arith.constant 0 : i32
      %dma_wait3A_77 = tpu.memref_slice %arg11[%dma_wait3A_75, %dma_wait3A_76] : memref<10240x40xf32, #tpu.memory_space<vmem_shared>> -> memref<10240x40xf32, #tpu.memory_space<vmem_shared>>
      tpu.wait_indirect_dma semaphore(%arg14 : memref<!tpu.dma_semaphore, #tpu.memory_space<semaphore_mem>>) src(%arg9 : memref<125x40xf32, #tpu.memory_space<vmem>>) dst(%dma_wait3A_77 : memref<10240x40xf32, #tpu.memory_space<vmem_shared>>)
      %add3A_78 = arith.constant 2 : i32
      %add3A_79 = arith.addi %mul3A_40, %add3A_78 : i32
      %lt3A_80 = arith.constant 80 : i32
      %lt3A_81 = arith.cmpi slt, %add3A_79, %lt3A_80 : i32
      %convert_element_type3A_82 = arith.extui %lt3A_81 : i1 to i32
      %cond3A_83 = arith.constant 0 : i32
      %cond3A_84 = arith.cmpi ne, %convert_element_type3A_82, %cond3A_83 : i32
      scf.if %cond3A_84 {
        %add3A_101 = arith.constant 2 : i32
        %add3A_102 = arith.addi %mul3A_40, %add3A_101 : i32
        %dma_start3A_103 = arith.constant 0 : i32
        %dma_start3A_104 = tpu.memref_slice %arg7[%add3A_102, %dma_start3A_103] : memref<80x125xi32, #tpu.memory_space<vmem>> -> memref<1x125xi32, #tpu.memory_space<vmem>>
        %dma_start3A_105 = tpu.memref_squeeze %dma_start3A_104 : memref<1x125xi32, #tpu.memory_space<vmem>> -> memref<125xi32, #tpu.memory_space<vmem>>
        %dma_start3A_106 = arith.constant 0 : i32
        %dma_start3A_107 = arith.constant 0 : i32
        %dma_start3A_108 = tpu.memref_slice %arg2[%dma_start3A_106, %dma_start3A_107] : memref<10000x40xf32, #tpu.memory_space<hbm>> -> memref<10000x40xf32, #tpu.memory_space<hbm>>
        tpu.enqueue_indirect_dma source(%dma_start3A_108 : memref<10000x40xf32, #tpu.memory_space<hbm>>) target(%arg9 : memref<125x40xf32, #tpu.memory_space<vmem>>) offsets(%dma_start3A_105 : memref<125xi32, #tpu.memory_space<vmem>>) semaphore(%arg12 : memref<!tpu.dma_semaphore, #tpu.memory_space<semaphore_mem>>)
      } else {
      }
      %add3A_85 = arith.constant 1 : i32
      %add3A_86 = arith.addi %select_n3A, %add3A_85 : i32
      %dma_wait3A_87 = arith.constant 0 : i32
      %dma_wait3A_88 = tpu.memref_slice %arg8[%add3A_86, %dma_wait3A_87] : memref<40x125xi32, #tpu.memory_space<vmem>> -> memref<1x125xi32, #tpu.memory_space<vmem>>
      %dma_wait3A_89 = tpu.memref_squeeze %dma_wait3A_88 : memref<1x125xi32, #tpu.memory_space<vmem>> -> memref<125xi32, #tpu.memory_space<vmem>>
      %dma_wait3A_90 = arith.constant 0 : i32
      %dma_wait3A_91 = arith.constant 0 : i32
      %dma_wait3A_92 = tpu.memref_slice %arg11[%dma_wait3A_90, %dma_wait3A_91] : memref<10240x40xf32, #tpu.memory_space<vmem_shared>> -> memref<10240x40xf32, #tpu.memory_space<vmem_shared>>
      tpu.wait_indirect_dma semaphore(%arg15 : memref<!tpu.dma_semaphore, #tpu.memory_space<semaphore_mem>>) src(%arg10 : memref<125x40xf32, #tpu.memory_space<vmem>>) dst(%dma_wait3A_92 : memref<10240x40xf32, #tpu.memory_space<vmem_shared>>)
      %add3A_93 = arith.constant 3 : i32
      %add3A_94 = arith.addi %mul3A_40, %add3A_93 : i32
      %lt3A_95 = arith.constant 80 : i32
      %lt3A_96 = arith.cmpi slt, %add3A_94, %lt3A_95 : i32
      %convert_element_type3A_97 = arith.extui %lt3A_96 : i1 to i32
      %cond3A_98 = arith.constant 0 : i32
      %cond3A_99 = arith.cmpi ne, %convert_element_type3A_97, %cond3A_98 : i32
      scf.if %cond3A_99 {
        %add3A_101 = arith.constant 3 : i32
        %add3A_102 = arith.addi %mul3A_40, %add3A_101 : i32
        %dma_start3A_103 = arith.constant 0 : i32
        %dma_start3A_104 = tpu.memref_slice %arg7[%add3A_102, %dma_start3A_103] : memref<80x125xi32, #tpu.memory_space<vmem>> -> memref<1x125xi32, #tpu.memory_space<vmem>>
        %dma_start3A_105 = tpu.memref_squeeze %dma_start3A_104 : memref<1x125xi32, #tpu.memory_space<vmem>> -> memref<125xi32, #tpu.memory_space<vmem>>
        %dma_start3A_106 = arith.constant 0 : i32
        %dma_start3A_107 = arith.constant 0 : i32
        %dma_start3A_108 = tpu.memref_slice %arg2[%dma_start3A_106, %dma_start3A_107] : memref<10000x40xf32, #tpu.memory_space<hbm>> -> memref<10000x40xf32, #tpu.memory_space<hbm>>
        tpu.enqueue_indirect_dma source(%dma_start3A_108 : memref<10000x40xf32, #tpu.memory_space<hbm>>) target(%arg10 : memref<125x40xf32, #tpu.memory_space<vmem>>) offsets(%dma_start3A_105 : memref<125xi32, #tpu.memory_space<vmem>>) semaphore(%arg13 : memref<!tpu.dma_semaphore, #tpu.memory_space<semaphore_mem>>)
      } else {
      }
      %scan3A_100 = arith.constant 0 : i32
      scf.yield %scan3A_100 : i32
    }
    %scan3A_35 = arith.constant 40 : i32
    %barrier3A_36 = arith.constant 0 : index
    tpu.barrier barrier_id(%barrier3A_36)
    "tpu.region"() ({
      %run_scoped3A = tpu.sem_alloc : memref<!tpu.dma_semaphore, #tpu.memory_space<semaphore_mem>>
      %dma_start3A_37 = arith.constant 0 : i32
      %dma_start3A_38 = tpu.memref_slice %arg6[%arg0, %multiple_of3A, %dma_start3A_37] : memref<2x10240x40xf32, #tpu.memory_space<hbm>> -> memref<1x640x40xf32, #tpu.memory_space<hbm>>
      %dma_start3A_39 = tpu.memref_squeeze %dma_start3A_38 : memref<1x640x40xf32, #tpu.memory_space<hbm>> -> memref<640x40xf32, #tpu.memory_space<hbm>>
      %dma_start3A_40 = arith.constant 0 : i32
      %dma_start3A_41 = tpu.memref_slice %arg11[%multiple_of3A, %dma_start3A_40] : memref<10240x40xf32, #tpu.memory_space<vmem_shared>> -> memref<640x40xf32, #tpu.memory_space<vmem_shared>>
      tpu.enqueue_dma source(%dma_start3A_41 : memref<640x40xf32, #tpu.memory_space<vmem_shared>>) target(%dma_start3A_39 : memref<640x40xf32, #tpu.memory_space<hbm>>) target_semaphore(%run_scoped3A : memref<!tpu.dma_semaphore, #tpu.memory_space<semaphore_mem>>)
      %dma_wait3A = arith.constant 0 : i32
      %dma_wait3A_42 = tpu.memref_slice %arg6[%arg0, %multiple_of3A, %dma_wait3A] : memref<2x10240x40xf32, #tpu.memory_space<hbm>> -> memref<1x640x40xf32, #tpu.memory_space<hbm>>
      %dma_wait3A_43 = tpu.memref_squeeze %dma_wait3A_42 : memref<1x640x40xf32, #tpu.memory_space<hbm>> -> memref<640x40xf32, #tpu.memory_space<hbm>>
      %dma_wait3A_44 = arith.constant 0 : i32
      %dma_wait3A_45 = tpu.memref_slice %arg11[%multiple_of3A, %dma_wait3A_44] : memref<10240x40xf32, #tpu.memory_space<vmem_shared>> -> memref<640x40xf32, #tpu.memory_space<vmem_shared>>
      tpu.wait_dma2 semaphore(%run_scoped3A : memref<!tpu.dma_semaphore, #tpu.memory_space<semaphore_mem>>) src(%dma_wait3A_45 : memref<640x40xf32, #tpu.memory_space<vmem_shared>>) dst(%dma_wait3A_43 : memref<640x40xf32, #tpu.memory_space<hbm>>)
      tpu.yield
    }) : () -> ()
    return
  }
}

module attributes {stable_mosaic.version = 14 : i64} {
  func.func @_tc0_body(%arg0: i32, %arg1: memref<400x128xf32, #tpu.memory_space<vmem>>, %arg2: memref<128x128xf32, #tpu.memory_space<vmem>>, %arg3: memref<400x128xf32, #tpu.memory_space<vmem>>) attributes {dimension_semantics = [#tpu.dimension_semantics<arbitrary>], iteration_bounds = array<i64: 25>, scalar_prefetch = 0 : i64, scratch_operands = 0 : i64, tpu.core_type = #tpu.core_type<tc>, window_params = [{transform_indices = @transform_0, window_bounds = array<i64: 400, 128>}, {pipeline_mode = #tpu.pipeline_mode<synchronous>, transform_indices = @transform_1, window_bounds = array<i64: 128, 128>}, {transform_indices = @transform_2, window_bounds = array<i64: 400, 128>}]} {
    %get3A = arith.constant 0 : index
    %get3A_0 = arith.constant 0 : index
    %get3A_1 = vector.load %arg1[%get3A, %get3A_0] : memref<400x128xf32, #tpu.memory_space<vmem>>, vector<400x128xf32>
    %get3A_2 = arith.constant 0 : index
    %get3A_3 = arith.constant 0 : index
    %get3A_4 = vector.load %arg2[%get3A_2, %get3A_3] : memref<128x128xf32, #tpu.memory_space<vmem>>, vector<128x128xf32>
    %dot_general3A = arith.constant dense<0.000000e+00> : vector<400x128xf32>
    %dot_general3A_5 = tpu.matmul %get3A_1, %get3A_4, %dot_general3A {dimension_numbers = #tpu.dot_dimension_numbers<[1], [0], [0], [1], [0, 0, 1, 1], [], []>, transpose_lhs_hint = false} : vector<400x128xf32>, vector<128x128xf32>, vector<400x128xf32> -> vector<400x128xf32>
    %swap3A = arith.constant 0 : index
    %swap3A_6 = arith.constant 0 : index
    %swap3A_7 = vector.load %arg3[%swap3A, %swap3A_6] : memref<400x128xf32, #tpu.memory_space<vmem>>, vector<400x128xf32>
    tpu.vector_store %arg3[%swap3A, %swap3A_6], %dot_general3A_5 {strides = array<i32>} : memref<400x128xf32, #tpu.memory_space<vmem>>, vector<400x128xf32>,
    return
  }
  func.func @transform_0(%arg0: i32) -> (i32, i32) {
    %c0_i32 = arith.constant 0 : i32
    %c0_i32_0 = arith.constant 0 : i32
    return %arg0, %c0_i32 : i32, i32
  }
  func.func @transform_1(%arg0: i32) -> (i32, i32) {
    %c0_i32 = arith.constant 0 : i32
    %c0_i32_0 = arith.constant 0 : i32
    %c0_i32_1 = arith.constant 0 : i32
    return %c0_i32, %c0_i32_0 : i32, i32
  }
  func.func @transform_2(%arg0: i32) -> (i32, i32) {
    %c0_i32 = arith.constant 0 : i32
    %c0_i32_0 = arith.constant 0 : i32
    return %arg0, %c0_i32 : i32, i32
  }
}

module attributes {stable_mosaic.version = 14 : i64} {
  func.func @_tc1_body(%arg0: i32, %arg1: memref<2x400x16xf32, #tpu.memory_space<vmem>>, %arg2: memref<400x128xf32, #tpu.memory_space<vmem>>, %arg3: memref<400x128xf32, #tpu.memory_space<vmem>>, %arg4: memref<400x1xf32, #tpu.memory_space<vmem>>, %arg5: memref<400x1xf32, #tpu.memory_space<vmem>>) attributes {dimension_semantics = [#tpu.dimension_semantics<arbitrary>], iteration_bounds = array<i64: 25>, scalar_prefetch = 0 : i64, scratch_operands = 0 : i64, tpu.core_type = #tpu.core_type<tc>, window_params = [{transform_indices = @transform_0, window_bounds = array<i64: 2, 400, 16>}, {transform_indices = @transform_1, window_bounds = array<i64: 400, 128>}, {transform_indices = @transform_2, window_bounds = array<i64: 400, 128>}, {transform_indices = @transform_3, window_bounds = array<i64: 400, 1>}, {transform_indices = @transform_4, window_bounds = array<i64: 400, 1>}]} {
    %get3A = arith.constant 0 : index
    %get3A_0 = arith.constant 0 : index
    %get3A_1 = arith.constant 0 : index
    %get3A_2 = vector.load %arg1[%get3A, %get3A_0, %get3A_1] : memref<2x400x16xf32, #tpu.memory_space<vmem>>, vector<1x400x1xf32>
    %get3A_3 = vector.shape_cast %get3A_2 : vector<1x400x1xf32> to vector<400x1xf32>
    %get3A_4 = arith.constant 1 : index
    %get3A_5 = arith.constant 0 : index
    %get3A_6 = arith.constant 0 : index
    %get3A_7 = vector.load %arg1[%get3A_4, %get3A_5, %get3A_6] : memref<2x400x16xf32, #tpu.memory_space<vmem>>, vector<1x400x1xf32>
    %get3A_8 = vector.shape_cast %get3A_7 : vector<1x400x1xf32> to vector<400x1xf32>
    %add3A = arith.addf %get3A_3, %get3A_8 : vector<400x1xf32>
    %get3A_9 = arith.constant 0 : index
    %get3A_10 = arith.constant 0 : index
    %get3A_11 = arith.constant 8 : index
    %get3A_12 = vector.load %arg1[%get3A_9, %get3A_10, %get3A_11] : memref<2x400x16xf32, #tpu.memory_space<vmem>>, vector<1x400x1xf32>
    %get3A_13 = vector.shape_cast %get3A_12 : vector<1x400x1xf32> to vector<400x1xf32>
    %get3A_14 = arith.constant 1 : index
    %get3A_15 = arith.constant 0 : index
    %get3A_16 = arith.constant 8 : index
    %get3A_17 = vector.load %arg1[%get3A_14, %get3A_15, %get3A_16] : memref<2x400x16xf32, #tpu.memory_space<vmem>>, vector<1x400x1xf32>
    %get3A_18 = vector.shape_cast %get3A_17 : vector<1x400x1xf32> to vector<400x1xf32>
    %add3A_19 = arith.addf %get3A_13, %get3A_18 : vector<400x1xf32>
    %max3A = arith.constant 1.000000e+00 : f32
    %max3A_20 = vector.broadcast %max3A : f32 to vector<400x1xf32>
    %max3A_21 = arith.maximumf %add3A, %max3A_20 : vector<400x1xf32>
    %rsqrt3A = math.rsqrt %max3A_21 : vector<400x1xf32>
    %max3A_22 = arith.constant 1.000000e+00 : f32
    %max3A_23 = vector.broadcast %max3A_22 : f32 to vector<400x1xf32>
    %max3A_24 = arith.maximumf %add3A_19, %max3A_23 : vector<400x1xf32>
    %rsqrt3A_25 = math.rsqrt %max3A_24 : vector<400x1xf32>
    %get3A_26 = arith.constant 0 : index
    %get3A_27 = arith.constant 0 : index
    %get3A_28 = vector.load %arg2[%get3A_26, %get3A_27] : memref<400x128xf32, #tpu.memory_space<vmem>>, vector<400x128xf32>
    %mul3A = vector.broadcast %rsqrt3A : vector<400x1xf32> to vector<400x128xf32>
    %mul3A_29 = arith.mulf %get3A_28, %mul3A : vector<400x128xf32>
    %swap3A = arith.constant 0 : index
    %swap3A_30 = arith.constant 0 : index
    %swap3A_31 = vector.load %arg3[%swap3A, %swap3A_30] : memref<400x128xf32, #tpu.memory_space<vmem>>, vector<400x128xf32>
    tpu.vector_store %arg3[%swap3A, %swap3A_30], %mul3A_29 {strides = array<i32>} : memref<400x128xf32, #tpu.memory_space<vmem>>, vector<400x128xf32>,
    %swap3A_32 = arith.constant 0 : index
    %swap3A_33 = arith.constant 0 : index
    %swap3A_34 = vector.load %arg4[%swap3A_32, %swap3A_33] : memref<400x1xf32, #tpu.memory_space<vmem>>, vector<400x1xf32>
    tpu.vector_store %arg4[%swap3A_32, %swap3A_33], %rsqrt3A {strides = array<i32>} : memref<400x1xf32, #tpu.memory_space<vmem>>, vector<400x1xf32>,
    %swap3A_35 = arith.constant 0 : index
    %swap3A_36 = arith.constant 0 : index
    %swap3A_37 = vector.load %arg5[%swap3A_35, %swap3A_36] : memref<400x1xf32, #tpu.memory_space<vmem>>, vector<400x1xf32>
    tpu.vector_store %arg5[%swap3A_35, %swap3A_36], %rsqrt3A_25 {strides = array<i32>} : memref<400x1xf32, #tpu.memory_space<vmem>>, vector<400x1xf32>,
    return
  }
  func.func @transform_0(%arg0: i32) -> (i32, i32, i32) {
    %c0_i32 = arith.constant 0 : i32
    %c0_i32_0 = arith.constant 0 : i32
    %c0_i32_1 = arith.constant 0 : i32
    return %c0_i32, %arg0, %c0_i32_0 : i32, i32, i32
  }
  func.func @transform_1(%arg0: i32) -> (i32, i32) {
    %c0_i32 = arith.constant 0 : i32
    %c0_i32_0 = arith.constant 0 : i32
    return %arg0, %c0_i32 : i32, i32
  }
  func.func @transform_2(%arg0: i32) -> (i32, i32) {
    %c0_i32 = arith.constant 0 : i32
    %c0_i32_0 = arith.constant 0 : i32
    return %arg0, %c0_i32 : i32, i32
  }
  func.func @transform_3(%arg0: i32) -> (i32, i32) {
    %c0_i32 = arith.constant 0 : i32
    %c0_i32_0 = arith.constant 0 : i32
    return %arg0, %c0_i32 : i32, i32
  }
  func.func @transform_4(%arg0: i32) -> (i32, i32) {
    %c0_i32 = arith.constant 0 : i32
    %c0_i32_0 = arith.constant 0 : i32
    return %arg0, %c0_i32 : i32, i32
  }
}

module attributes {stable_mosaic.version = 14 : i64} {
  func.func @_tc2_body(%arg0: i32, %arg1: memref<2x400x128xf32, #tpu.memory_space<vmem>>, %arg2: memref<400x1xf32, #tpu.memory_space<vmem>>, %arg3: memref<400x1xf32, #tpu.memory_space<vmem>>, %arg4: memref<1x128xf32, #tpu.memory_space<vmem>>, %arg5: memref<128x40xf32, #tpu.memory_space<vmem>>, %arg6: memref<400x40xf32, #tpu.memory_space<vmem>>) attributes {dimension_semantics = [#tpu.dimension_semantics<arbitrary>], iteration_bounds = array<i64: 25>, scalar_prefetch = 0 : i64, scratch_operands = 0 : i64, tpu.core_type = #tpu.core_type<tc>, window_params = [{transform_indices = @transform_0, window_bounds = array<i64: 2, 400, 128>}, {transform_indices = @transform_1, window_bounds = array<i64: 400, 1>}, {transform_indices = @transform_2, window_bounds = array<i64: 400, 1>}, {pipeline_mode = #tpu.pipeline_mode<synchronous>, transform_indices = @transform_3, window_bounds = array<i64: 1, 128>}, {pipeline_mode = #tpu.pipeline_mode<synchronous>, transform_indices = @transform_4, window_bounds = array<i64: 128, 40>}, {transform_indices = @transform_5, window_bounds = array<i64: 400, 40>}]} {
    %get3A = arith.constant 0 : index
    %get3A_0 = arith.constant 0 : index
    %get3A_1 = arith.constant 0 : index
    %get3A_2 = vector.load %arg1[%get3A, %get3A_0, %get3A_1] : memref<2x400x128xf32, #tpu.memory_space<vmem>>, vector<1x400x128xf32>
    %get3A_3 = vector.shape_cast %get3A_2 : vector<1x400x128xf32> to vector<400x128xf32>
    %get3A_4 = arith.constant 1 : index
    %get3A_5 = arith.constant 0 : index
    %get3A_6 = arith.constant 0 : index
    %get3A_7 = vector.load %arg1[%get3A_4, %get3A_5, %get3A_6] : memref<2x400x128xf32, #tpu.memory_space<vmem>>, vector<1x400x128xf32>
    %get3A_8 = vector.shape_cast %get3A_7 : vector<1x400x128xf32> to vector<400x128xf32>
    %add3A = arith.addf %get3A_3, %get3A_8 : vector<400x128xf32>
    %get3A_9 = arith.constant 0 : index
    %get3A_10 = arith.constant 0 : index
    %get3A_11 = vector.load %arg2[%get3A_9, %get3A_10] : memref<400x1xf32, #tpu.memory_space<vmem>>, vector<400x1xf32>
    %mul3A = vector.broadcast %get3A_11 : vector<400x1xf32> to vector<400x128xf32>
    %mul3A_12 = arith.mulf %add3A, %mul3A : vector<400x128xf32>
    %get3A_13 = arith.constant 0 : index
    %get3A_14 = arith.constant 0 : index
    %get3A_15 = vector.load %arg4[%get3A_13, %get3A_14] : memref<1x128xf32, #tpu.memory_space<vmem>>, vector<1x128xf32>
    %add3A_16 = vector.broadcast %get3A_15 : vector<1x128xf32> to vector<400x128xf32>
    %add3A_17 = arith.addf %mul3A_12, %add3A_16 : vector<400x128xf32>
    %max3A = arith.constant 0.000000e+00 : f32
    %max3A_18 = vector.broadcast %max3A : f32 to vector<400x128xf32>
    %max3A_19 = arith.maximumf %add3A_17, %max3A_18 : vector<400x128xf32>
    %get3A_20 = arith.constant 0 : index
    %get3A_21 = arith.constant 0 : index
    %get3A_22 = vector.load %arg3[%get3A_20, %get3A_21] : memref<400x1xf32, #tpu.memory_space<vmem>>, vector<400x1xf32>
    %mul3A_23 = vector.broadcast %get3A_22 : vector<400x1xf32> to vector<400x128xf32>
    %mul3A_24 = arith.mulf %max3A_19, %mul3A_23 : vector<400x128xf32>
    %get3A_25 = arith.constant 0 : index
    %get3A_26 = arith.constant 0 : index
    %get3A_27 = vector.load %arg5[%get3A_25, %get3A_26] : memref<128x40xf32, #tpu.memory_space<vmem>>, vector<128x40xf32>
    %dot_general3A = arith.constant dense<0.000000e+00> : vector<400x40xf32>
    %dot_general3A_28 = tpu.matmul %mul3A_24, %get3A_27, %dot_general3A {dimension_numbers = #tpu.dot_dimension_numbers<[1], [0], [0], [1], [0, 0, 1, 1], [], []>, transpose_lhs_hint = false} : vector<400x128xf32>, vector<128x40xf32>, vector<400x40xf32> -> vector<400x40xf32>
    %swap3A = arith.constant 0 : index
    %swap3A_29 = arith.constant 0 : index
    %swap3A_30 = vector.load %arg6[%swap3A, %swap3A_29] : memref<400x40xf32, #tpu.memory_space<vmem>>, vector<400x40xf32>
    tpu.vector_store %arg6[%swap3A, %swap3A_29], %dot_general3A_28 {strides = array<i32>} : memref<400x40xf32, #tpu.memory_space<vmem>>, vector<400x40xf32>,
    return
  }
  func.func @transform_0(%arg0: i32) -> (i32, i32, i32) {
    %c0_i32 = arith.constant 0 : i32
    %c0_i32_0 = arith.constant 0 : i32
    %c0_i32_1 = arith.constant 0 : i32
    return %c0_i32, %arg0, %c0_i32_0 : i32, i32, i32
  }
  func.func @transform_1(%arg0: i32) -> (i32, i32) {
    %c0_i32 = arith.constant 0 : i32
    %c0_i32_0 = arith.constant 0 : i32
    return %arg0, %c0_i32 : i32, i32
  }
  func.func @transform_2(%arg0: i32) -> (i32, i32) {
    %c0_i32 = arith.constant 0 : i32
    %c0_i32_0 = arith.constant 0 : i32
    return %arg0, %c0_i32 : i32, i32
  }
  func.func @transform_3(%arg0: i32) -> (i32, i32) {
    %c0_i32 = arith.constant 0 : i32
    %c0_i32_0 = arith.constant 0 : i32
    %c0_i32_1 = arith.constant 0 : i32
    return %c0_i32, %c0_i32_0 : i32, i32
  }
  func.func @transform_4(%arg0: i32) -> (i32, i32) {
    %c0_i32 = arith.constant 0 : i32
    %c0_i32_0 = arith.constant 0 : i32
    %c0_i32_1 = arith.constant 0 : i32
    return %c0_i32, %c0_i32_0 : i32, i32
  }
  func.func @transform_5(%arg0: i32) -> (i32, i32) {
    %c0_i32 = arith.constant 0 : i32
    %c0_i32_0 = arith.constant 0 : i32
    return %arg0, %c0_i32 : i32, i32
  }
}

module attributes {stable_mosaic.version = 14 : i64} {
  func.func @_tc3_body(%arg0: i32, %arg1: memref<2x400x40xf32, #tpu.memory_space<vmem>>, %arg2: memref<400x1xf32, #tpu.memory_space<vmem>>, %arg3: memref<1x40xf32, #tpu.memory_space<vmem>>, %arg4: memref<400x40xf32, #tpu.memory_space<vmem>>) attributes {dimension_semantics = [#tpu.dimension_semantics<arbitrary>], iteration_bounds = array<i64: 25>, scalar_prefetch = 0 : i64, scratch_operands = 0 : i64, tpu.core_type = #tpu.core_type<tc>, window_params = [{transform_indices = @transform_0, window_bounds = array<i64: 2, 400, 40>}, {transform_indices = @transform_1, window_bounds = array<i64: 400, 1>}, {pipeline_mode = #tpu.pipeline_mode<synchronous>, transform_indices = @transform_2, window_bounds = array<i64: 1, 40>}, {transform_indices = @transform_3, window_bounds = array<i64: 400, 40>}]} {
    %get3A = arith.constant 0 : index
    %get3A_0 = arith.constant 0 : index
    %get3A_1 = arith.constant 0 : index
    %get3A_2 = vector.load %arg1[%get3A, %get3A_0, %get3A_1] : memref<2x400x40xf32, #tpu.memory_space<vmem>>, vector<1x400x40xf32>
    %get3A_3 = vector.shape_cast %get3A_2 : vector<1x400x40xf32> to vector<400x40xf32>
    %get3A_4 = arith.constant 1 : index
    %get3A_5 = arith.constant 0 : index
    %get3A_6 = arith.constant 0 : index
    %get3A_7 = vector.load %arg1[%get3A_4, %get3A_5, %get3A_6] : memref<2x400x40xf32, #tpu.memory_space<vmem>>, vector<1x400x40xf32>
    %get3A_8 = vector.shape_cast %get3A_7 : vector<1x400x40xf32> to vector<400x40xf32>
    %add3A = arith.addf %get3A_3, %get3A_8 : vector<400x40xf32>
    %get3A_9 = arith.constant 0 : index
    %get3A_10 = arith.constant 0 : index
    %get3A_11 = vector.load %arg2[%get3A_9, %get3A_10] : memref<400x1xf32, #tpu.memory_space<vmem>>, vector<400x1xf32>
    %mul3A = vector.broadcast %get3A_11 : vector<400x1xf32> to vector<400x40xf32>
    %mul3A_12 = arith.mulf %add3A, %mul3A : vector<400x40xf32>
    %get3A_13 = arith.constant 0 : index
    %get3A_14 = arith.constant 0 : index
    %get3A_15 = vector.load %arg3[%get3A_13, %get3A_14] : memref<1x40xf32, #tpu.memory_space<vmem>>, vector<1x40xf32>
    %add3A_16 = vector.broadcast %get3A_15 : vector<1x40xf32> to vector<400x40xf32>
    %add3A_17 = arith.addf %mul3A_12, %add3A_16 : vector<400x40xf32>
    %swap3A = arith.constant 0 : index
    %swap3A_18 = arith.constant 0 : index
    %swap3A_19 = vector.load %arg4[%swap3A, %swap3A_18] : memref<400x40xf32, #tpu.memory_space<vmem>>, vector<400x40xf32>
    tpu.vector_store %arg4[%swap3A, %swap3A_18], %add3A_17 {strides = array<i32>} : memref<400x40xf32, #tpu.memory_space<vmem>>, vector<400x40xf32>,
    return
  }
  func.func @transform_0(%arg0: i32) -> (i32, i32, i32) {
    %c0_i32 = arith.constant 0 : i32
    %c0_i32_0 = arith.constant 0 : i32
    %c0_i32_1 = arith.constant 0 : i32
    return %c0_i32, %arg0, %c0_i32_0 : i32, i32, i32
  }
  func.func @transform_1(%arg0: i32) -> (i32, i32) {
    %c0_i32 = arith.constant 0 : i32
    %c0_i32_0 = arith.constant 0 : i32
    return %arg0, %c0_i32 : i32, i32
  }
  func.func @transform_2(%arg0: i32) -> (i32, i32) {
    %c0_i32 = arith.constant 0 : i32
    %c0_i32_0 = arith.constant 0 : i32
    %c0_i32_1 = arith.constant 0 : i32
    return %c0_i32, %c0_i32_0 : i32, i32
  }
  func.func @transform_3(%arg0: i32) -> (i32, i32) {
    %c0_i32 = arith.constant 0 : i32
    %c0_i32_0 = arith.constant 0 : i32
    return %arg0, %c0_i32 : i32, i32
  }
}

</mosaic_0001>

<sc_bundles>
// kernel: kernel.12.cloned.1.call-start
scs
__scs_entry_jumppad:
0x0: {  	(pc) =	sbr.rel $0x88, $3  }
0x1: {  	(tag) =	ssettag $0x0;
	lr =	simm.s32 $0x1  }
0x2: {  	[smem:$0x3F9B] =	sst lr;
	_ =	strace $0xD0000000  }
0x3: {  	_ = 	snop  }
0x4: {  	_ = 	snop  }
0x5: {  	_ = 	snop  }
0x6: {  	_ = 	snop  }
0x7: {  	_ = 	snop  }
__scs_overlays_trampoline_lowered:
0x8: {  	[smem:$0x3FAA] =	sst s0  }
0x9: {  	[smem:$0x3FAB] =	sst s1  }
0xa: {  	[smem:$0x3FAC] =	sst s2  }
0xb: {  	[smem:$0x3FAD] =	sst s3  }
0xc: {  	[smem:$0x3FAE] =	sst s4  }
0xd: {  	[smem:$0x3FAF] =	sst s5  }
0xe: {  	[smem:$0x3FB0] =	sst s6  }
0xf: {  	[smem:$0x3FB1] =	sst s7  }
0x10: {  	[smem:$0x3FB2] =	sst s8  }
0x11: {  	[smem:$0x3FB3] =	sst s9;
	s0 =	simm.s32 @!p0 $0x0  }
0x12: {  	s1 =	sld [smem:$0x3F99];
	s0 =	simm.s32 @p0 $0x1  }
0x13: {  	[smem:$0x3FB4] =	sst s0;
	s0 =	simm.s32 @!p1 $0x0  }
0x14: {  	s2 =	sld [smem:$0x3F98];
	s0 =	simm.s32 @p1 $0x1  }
0x15: {  	[smem:$0x3FB5] =	sst s0;
	s0 =	simm.s32 @!p2 $0x0  }
0x16: {  	s3 =	sld [smem:$0x3FDB];
	s0 =	simm.s32 @p2 $0x1  }
0x17: {  	s4 =	simm.s32 $0x1BF5;
	[smem:$0x3FB7] =	sst s0  }
0x18: {  	s0 =	sld [smem:$0x3F9A];
	_ =	swait.ge [sflag:s4], $0x0  }
0x19: {  	s7 =	sld [smem:$0x3F9B]  }
0x1a: {  	s8 =	sadd.s32 $0xFFFFE003, lr  }
0x1b: {  	s9 =	sadd.s32 $0xFFFFFEF7, lr;
	s5 =	simm.s32 $0xFFFFFFFF;
	p2 =	slt.u32 s8, $0xFFFFF086  }
0x1c: {  	p1 =	slt.u32 s9, $0xF7A;
	s5 =	simm.s32 @!p2 $0x0  }
0x1d: {  	s5 =	simm.s32 @p1 $0x1;
	p0 =	seq.s32 s7, s2  }
0x1e: {  	s7 =	smul.u32 @!p0 $0xF7A, s2;
	p2 =	seq.s32 @!p0 s5, $0x0  }
0x1f: {  	s9 =	smul.u32 $0xF7A, s1;
	s8 =	simm.s32 @!p0 $0x1BF5;
	p2 =	por !p2, p0  }
0x20: {  	[sflag:s8] =	ssyncset.s32 @!p0 $0xFFFFF086;
	s6 =	sadd.s32 @!p0 s3, s7;
	s7 =	simm.s32 @!p0 $0x108  }
0x21: {  	s3 =	sadd.s32 s3, s9;
	s6 =	sadd.s32 @!p0 $0x88, s6;
	s7 =	simm.s32 @p2 $0x1082  }
0x22: {  	[simem:s7], [sflag:s8] =	dma.local @!p0 [hbm:s6], $0xF7A  }
0x23: {  	s9 =	sor.u32 $0xD0000000, s2;
	s6 =	simm.s32 $0x108;
	_ =	swait.ge @!p0 [sflag:s8], $0x0  }
0x24: {  	s3 =	sadd.s32 $0x88, s3;
	s6 =	simm.s32 @!p1 $0x1082;
	[sflag:s4] =	ssyncset.s32 $0xFFFFF086  }
0x25: {  	[simem:s6], [sflag:s4] =	dma.local [hbm:s3], $0xF7A  }
0x26: {  	[smem:$0x3F9B] =	sst s1;
	(tag) =	ssettag s2;
	_ =	strace s9  }
0x27: {  	s1 =	sld [smem:$0x3FAB]  }
0x28: {  	s2 =	sld [smem:$0x3FAC]  }
0x29: {  	s4 =	sld [smem:$0x3FAE]  }
0x2a: {  	p0 =	seq.s32 s5, $0x0;
	s5 =	sld [smem:$0x3FAF]  }
0x2b: {  	s6 =	sld [smem:$0x3FB0]  }
0x2c: {  	s7 =	sld [smem:$0x3FB1]  }
0x2d: {  	s3 =	simm.s32 $0x108;
	s8 =	sld [smem:$0x3FB2]  }
0x2e: {  	s3 =	simm.s32 @!p0 $0x1082;
	s9 =	sld [smem:$0x3FB3]  }
0x2f: {  	lr =	sadd.s32 s0, s3;
	s0 =	sld [smem:$0x3FAA]  }
0x30: {  	s3 =	sld [smem:$0x3FAD]  }
0x31: {  	[smem:$0x3FB6] =	sst s10  }
0x32: {  	s10 =	sld [smem:$0x3FB4];
	_ =	sdelay $0x3  }
0x33: {  	p0 =	seq.s32 s10, $0x1;
	s10 =	sld [smem:$0x3FB6];
	_ =	sdelay $0x3  }
0x34: {  	[smem:$0x3FB6] =	sst s10  }
0x35: {  	s10 =	sld [smem:$0x3FB5];
	_ =	sdelay $0x3  }
0x36: {  	p1 =	seq.s32 s10, $0x1;
	s10 =	sld [smem:$0x3FB6];
	_ =	sdelay $0x3  }
0x37: {  	[smem:$0x3FB6] =	sst s10  }
0x38: {  	s10 =	sld [smem:$0x3FB7]  }
0x39: {  	_ = 	snop;
	(pc) =	sbr.ind lr, $3  }
0x3a: {  	_ = 	snop  }
0x3b: {  	_ = 	snop  }
0x3c: {  	p2 =	seq.s32 s10, $0x1;
	s10 =	sld [smem:$0x3FB6]  }
0x3d: {  	_ =	shalt  }
0x3e: {  	_ =	shalt  }
0x3f: {  	_ =	shalt  }
0x40: {  	_ =	shalt  }
0x41: {  	_ =	shalt  }
0x42: {  	_ =	shalt  }
0x43: {  	_ =	shalt  }
0x44: {  	_ =	shalt  }
0x45: {  	_ =	shalt  }
0x46: {  	_ =	shalt  }
0x47: {  	_ =	shalt  }
0x48: {  	_ =	shalt  }
0x49: {  	_ =	shalt  }
0x4a: {  	_ =	shalt  }
0x4b: {  	_ =	shalt  }
0x4c: {  	_ =	shalt  }
0x4d: {  	_ =	shalt  }
0x4e: {  	_ =	shalt  }
0x4f: {  	_ =	shalt  }
0x50: {  	_ =	shalt  }
0x51: {  	_ =	shalt  }
0x52: {  	_ =	shalt  }
0x53: {  	_ =	shalt  }
0x54: {  	_ =	shalt  }
0x55: {  	_ =	shalt  }
0x56: {  	_ =	shalt  }
0x57: {  	_ =	shalt  }
0x58: {  	_ =	shalt  }
0x59: {  	_ =	shalt  }
0x5a: {  	_ =	shalt  }
0x5b: {  	_ =	shalt  }
0x5c: {  	_ =	shalt  }
0x5d: {  	_ =	shalt  }
0x5e: {  	_ =	shalt  }
0x5f: {  	_ =	shalt  }
0x60: {  	_ =	shalt  }
0x61: {  	_ =	shalt  }
0x62: {  	_ =	shalt  }
0x63: {  	_ =	shalt  }
0x64: {  	_ =	shalt  }
0x65: {  	_ =	shalt  }
0x66: {  	_ =	shalt  }
0x67: {  	_ =	shalt  }
0x68: {  	_ =	shalt  }
0x69: {  	_ =	shalt  }
0x6a: {  	_ =	shalt  }
0x6b: {  	_ =	shalt  }
0x6c: {  	_ =	shalt  }
0x6d: {  	_ =	shalt  }
0x6e: {  	_ =	shalt  }
0x6f: {  	_ =	shalt  }
0x70: {  	_ =	shalt  }
0x71: {  	_ =	shalt  }
0x72: {  	_ =	shalt  }
0x73: {  	_ =	shalt  }
0x74: {  	_ =	shalt  }
0x75: {  	_ =	shalt  }
0x76: {  	_ =	shalt  }
0x77: {  	_ =	shalt  }
0x78: {  	_ =	shalt  }
0x79: {  	_ =	shalt  }
0x7a: {  	_ =	shalt  }
0x7b: {  	_ =	shalt  }
0x7c: {  	_ =	shalt  }
0x7d: {  	_ =	shalt  }
0x7e: {  	_ =	shalt  }
0x7f: {  	_ =	shalt  }
0x80: {  	_ =	shalt  }
0x81: {  	_ =	shalt  }
0x82: {  	_ =	shalt  }
0x83: {  	_ =	shalt  }
0x84: {  	_ =	shalt  }
0x85: {  	_ =	shalt  }
0x86: {  	_ =	shalt  }
0x87: {  	_ =	shalt  }
.Lfunc_end0:
.L_simem_size_0:
called_computation.1_lowered:
.L_overlay_start_0:
0x88: {  	s2 =	sld [smem:$0x3FD9]  }
0x89: {  	s3 =	sld [smem:$0x3FFE];
	_ =	sdelay $0x1  }
0x8a: {  	s1 =	srdreg.scid  }
0x8b: {  	s0 =	sand.u32 $0x1, s1  }
0x8c: {  	s17 =	sshll.u32 s0, $0xA;
	s2 =	sadd.s32 s3, s2  }
0x8d: {  	s2 =	sadd.s32 s2, s17  }
0x8e: {  	[smem:$0x3FC2] =	sst s2  }
0x8f: {  	_ = 	snop  }
0x90: {  	s2 =	sld [smem:$0x3FD0];
	(tm) =	ssettm $0x1  }
0x91: {  	s18 =	sld [smem:$0x3FFB];
	_ =	sdelay $0x3  }
0x92: {  	_ =	strace s18  }
0x93: {  	s3 =	sld [smem:$0x3FFC];
	_ =	sdelay $0x3  }
0x94: {  	_ =	strace s3  }
0x95: {  	s3 =	sld [smem:$0x3FFD];
	_ =	sdelay $0x3  }
0x96: {  	_ =	strace s3  }
0x97: {  	_ =	strace $0x8FFFFFFF  }
0x98: {  	s19 =	sld [smem:$0x3FDB];
	_ =	sdelay $0x1  }
0x99: {  	s4 =	simm.s32 $_scs_section_size  }
0x9a: {  	s5 =	simm.s32 $_size__tile_overlayer_lowered;
	s6 =	simm.s32 $_tile_overlayer_lowered  }
0x9b: {  	s22 =	simm.s32 $0x1BFF;
	s21 =	sshll.u32 s6, $0x1;
	s3 =	sadd.s32 s4, s19  }
0x9c: {  	s7 =	simm.s32 $0x0;
	s20 =	sshll.u32 s5, $0x1;
	s5 =	sadd.s32 s21, s3  }
0x9d: {  	[timem:s7], [sflag:s22] =	dma.local [hbm:s5], s20  }
0x9e: {  	_ =	swait.ge [sflag:s22], s20  }
0x9f: {  	s4 =	ssub.s32 $0x0, s20;
	[sflag:s22] =	ssyncset.done $0x0  }
0xa0: {  	[sflag:s22] =	ssyncadd.s32 s4;
	_ =	sdelay $0x1  }
0xa1: {  	s23 =	simm.s32 $0x1B8B  }
0xa2: {  	_ =	swait.ge [sflag:s23], $0x1  }
0xa3: {  	[sflag:s23] =	ssyncset.done $0x0  }
0xa4: {  	s25 =	simm.s32 $0x1B8E;
	s24 =	sld [smem:$0x3FFE];
	[sflag:s23] =	ssyncadd.s32 $0xFFFFFFFF  }
0xa5: {  	s26 =	simm.s32 $execute0_lowered;
	[smem:$0x3FD2] =	sst s25  }
0xa6: {  	s5 =	sshll.u32 s26, $0x1;
	_ =	strace $0x80000049;
	[dreg:$0x1] =	wrdreg $0xFFFFFFFF  }
0xa7: {  	s28 =	simm.s32 $_size_execute0_lowered;
	s3 =	sadd.s32 s3, s5;
	[dreg:$0x0] =	wrdreg $0x0  }
0xa8: {  	s5 =	sshll.u32 s28, $0x1;
	[dreg:$0x2] =	wrdreg s3  }
0xa9: {  	[dreg:$0x3] =	wrdreg s5  }
0xaa: {  	[dreg:$0x4] =	wrdreg $0xC0  }
0xab: {  	_ =	task [dreg:s7], $0x5FFFF  }
0xac: {  	[dreg:$0x1] =	wrdreg $0xFFFFFFFF  }
0xad: {  	[dreg:$0x0] =	wrdreg $0x60  }
0xae: {  	[dreg:$0x2] =	wrdreg s24  }
0xaf: {  	[dreg:$0x3] =	wrdreg s2  }
0xb0: {  	[dreg:$0x4] =	wrdreg $0xBC000  }
0xb1: {  	[dreg:$0x5] =	wrdreg $0x9  }
0xb2: {  	_ =	task.clear_ibuf [dreg:s7], $0x6FFFF;
	_ =	strace $0x90000049  }
0xb3: {  	s29 =	simm.s32 $0x9;
	_ =	strace $0x8000004B  }
0xb4: {  	_ =	swait.ge [sflag:s29], $0x1  }
0xb5: {  	[sflag:s29] =	ssyncadd.s32 $0xFFFFFFFF  }
0xb6: {  	_ =	strace $0x9000004B  }
0xb7: {  	_ =	sfence  }
0xb8: {  	s30 =	sld [smem:$0x0];
	_ =	sdelay $0x2  }
0xb9: {  	s31 =	sshll.u32 s1, $0xD;
	s1 =	sshrl.u32 s1, $0x2  }
0xba: {  	s3 =	sand.u32 $0x4000, s31;
	s1 =	sadd.s32 s1, s30  }
0xbb: {  	s0 =	sor.u32 s3, s0;
	s1 =	sshll.u32 s1, $0x11  }
0xbc: {  	s0 =	sor.u32 s1, s0  }
0xbd: {  	s0 =	sadd.s32 $0x8F2B, s0  }
0xbe: {  	[sflag:s0] =	ssyncadd.remote.s32 $0x1  }
0xbf: {  	_ =	sfence.sel $0xFFFF  }
0xc0: {  	[dreg:$0x0] =	wrdreg $0xFFFFFFFF;
	(pc) =	sbr.abs _section_cstart, $3  }
0xc1: {  	[dreg:$0x1] =	wrdreg $0xFFFFFFFF  }
0xc2: {  	_ =	task.clear_ibuf [dreg:s7], $0x2FFFF;
	_ =	strace $0x9FFFFFFF  }
0xc3: {  	(tm) =	ssettm $0x7FFFFFFF  }
tec
execute0_lowered:
.L_overlay_start_1:
0x0: {  	(tag) =	ssettag $0x1  }
0x1: {  	s0 =	srdreg.scid  }
0x2: {  	s1 =	rddreg [dreg:$0x0];
	s12 =	stileid.u32  }
0x3: {  	s8 =	rddreg [dreg:$0x1];
	s29 =	simm.s32 $0x7C00;
	s30 =	simm.s32 $0x3  }
0x4: {  	s31 =	simm.s32 $0x1;
	s28 =	simm.s32 $0x0;
	s7 =	smul.u32 $0x14000, s12  }
0x5: {  	s0 =	sand.u32 $0x1, s0;
	s4 =	sadd.s32 $0x1FC00, s1;
	s19 =	smul.u32 $0x50000, s12  }
0x6: {  	s20 =	sshll.u32 s12, $0x6;
	s2 =	sshll.u32 s0, $0x4;
	s6 =	smul.u32 $0x140000, s0  }
0x7: {  	s0 =	ssub.s32 $0x2, s0;
	s3 =	sor.u32 s12, s2;
	s2 =	rddreg [dreg:$0x2]  }
0x8: {  	s11 =	sshrl.u32 s0, $0x1;
	s5 =	smul.u32 $0x2800, s3;
	s3 =	simm.s32 $0x0  }
0x9: {  	s18 =	sadd.s32 s7, s6;
	s7 =	sshrl.u32 s19, $0x2;
	s0 =	ssub.s32 s0, s11  }
0xa: {  	[smem:$0x7FF] =	sst s3;
	s6 =	sshrl.u32 s18, $0x3;
	s13 =	sadd.s32 s7, s2  }
0xb: {  	s7 =	sor.u32 $0x1C03, s20;
	s0 =	smax.u32 s0, $0x1;
	_ =	strace $0x8000004A  }
0xc: {  	s9 =	sshrl.u32 s5, $0x3;
	s5 =	sadd.s32 $0x46E00, s1;
	[dreg:$0x4] =	wrdreg s20  }
0xd: {  	[dreg:$0x8] =	wrdreg s0;
	s23 =	sadd.s32 $0x2000, s13;
	s24 =	sadd.s32 $0x4000, s13  }
0xe: {  	s25 =	sadd.s32 $0x6000, s13;
	s26 =	sadd.s32 $0x8000, s13;
	s18 =	sadd.s32 $0xA000, s13  }
0xf: {  	s19 =	sadd.s32 $0xC000, s13;
	s20 =	sadd.s32 $0xE000, s13;
	s10 =	sadd.s32 s9, s1  }
0x10: {  	s1 =	sadd.s32 s6, s1;
	s21 =	sadd.s32 s8, s9;
	s14 =	sshrl.u32 s23, $0x3  }
0x11: {  	s15 =	sshrl.u32 s24, $0x3;
	s16 =	sshrl.u32 s25, $0x3;
	s17 =	sshrl.u32 s26, $0x3  }
0x12: {  	s18 =	sshrl.u32 s18, $0x3;
	s19 =	sshrl.u32 s19, $0x3;
	s20 =	sshrl.u32 s20, $0x3  }
0x13: {  	s23 =	simm.s32 $0x4;
	s25 =	simm.s32 $0x7D;
	s26 =	simm.s32 $0x3C00  }
0x14: {  	[dreg:$0x5] =	wrdreg s21;
	s22 =	sadd.s32 $0x1C00, s10;
	s10 =	sadd.s32 $0x1E80, s10  }
0x15: {  	s1 =	sadd.s32 $0x47200, s1;
	s21 =	sadd.s32 $0x10000, s13;
	[dreg:$0x6] =	wrdreg s22  }
0x16: {  	[dreg:$0x7] =	wrdreg s1;
	s22 =	sadd.s32 $0x12000, s13;
	s13 =	sshrl.u32 s13, $0x3  }
0x17: {  	s21 =	sshrl.u32 s21, $0x3;
	s1 =	simm.s32 $0x2;
	s22 =	sshrl.u32 s22, $0x3  }
.LBB2_1:
0x18: {  	[spmem:s13], [sflag:s7] =	dma.local [hbm:s5], $0x400  }
0x19: {  	[spmem:s14], [sflag:s7] =	dma.local [hbm:s5], $0x400  }
0x1a: {  	[spmem:s15], [sflag:s7] =	dma.local [hbm:s5], $0x400  }
0x1b: {  	[spmem:s16], [sflag:s7] =	dma.local [hbm:s5], $0x400  }
0x1c: {  	[spmem:s17], [sflag:s7] =	dma.local [hbm:s5], $0x400  }
0x1d: {  	[spmem:s18], [sflag:s7] =	dma.local [hbm:s5], $0x400  }
0x1e: {  	[spmem:s19], [sflag:s7] =	dma.local [hbm:s5], $0x400  }
0x1f: {  	[spmem:s20], [sflag:s7] =	dma.local [hbm:s5], $0x400  }
0x20: {  	[spmem:s21], [sflag:s7] =	dma.local [hbm:s5], $0x400  }
0x21: {  	[spmem:s22], [sflag:s7] =	dma.local [hbm:s5], $0x400  }
0x22: {  	s0 =	rddreg [dreg:$0x5]  }
0x23: {  	[tilespmem:s3], [sflag:$0x4] =	stream.linear.gather [hbm4b:s0+s3], $0x2800, $0x38;
	[tilespmem:$0x1FC00] =	vst v63  }
0x24: {  	_ =	swait.ge [sflag:s23], $0x2800  }
0x25: {  	[sflag:s23] =	ssyncset.done $0x0  }
0x26: {  	s6 =	simm.s32 $0x2800;
	s9 =	rddreg [dreg:$0x6];
	[sflag:s23] =	ssyncadd.s32 $0xFFFFD800  }
0x27: {  	[tilespmem:s6], [sflag:$0x4] =	stream.linear.gather [hbm4b:s9+s3], $0x1400, $0x38;
	[tilespmem:$0x1FC00] =	vst v63  }
0x28: {  	_ =	swait.ge [sflag:s23], $0x1400  }
0x29: {  	[sflag:s23] =	ssyncset.done $0x0  }
0x2a: {  	[sflag:s23] =	ssyncadd.s32 $0xFFFFEC00  }
0x2b: {  	[tilespmem:s26], [sflag:$0x1] =	stream.indirect.gather [hbm4b:s4+s25], $0x80, s3, s25, $0xb8;
	[tilespmem:$0x1FC00] =	vst v63  }
0x2c: {  	s11 =	simm.s32 $0x80  }
0x2d: {  	[tilespmem:s29], [sflag:$0x2] =	stream.indirect.gather [hbm4b:s4+s25], $0x80, s11, s25, $0xb8;
	[tilespmem:$0x1FC00] =	vst v63  }
0x2e: {  	_ =	swait.ge [sflag:s30], $0x400  }
0x2f: {  	[sflag:s30] =	ssyncset.done $0x0  }
0x30: {  	[sflag:s30] =	ssyncadd.s32 $0xFFFFFC00  }
0x31: {  	_ =	swait.ge [sflag:s30], $0x400  }
0x32: {  	[sflag:s30] =	ssyncset.done $0x0  }
0x33: {  	[sflag:s30] =	ssyncadd.s32 $0xFFFFFC00  }
0x34: {  	_ =	swait.ge [sflag:s30], $0x400  }
0x35: {  	[sflag:s30] =	ssyncset.done $0x0  }
0x36: {  	[sflag:s30] =	ssyncadd.s32 $0xFFFFFC00  }
0x37: {  	_ =	swait.ge [sflag:s30], $0x400  }
0x38: {  	[sflag:s30] =	ssyncset.done $0x0  }
0x39: {  	[sflag:s30] =	ssyncadd.s32 $0xFFFFFC00  }
0x3a: {  	_ =	swait.ge [sflag:s30], $0x400  }
0x3b: {  	[sflag:s30] =	ssyncset.done $0x0  }
0x3c: {  	[sflag:s30] =	ssyncadd.s32 $0xFFFFFC00  }
0x3d: {  	_ =	swait.ge [sflag:s30], $0x400  }
0x3e: {  	[sflag:s30] =	ssyncset.done $0x0  }
0x3f: {  	[sflag:s30] =	ssyncadd.s32 $0xFFFFFC00  }
0x40: {  	_ =	swait.ge [sflag:s30], $0x400  }
0x41: {  	[sflag:s30] =	ssyncset.done $0x0  }
0x42: {  	[sflag:s30] =	ssyncadd.s32 $0xFFFFFC00  }
0x43: {  	_ =	swait.ge [sflag:s30], $0x400  }
0x44: {  	[sflag:s30] =	ssyncset.done $0x0  }
0x45: {  	[sflag:s30] =	ssyncadd.s32 $0xFFFFFC00  }
0x46: {  	_ =	swait.ge [sflag:s30], $0x400  }
0x47: {  	[sflag:s30] =	ssyncset.done $0x0  }
0x48: {  	[sflag:s30] =	ssyncadd.s32 $0xFFFFFC00  }
0x49: {  	p0 =	por $0x1, $0x1;
	_ =	swait.ge [sflag:s30], $0x400  }
0x4a: {  	p0 =	por p0, p0;
	[sflag:s30] =	ssyncset.done $0x0  }
0x4b: {  	s8 =	simm.s32 @!p0 $0x2800;
	[sflag:s30] =	ssyncadd.s32 $0xFFFFFC00  }
0x4c: {  	s0 =	simm.s32 @!p0 $0x0;
	s9 =	simm.s32 @!p0 $0x4;
	[bflag:$0x0] =	sbarrier.arrive $0xFFFF  }
0x4d: {  	[tilespmem:s8], [sflag:$0x4] =	stream.linear.gather @!p0 [hbm4b:s10+s0], $0x1400, $0x38;
	[tilespmem:$0x1FC00] =	vst v63  }
0x4e: {  	_ =	swait.ge @!p0 [sflag:s9], $0x1400  }
0x4f: {  	[sflag:s9] =	ssyncset.done @!p0 $0x0  }
0x50: {  	s0 =	simm.s32 $0xFFFFB000;
	[sflag:s9] =	ssyncadd.s32 @!p0 $0xFFFFEC00;
	p0 =	por $0x1, $0x1  }
0x51: {  	_ =	swait.ge [sflag:s31], $0x3E80;
	s0 =	smov.u32 @p0 s3  }
0x52: {  	[sflag:s31] =	ssyncset.done $0x0;
	s0 =	sshra.s32 s0, $0x2  }
0x53: {  	[sflag:s31] =	ssyncadd.s32 $0xFFFFC180;
	s12 =	sadd.s32 $0x2800, s0  }
0x54: {  	[spmem:s2] =	stream.indirect.scatter.add.f32 [tilespmem:s26], [sflag:$0x4], $0x80, s12, s25, $0xb8;
	[tilespmem:$0x1FC00] =	vst v63  }
0x55: {  	_ =	swait.ge [sflag:s23], $0x3E80  }
0x56: {  	[sflag:s23] =	ssyncset.done $0x0  }
0x57: {  	s24 =	simm.s32 $0x100;
	[sflag:s23] =	ssyncadd.s32 $0xFFFFC180  }
0x58: {  	[tilespmem:s26], [sflag:$0x1] =	stream.indirect.gather [hbm4b:s4+s25], $0x80, s24, s25, $0xb8;
	[tilespmem:$0x1FC00] =	vst v63  }
0x59: {  	_ =	swait.ge [sflag:s1], $0x3E80  }
0x5a: {  	[sflag:s1] =	ssyncset.done $0x0  }
0x5b: {  	s0 =	sadd.s32 $0x2880, s0;
	[sflag:s1] =	ssyncadd.s32 $0xFFFFC180  }
0x5c: {  	[spmem:s2] =	stream.indirect.scatter.add.f32 [tilespmem:s29], [sflag:$0x4], $0x80, s0, s25, $0xb8;
	[tilespmem:$0x1FC00] =	vst v63  }
0x5d: {  	p6 =	por $0x1, $0x1;
	s8 =	simm.s32 $0x800;
	_ =	swait.ge [sflag:s23], $0x3E80  }
0x5e: {  	s9 =	simm.s32 $0x180;
	p0 =	por p6, p6;
	[sflag:s23] =	ssyncset.done $0x0  }
0x5f: {  	s24 =	simm.s32 $0x1;
	s0 =	simm.s32 $0x400;
	[sflag:s23] =	ssyncadd.s32 $0xFFFFC180  }
.LBB2_2:
0x60: {  	[tilespmem:s29], [sflag:$0x2] =	stream.indirect.gather [hbm4b:s4+s25], $0x80, s9, s25, $0xb8;
	[tilespmem:$0x1FC00] =	vst v63  }
0x61: {  	s9 =	smov.u32 s8  }
0x62: {  	s11 =	simm.s32 @!p0 $0x0;
	s12 =	simm.s32 @!p0 $0x2800;
	s6 =	simm.s32 @!p0 $0x4  }
0x63: {  	[tilespmem:s12], [sflag:$0x4] =	stream.linear.gather @!p0 [hbm4b:s10+s11], $0x1400, $0x38;
	[tilespmem:$0x1FC00] =	vst v63  }
0x64: {  	s8 =	sadd.s32 $0x400, s8;
	p2 =	sne.s32 s9, $0x5000;
	_ =	swait.ge @!p0 [sflag:s6], $0x1400  }
0x65: {  	p1 =	sne.s32 s8, $0x9C00;
	[sflag:s6] =	ssyncset.done @!p0 $0x0  }
0x66: {  	[sflag:s6] =	ssyncadd.s32 @!p0 $0xFFFFEC00;
	p0 =	slt.u32 s24, $0x14;
	s6 =	sadd.s32 $0xFFFFB000, s0  }
0x67: {  	_ =	swait.ge [sflag:s31], $0x3E80;
	s6 =	smov.u32 @p0 s0;
	p0 =	por p2, p2  }
0x68: {  	[sflag:s31] =	ssyncset.done $0x0;
	s6 =	sshra.s32 s6, $0x2  }
0x69: {  	[sflag:s31] =	ssyncadd.s32 $0xFFFFC180;
	s11 =	sadd.s32 $0x2800, s6  }
0x6a: {  	[spmem:s2] =	stream.indirect.scatter.add.f32 [tilespmem:s26], [sflag:$0x4], $0x80, s11, s25, $0xb8;
	[tilespmem:$0x1FC00] =	vst v63  }
0x6b: {  	_ =	swait.ge [sflag:s23], $0x3E80  }
0x6c: {  	s11 =	sshra.s32 s0, $0x2;
	s0 =	smov.u32 s9;
	[sflag:s23] =	ssyncset.done $0x0  }
0x6d: {  	s9 =	sadd.s32 $0x100, s11;
	[sflag:s23] =	ssyncadd.s32 $0xFFFFC180  }
0x6e: {  	[tilespmem:s26], [sflag:$0x1] =	stream.indirect.gather [hbm4b:s4+s25], $0x80, s9, s25, $0xb8;
	[tilespmem:$0x1FC00] =	vst v63  }
0x6f: {  	_ =	swait.ge [sflag:s1], $0x3E80  }
0x70: {  	[sflag:s1] =	ssyncset.done $0x0  }
.Ltmp0:
0x71: {  	s6 =	sadd.s32 $0x2880, s6;
	[sflag:s1] =	ssyncadd.s32 $0xFFFFC180;
	(pc) =	sbr.rel @p1 .LBB2_2-.Ltmp0, $4  }
0x72: {  	[spmem:s2] =	stream.indirect.scatter.add.f32 [tilespmem:s29], [sflag:$0x4], $0x80, s6, s25, $0xb8;
	[tilespmem:$0x1FC00] =	vst v63  }
0x73: {  	_ =	swait.ge [sflag:s23], $0x3E80  }
0x74: {  	[sflag:s23] =	ssyncset.done $0x0  }
0x75: {  	s24 =	sadd.s32 $0x1, s24;
	s9 =	sadd.s32 $0x180, s11;
	[sflag:s23] =	ssyncadd.s32 $0xFFFFC180  }
0x76: {  	[tilespmem:s29], [sflag:$0x2] =	stream.indirect.gather [hbm4b:s4+s25], $0x80, s9, s25, $0xb8;
	[tilespmem:$0x1FC00] =	vst v63  }
0x77: {  	s6 =	simm.s32 @!p0 $0x0;
	s8 =	simm.s32 @!p0 $0x2800;
	s9 =	simm.s32 @!p0 $0x4  }
0x78: {  	[tilespmem:s8], [sflag:$0x4] =	stream.linear.gather @!p0 [hbm4b:s10+s6], $0x1400, $0x38;
	[tilespmem:$0x1FC00] =	vst v63  }
0x79: {  	_ =	swait.ge @!p0 [sflag:s9], $0x1400  }
0x7a: {  	[sflag:s9] =	ssyncset.done @!p0 $0x0  }
0x7b: {  	s6 =	sadd.s32 $0xFFFFB000, s0;
	[sflag:s9] =	ssyncadd.s32 @!p0 $0xFFFFEC00;
	p0 =	slt.u32 s24, $0x14  }
0x7c: {  	_ =	swait.ge [sflag:s31], $0x3E80;
	s6 =	smov.u32 @p0 s0  }
0x7d: {  	[sflag:s31] =	ssyncset.done $0x0;
	s6 =	sshra.s32 s6, $0x2  }
0x7e: {  	[sflag:s31] =	ssyncadd.s32 $0xFFFFC180;
	s11 =	sadd.s32 $0x2800, s6  }
0x7f: {  	[spmem:s2] =	stream.indirect.scatter.add.f32 [tilespmem:s26], [sflag:$0x4], $0x80, s11, s25, $0xb8;
	[tilespmem:$0x1FC00] =	vst v63  }
0x80: {  	_ =	swait.ge [sflag:s23], $0x3E80  }
0x81: {  	s12 =	sshra.s32 s0, $0x2;
	[sflag:s23] =	ssyncset.done $0x0  }
0x82: {  	s24 =	sadd.s32 $0x100, s12;
	[sflag:s23] =	ssyncadd.s32 $0xFFFFC180  }
0x83: {  	[tilespmem:s26], [sflag:$0x1] =	stream.indirect.gather [hbm4b:s4+s25], $0x80, s24, s25, $0xb8;
	[tilespmem:$0x1FC00] =	vst v63  }
0x84: {  	_ =	swait.ge [sflag:s1], $0x3E80  }
0x85: {  	[sflag:s1] =	ssyncset.done $0x0  }
0x86: {  	s6 =	sadd.s32 $0x2880, s6;
	[sflag:s1] =	ssyncadd.s32 $0xFFFFC180  }
0x87: {  	[spmem:s2] =	stream.indirect.scatter.add.f32 [tilespmem:s29], [sflag:$0x4], $0x80, s6, s25, $0xb8;
	[tilespmem:$0x1FC00] =	vst v63  }
0x88: {  	_ =	swait.ge [sflag:s23], $0x3E80  }
0x89: {  	[sflag:s23] =	ssyncset.done $0x0  }
0x8a: {  	s0 =	sadd.s32 $0x180, s12;
	[sflag:s23] =	ssyncadd.s32 $0xFFFFC180  }
0x8b: {  	[tilespmem:s29], [sflag:$0x2] =	stream.indirect.gather [hbm4b:s4+s25], $0x80, s0, s25, $0xb8;
	[tilespmem:$0x1FC00] =	vst v63  }
0x8c: {  	_ =	swait.ge [sflag:s31], $0x3E80  }
0x8d: {  	[sflag:s31] =	ssyncset.done $0x0  }
0x8e: {  	s8 =	simm.s32 $0x3B00;
	[sflag:s31] =	ssyncadd.s32 $0xFFFFC180  }
0x8f: {  	[spmem:s2] =	stream.indirect.scatter.add.f32 [tilespmem:s26], [sflag:$0x4], $0x80, s8, s25, $0xb8;
	[tilespmem:$0x1FC00] =	vst v63  }
0x90: {  	_ =	swait.ge [sflag:s23], $0x3E80  }
0x91: {  	[sflag:s23] =	ssyncset.done $0x0  }
0x92: {  	[sflag:s23] =	ssyncadd.s32 $0xFFFFC180  }
0x93: {  	_ =	swait.ge [sflag:s1], $0x3E80  }
0x94: {  	[sflag:s1] =	ssyncset.done $0x0  }
0x95: {  	s9 =	simm.s32 $0x3B80;
	[sflag:s1] =	ssyncadd.s32 $0xFFFFC180  }
0x96: {  	[spmem:s2] =	stream.indirect.scatter.add.f32 [tilespmem:s29], [sflag:$0x4], $0x80, s9, s25, $0xb8;
	[tilespmem:$0x1FC00] =	vst v63  }
0x97: {  	_ =	swait.ge [sflag:s23], $0x3E80  }
0x98: {  	[sflag:s23] =	ssyncset.done $0x0  }
0x99: {  	[sflag:s23] =	ssyncadd.s32 $0xFFFFC180  }
0x9a: {  	[bflag:$0x0] =	sbarrier.arrive $0xFFFF  }
0x9b: {  	s11 =	rddreg [dreg:$0x4]  }
0x9c: {  	s12 =	rddreg [dreg:$0x7];
	s0 =	sor.u32 $0x1C04, s11  }
0x9d: {  	[hbm:s12], [sflag:s0] =	dma.local [spmem:s13], $0x2800  }
0x9e: {  	_ =	swait.ge [sflag:s23], $0x2800  }
0x9f: {  	s28 =	sadd.s32 $0x1, s28;
	s24 =	rddreg [dreg:$0x8]  }
0xa0: {  	p0 =	sne.s32 s28, s24  }
.Ltmp1:
0xa1: {  	_ = 	snop;
	(pc) =	sbr.rel @p0 .LBB2_1-.Ltmp1, $3  }
0xa2: {  	_ =	sdelay $0x1  }
0xa3: {  	[sflag:s23] =	ssyncset.done $0x0  }
0xa4: {  	[sflag:s23] =	ssyncadd.s32 $0xFFFFD800  }
0xa5: {  	_ =	sfence.sel $0x180000  }
0xa6: {  	[bflag:$0x0] =	sbarrier.arrive $0xFFFF  }
0xa7: {  	_ =	strace $0x9000004A  }
0xa8: {  	s0 =	stileid.u32;
	[bflag:$0x2] =	sbarrier.arrive $0xFFFF  }
0xa9: {  	p0 =	sne.s32 s0, $0x0;
	s0 =	rddreg [dreg:$0x3]  }
0xaa: {  	s0 =	sadd.s32 @!p0 $0x100000, s0  }
0xab: {  	[sflag:s0] =	ssyncadd.tile.s32 @!p0 $0x1;
	_ =	shalt  }
.Lfunc_end2:
_tile_overlayer_lowered:
.L_overlay_start_2:
0xac: {  	(tag) =	ssettag $0x2  }
0xad: {  	s0 =	rddreg [dreg:$0x0];
	s2 =	stileid.u32  }
0xae: {  	s1 =	rddreg [dreg:$0x1];
	p0 =	sne.s32 s2, $0x0  }
0xaf: {  	s3 =	rddreg [dreg:$0x2];
	[bflag:$0x3] =	sbarrier.arrive $0xFFFF;
	s2 =	simm.s32 @!p0 $0x1C04  }
0xb0: {  	[timem:s3], [sflag:s2] =	dma.local @!p0 [hbm:s0], s1  }
0xb1: {  	s0 =	simm.s32 @!p0 $0x4  }
0xb2: {  	_ =	swait.ge @!p0 [sflag:s0], s1  }
0xb3: {  	s1 =	ssub.s32 @!p0 $0x0, s1;
	[sflag:s0] =	ssyncset.done @!p0 $0x0  }
0xb4: {  	[sflag:s0] =	ssyncadd.s32 @!p0 s1  }
0xb5: {  	[bflag:$0x3] =	sbarrier.arrive $0xFFFF  }
0xb6: {  	_ =	shalt  }

// kernel: kernel.15.cloned.1.call-start
scs
__scs_entry_jumppad:
0x0: {  	(pc) =	sbr.rel $0x88, $3  }
0x1: {  	(tag) =	ssettag $0x0;
	lr =	simm.s32 $0x1  }
0x2: {  	[smem:$0x3F9B] =	sst lr;
	_ =	strace $0xD0000000  }
0x3: {  	_ = 	snop  }
0x4: {  	_ = 	snop  }
0x5: {  	_ = 	snop  }
0x6: {  	_ = 	snop  }
0x7: {  	_ = 	snop  }
__scs_overlays_trampoline_lowered:
0x8: {  	[smem:$0x3FAA] =	sst s0  }
0x9: {  	[smem:$0x3FAB] =	sst s1  }
0xa: {  	[smem:$0x3FAC] =	sst s2  }
0xb: {  	[smem:$0x3FAD] =	sst s3  }
0xc: {  	[smem:$0x3FAE] =	sst s4  }
0xd: {  	[smem:$0x3FAF] =	sst s5  }
0xe: {  	[smem:$0x3FB0] =	sst s6  }
0xf: {  	[smem:$0x3FB1] =	sst s7  }
0x10: {  	[smem:$0x3FB2] =	sst s8  }
0x11: {  	[smem:$0x3FB3] =	sst s9;
	s0 =	simm.s32 @!p0 $0x0  }
0x12: {  	s1 =	sld [smem:$0x3F99];
	s0 =	simm.s32 @p0 $0x1  }
0x13: {  	[smem:$0x3FB4] =	sst s0;
	s0 =	simm.s32 @!p1 $0x0  }
0x14: {  	s2 =	sld [smem:$0x3F98];
	s0 =	simm.s32 @p1 $0x1  }
0x15: {  	[smem:$0x3FB5] =	sst s0;
	s0 =	simm.s32 @!p2 $0x0  }
0x16: {  	s3 =	sld [smem:$0x3FDB];
	s0 =	simm.s32 @p2 $0x1  }
0x17: {  	s4 =	simm.s32 $0x1BF5;
	[smem:$0x3FB7] =	sst s0  }
0x18: {  	s0 =	sld [smem:$0x3F9A];
	_ =	swait.ge [sflag:s4], $0x0  }
0x19: {  	s7 =	sld [smem:$0x3F9B]  }
0x1a: {  	s8 =	sadd.s32 $0xFFFFE003, lr  }
0x1b: {  	s9 =	sadd.s32 $0xFFFFFEF7, lr;
	s5 =	simm.s32 $0xFFFFFFFF;
	p2 =	slt.u32 s8, $0xFFFFF086  }
0x1c: {  	p1 =	slt.u32 s9, $0xF7A;
	s5 =	simm.s32 @!p2 $0x0  }
0x1d: {  	s5 =	simm.s32 @p1 $0x1;
	p0 =	seq.s32 s7, s2  }
0x1e: {  	s7 =	smul.u32 @!p0 $0xF7A, s2;
	p2 =	seq.s32 @!p0 s5, $0x0  }
0x1f: {  	s9 =	smul.u32 $0xF7A, s1;
	s8 =	simm.s32 @!p0 $0x1BF5;
	p2 =	por !p2, p0  }
0x20: {  	[sflag:s8] =	ssyncset.s32 @!p0 $0xFFFFF086;
	s6 =	sadd.s32 @!p0 s3, s7;
	s7 =	simm.s32 @!p0 $0x108  }
0x21: {  	s3 =	sadd.s32 s3, s9;
	s6 =	sadd.s32 @!p0 $0x88, s6;
	s7 =	simm.s32 @p2 $0x1082  }
0x22: {  	[simem:s7], [sflag:s8] =	dma.local @!p0 [hbm:s6], $0xF7A  }
0x23: {  	s9 =	sor.u32 $0xD0000000, s2;
	s6 =	simm.s32 $0x108;
	_ =	swait.ge @!p0 [sflag:s8], $0x0  }
0x24: {  	s3 =	sadd.s32 $0x88, s3;
	s6 =	simm.s32 @!p1 $0x1082;
	[sflag:s4] =	ssyncset.s32 $0xFFFFF086  }
0x25: {  	[simem:s6], [sflag:s4] =	dma.local [hbm:s3], $0xF7A  }
0x26: {  	[smem:$0x3F9B] =	sst s1;
	(tag) =	ssettag s2;
	_ =	strace s9  }
0x27: {  	s1 =	sld [smem:$0x3FAB]  }
0x28: {  	s2 =	sld [smem:$0x3FAC]  }
0x29: {  	s4 =	sld [smem:$0x3FAE]  }
0x2a: {  	p0 =	seq.s32 s5, $0x0;
	s5 =	sld [smem:$0x3FAF]  }
0x2b: {  	s6 =	sld [smem:$0x3FB0]  }
0x2c: {  	s7 =	sld [smem:$0x3FB1]  }
0x2d: {  	s3 =	simm.s32 $0x108;
	s8 =	sld [smem:$0x3FB2]  }
0x2e: {  	s3 =	simm.s32 @!p0 $0x1082;
	s9 =	sld [smem:$0x3FB3]  }
0x2f: {  	lr =	sadd.s32 s0, s3;
	s0 =	sld [smem:$0x3FAA]  }
0x30: {  	s3 =	sld [smem:$0x3FAD]  }
0x31: {  	[smem:$0x3FB6] =	sst s10  }
0x32: {  	s10 =	sld [smem:$0x3FB4];
	_ =	sdelay $0x3  }
0x33: {  	p0 =	seq.s32 s10, $0x1;
	s10 =	sld [smem:$0x3FB6];
	_ =	sdelay $0x3  }
0x34: {  	[smem:$0x3FB6] =	sst s10  }
0x35: {  	s10 =	sld [smem:$0x3FB5];
	_ =	sdelay $0x3  }
0x36: {  	p1 =	seq.s32 s10, $0x1;
	s10 =	sld [smem:$0x3FB6];
	_ =	sdelay $0x3  }
0x37: {  	[smem:$0x3FB6] =	sst s10  }
0x38: {  	s10 =	sld [smem:$0x3FB7]  }
0x39: {  	_ = 	snop;
	(pc) =	sbr.ind lr, $3  }
0x3a: {  	_ = 	snop  }
0x3b: {  	_ = 	snop  }
0x3c: {  	p2 =	seq.s32 s10, $0x1;
	s10 =	sld [smem:$0x3FB6]  }
0x3d: {  	_ =	shalt  }
0x3e: {  	_ =	shalt  }
0x3f: {  	_ =	shalt  }
0x40: {  	_ =	shalt  }
0x41: {  	_ =	shalt  }
0x42: {  	_ =	shalt  }
0x43: {  	_ =	shalt  }
0x44: {  	_ =	shalt  }
0x45: {  	_ =	shalt  }
0x46: {  	_ =	shalt  }
0x47: {  	_ =	shalt  }
0x48: {  	_ =	shalt  }
0x49: {  	_ =	shalt  }
0x4a: {  	_ =	shalt  }
0x4b: {  	_ =	shalt  }
0x4c: {  	_ =	shalt  }
0x4d: {  	_ =	shalt  }
0x4e: {  	_ =	shalt  }
0x4f: {  	_ =	shalt  }
0x50: {  	_ =	shalt  }
0x51: {  	_ =	shalt  }
0x52: {  	_ =	shalt  }
0x53: {  	_ =	shalt  }
0x54: {  	_ =	shalt  }
0x55: {  	_ =	shalt  }
0x56: {  	_ =	shalt  }
0x57: {  	_ =	shalt  }
0x58: {  	_ =	shalt  }
0x59: {  	_ =	shalt  }
0x5a: {  	_ =	shalt  }
0x5b: {  	_ =	shalt  }
0x5c: {  	_ =	shalt  }
0x5d: {  	_ =	shalt  }
0x5e: {  	_ =	shalt  }
0x5f: {  	_ =	shalt  }
0x60: {  	_ =	shalt  }
0x61: {  	_ =	shalt  }
0x62: {  	_ =	shalt  }
0x63: {  	_ =	shalt  }
0x64: {  	_ =	shalt  }
0x65: {  	_ =	shalt  }
0x66: {  	_ =	shalt  }
0x67: {  	_ =	shalt  }
0x68: {  	_ =	shalt  }
0x69: {  	_ =	shalt  }
0x6a: {  	_ =	shalt  }
0x6b: {  	_ =	shalt  }
0x6c: {  	_ =	shalt  }
0x6d: {  	_ =	shalt  }
0x6e: {  	_ =	shalt  }
0x6f: {  	_ =	shalt  }
0x70: {  	_ =	shalt  }
0x71: {  	_ =	shalt  }
0x72: {  	_ =	shalt  }
0x73: {  	_ =	shalt  }
0x74: {  	_ =	shalt  }
0x75: {  	_ =	shalt  }
0x76: {  	_ =	shalt  }
0x77: {  	_ =	shalt  }
0x78: {  	_ =	shalt  }
0x79: {  	_ =	shalt  }
0x7a: {  	_ =	shalt  }
0x7b: {  	_ =	shalt  }
0x7c: {  	_ =	shalt  }
0x7d: {  	_ =	shalt  }
0x7e: {  	_ =	shalt  }
0x7f: {  	_ =	shalt  }
0x80: {  	_ =	shalt  }
0x81: {  	_ =	shalt  }
0x82: {  	_ =	shalt  }
0x83: {  	_ =	shalt  }
0x84: {  	_ =	shalt  }
0x85: {  	_ =	shalt  }
0x86: {  	_ =	shalt  }
0x87: {  	_ =	shalt  }
.Lfunc_end0:
.L_simem_size_0:
called_computation.2_lowered:
.L_overlay_start_0:
0x88: {  	s2 =	sld [smem:$0x3FD9]  }
0x89: {  	s3 =	sld [smem:$0x3FFE];
	_ =	sdelay $0x1  }
0x8a: {  	s1 =	srdreg.scid  }
0x8b: {  	s0 =	sand.u32 $0x1, s1  }
0x8c: {  	s17 =	sshll.u32 s0, $0xA;
	s2 =	sadd.s32 s3, s2  }
0x8d: {  	s2 =	sadd.s32 s2, s17  }
0x8e: {  	[smem:$0x3FC2] =	sst s2  }
0x8f: {  	_ = 	snop  }
0x90: {  	s2 =	sld [smem:$0x3FD0];
	(tm) =	ssettm $0x1  }
0x91: {  	s18 =	sld [smem:$0x3FFB];
	_ =	sdelay $0x3  }
0x92: {  	_ =	strace s18  }
0x93: {  	s3 =	sld [smem:$0x3FFC];
	_ =	sdelay $0x3  }
0x94: {  	_ =	strace s3  }
0x95: {  	s3 =	sld [smem:$0x3FFD];
	_ =	sdelay $0x3  }
0x96: {  	_ =	strace s3  }
0x97: {  	_ =	strace $0x8FFFFFFF  }
0x98: {  	s19 =	sld [smem:$0x3FDB];
	_ =	sdelay $0x1  }
0x99: {  	s4 =	simm.s32 $_scs_section_size  }
0x9a: {  	s5 =	simm.s32 $_size__tile_overlayer_lowered;
	s6 =	simm.s32 $_tile_overlayer_lowered  }
0x9b: {  	s22 =	simm.s32 $0x1BFF;
	s21 =	sshll.u32 s6, $0x1;
	s3 =	sadd.s32 s4, s19  }
0x9c: {  	s7 =	simm.s32 $0x0;
	s20 =	sshll.u32 s5, $0x1;
	s5 =	sadd.s32 s21, s3  }
0x9d: {  	[timem:s7], [sflag:s22] =	dma.local [hbm:s5], s20  }
0x9e: {  	_ =	swait.ge [sflag:s22], s20  }
0x9f: {  	s4 =	ssub.s32 $0x0, s20;
	[sflag:s22] =	ssyncset.done $0x0  }
0xa0: {  	[sflag:s22] =	ssyncadd.s32 s4;
	_ =	sdelay $0x1  }
0xa1: {  	s23 =	simm.s32 $0x1B8B  }
0xa2: {  	_ =	swait.ge [sflag:s23], $0x1  }
0xa3: {  	[sflag:s23] =	ssyncset.done $0x0  }
0xa4: {  	s25 =	simm.s32 $0x1B8E;
	s24 =	sld [smem:$0x3FFE];
	[sflag:s23] =	ssyncadd.s32 $0xFFFFFFFF  }
0xa5: {  	s26 =	simm.s32 $execute0_lowered;
	[smem:$0x3FD2] =	sst s25  }
0xa6: {  	s5 =	sshll.u32 s26, $0x1;
	_ =	strace $0x8000004C;
	[dreg:$0x1] =	wrdreg $0xFFFFFFFF  }
0xa7: {  	s28 =	simm.s32 $_size_execute0_lowered;
	s3 =	sadd.s32 s3, s5;
	[dreg:$0x0] =	wrdreg $0x0  }
0xa8: {  	s5 =	sshll.u32 s28, $0x1;
	[dreg:$0x2] =	wrdreg s3  }
0xa9: {  	[dreg:$0x3] =	wrdreg s5  }
0xaa: {  	[dreg:$0x4] =	wrdreg $0xC0  }
0xab: {  	_ =	task [dreg:s7], $0x5FFFF  }
0xac: {  	[dreg:$0x1] =	wrdreg $0xFFFFFFFF  }
0xad: {  	[dreg:$0x0] =	wrdreg $0x60  }
0xae: {  	[dreg:$0x2] =	wrdreg s2  }
0xaf: {  	[dreg:$0x3] =	wrdreg s24  }
0xb0: {  	[dreg:$0x4] =	wrdreg $0x63100  }
0xb1: {  	[dreg:$0x5] =	wrdreg $0x9  }
0xb2: {  	_ =	task.clear_ibuf [dreg:s7], $0x6FFFF;
	_ =	strace $0x9000004C  }
0xb3: {  	s29 =	simm.s32 $0x9;
	_ =	strace $0x8000004E  }
0xb4: {  	_ =	swait.ge [sflag:s29], $0x1  }
0xb5: {  	[sflag:s29] =	ssyncadd.s32 $0xFFFFFFFF  }
0xb6: {  	_ =	strace $0x9000004E  }
0xb7: {  	_ =	sfence  }
0xb8: {  	s30 =	sld [smem:$0x0];
	_ =	sdelay $0x2  }
0xb9: {  	s31 =	sshll.u32 s1, $0xD;
	s1 =	sshrl.u32 s1, $0x2  }
0xba: {  	s3 =	sand.u32 $0x4000, s31;
	s1 =	sadd.s32 s1, s30  }
0xbb: {  	s0 =	sor.u32 s3, s0;
	s1 =	sshll.u32 s1, $0x11  }
0xbc: {  	s0 =	sor.u32 s1, s0  }
0xbd: {  	s0 =	sadd.s32 $0x8F2B, s0  }
0xbe: {  	[sflag:s0] =	ssyncadd.remote.s32 $0x1  }
0xbf: {  	_ =	sfence.sel $0xFFFF  }
0xc0: {  	[dreg:$0x0] =	wrdreg $0xFFFFFFFF;
	(pc) =	sbr.abs _section_cstart, $3  }
0xc1: {  	[dreg:$0x1] =	wrdreg $0xFFFFFFFF  }
0xc2: {  	_ =	task.clear_ibuf [dreg:s7], $0x2FFFF;
	_ =	strace $0x9FFFFFFF  }
0xc3: {  	(tm) =	ssettm $0x7FFFFFFF  }
tec
execute0_lowered:
.L_overlay_start_1:
0x0: {  	(tag) =	ssettag $0x1  }
0x1: {  	s2 =	rddreg [dreg:$0x0]  }
0x2: {  	s0 =	srdreg.scid;
	s6 =	rddreg [dreg:$0x1]  }
0x3: {  	s10 =	stileid.u32;
	s3 =	rddreg [dreg:$0x2];
	s4 =	simm.s32 $0x0  }
0x4: {  	s28 =	simm.s32 $0x3C00;
	s30 =	simm.s32 $0x4F88;
	s31 =	simm.s32 $0x5  }
0x5: {  	s29 =	simm.s32 $0x4;
	s0 =	sand.u32 $0x1, s0;
	s8 =	smul.u32 $0x6400, s10  }
0x6: {  	[smem:$0x7FF] =	sst s4;
	s11 =	sshll.u32 s10, $0x6;
	s1 =	sshll.u32 s0, $0x4  }
0x7: {  	s5 =	smul.u32 $0x64000, s0;
	_ =	strace $0x8000004D;
	s0 =	ssub.s32 $0x2, s0  }
0x8: {  	[dreg:$0x4] =	wrdreg s11;
	s1 =	sor.u32 s10, s1;
	s10 =	smul.u32 $0x19000, s10  }
0x9: {  	s9 =	sshrl.u32 s0, $0x1;
	s15 =	sadd.s32 s8, s3;
	s1 =	smul.u32 $0x2800, s1  }
0xa: {  	s7 =	sadd.s32 s8, s5;
	s5 =	sadd.s32 $0x1C00, s6;
	s0 =	ssub.s32 s0, s9  }
0xb: {  	s8 =	simm.s32 $0x0;
	s7 =	sshrl.u32 s7, $0x3;
	s12 =	sshrl.u32 s10, $0x2  }
0xc: {  	s0 =	smax.u32 s0, $0x1;
	s1 =	sshrl.u32 s1, $0x3;
	s14 =	sadd.s32 s12, s3  }
0xd: {  	[dreg:$0x8] =	wrdreg s0;
	s1 =	sadd.s32 s1, s6;
	s6 =	sadd.s32 s7, s6  }
0xe: {  	s7 =	sor.u32 $0x1C05, s11;
	s23 =	sadd.s32 $0xA00, s14;
	s24 =	sadd.s32 $0x1400, s14  }
0xf: {  	s9 =	sadd.s32 $0x1E00, s14;
	s25 =	sadd.s32 $0x2800, s14;
	s12 =	sadd.s32 $0x3200, s14  }
0x10: {  	s19 =	sadd.s32 $0x3C00, s14;
	s20 =	sadd.s32 $0x4600, s14;
	s21 =	sadd.s32 $0x5000, s14  }
0x11: {  	s22 =	sadd.s32 $0x5A00, s14;
	s26 =	sadd.s32 $0x15C00, s1;
	s11 =	sadd.s32 $0xBC00, s1  }
0x12: {  	s10 =	sadd.s32 $0xBE80, s1;
	s13 =	sadd.s32 $0x1FC00, s6;
	s1 =	sshrl.u32 s14, $0x3  }
0x13: {  	s0 =	sshrl.u32 s23, $0x3;
	s16 =	sshrl.u32 s9, $0x3;
	[dreg:$0x5] =	wrdreg s26  }
0x14: {  	s17 =	sshrl.u32 s25, $0x3;
	s18 =	sshrl.u32 s12, $0x3;
	[dreg:$0x6] =	wrdreg s11  }
0x15: {  	s19 =	sshrl.u32 s19, $0x3;
	s20 =	sshrl.u32 s20, $0x3;
	[dreg:$0x7] =	wrdreg s13  }
0x16: {  	s21 =	sshrl.u32 s21, $0x3;
	s22 =	sshrl.u32 s22, $0x3;
	[dreg:$0x9] =	wrdreg s1  }
0x17: {  	s23 =	simm.s32 $0x6;
	s25 =	sshrl.u32 s15, $0x3;
	[dreg:$0xa] =	wrdreg s0  }
0x18: {  	s26 =	sshrl.u32 s24, $0x3;
	s1 =	simm.s32 $0x1;
	s0 =	simm.s32 $0x2  }
0x19: {  	s24 =	simm.s32 $0x3;
	[dreg:$0xb] =	wrdreg s26;
	s26 =	simm.s32 $0x7D  }
.LBB2_1:
0x1a: {  	s6 =	rddreg [dreg:$0x9]  }
0x1b: {  	[spmem:s6], [sflag:s7] =	dma.local [hbm:s5], $0x140  }
0x1c: {  	s6 =	rddreg [dreg:$0xa]  }
0x1d: {  	[spmem:s6], [sflag:s7] =	dma.local [hbm:s5], $0x140  }
0x1e: {  	s6 =	rddreg [dreg:$0xb]  }
0x1f: {  	[spmem:s6], [sflag:s7] =	dma.local [hbm:s5], $0x140  }
0x20: {  	[spmem:s16], [sflag:s7] =	dma.local [hbm:s5], $0x140  }
0x21: {  	[spmem:s17], [sflag:s7] =	dma.local [hbm:s5], $0x140  }
0x22: {  	[spmem:s18], [sflag:s7] =	dma.local [hbm:s5], $0x140  }
0x23: {  	[spmem:s19], [sflag:s7] =	dma.local [hbm:s5], $0x140  }
0x24: {  	[spmem:s20], [sflag:s7] =	dma.local [hbm:s5], $0x140  }
0x25: {  	[spmem:s21], [sflag:s7] =	dma.local [hbm:s5], $0x140  }
0x26: {  	[spmem:s22], [sflag:s7] =	dma.local [hbm:s5], $0x140  }
0x27: {  	s11 =	rddreg [dreg:$0x5]  }
0x28: {  	[tilespmem:s4], [sflag:$0x6] =	stream.linear.gather [hbm4b:s11+s4], $0x2800, $0x38;
	[tilespmem:$0xC710] =	vst v63  }
0x29: {  	_ =	swait.ge [sflag:s23], $0x2800  }
0x2a: {  	[sflag:s23] =	ssyncset.done $0x0  }
0x2b: {  	s9 =	simm.s32 $0x2800;
	s12 =	rddreg [dreg:$0x6];
	[sflag:s23] =	ssyncadd.s32 $0xFFFFD800  }
0x2c: {  	[tilespmem:s9], [sflag:$0x6] =	stream.linear.gather [hbm4b:s12+s4], $0x1400, $0x38;
	[tilespmem:$0xC710] =	vst v63  }
0x2d: {  	_ =	swait.ge [sflag:s23], $0x1400  }
0x2e: {  	[sflag:s23] =	ssyncset.done $0x0  }
0x2f: {  	[sflag:s23] =	ssyncadd.s32 $0xFFFFEC00  }
0x30: {  	[tilespmem:s28], [sflag:$0x1] =	stream.indirect.gather [hbm4b:s2+s26], $0x28, s4, s26, $0xb8;
	[tilespmem:$0xC710] =	vst v63  }
0x31: {  	s13 =	simm.s32 $0x80  }
0x32: {  	[tilespmem:s30], [sflag:$0x2] =	stream.indirect.gather [hbm4b:s2+s26], $0x28, s13, s26, $0xb8;
	[tilespmem:$0xC710] =	vst v63  }
0x33: {  	_ =	swait.ge [sflag:s31], $0x140  }
0x34: {  	[sflag:s31] =	ssyncset.done $0x0  }
0x35: {  	[sflag:s31] =	ssyncadd.s32 $0xFFFFFEC0  }
0x36: {  	_ =	swait.ge [sflag:s31], $0x140  }
0x37: {  	[sflag:s31] =	ssyncset.done $0x0  }
0x38: {  	[sflag:s31] =	ssyncadd.s32 $0xFFFFFEC0  }
0x39: {  	_ =	swait.ge [sflag:s31], $0x140  }
0x3a: {  	[sflag:s31] =	ssyncset.done $0x0  }
0x3b: {  	[sflag:s31] =	ssyncadd.s32 $0xFFFFFEC0  }
0x3c: {  	_ =	swait.ge [sflag:s31], $0x140  }
0x3d: {  	[sflag:s31] =	ssyncset.done $0x0  }
0x3e: {  	[sflag:s31] =	ssyncadd.s32 $0xFFFFFEC0  }
0x3f: {  	_ =	swait.ge [sflag:s31], $0x140  }
0x40: {  	[sflag:s31] =	ssyncset.done $0x0  }
0x41: {  	[sflag:s31] =	ssyncadd.s32 $0xFFFFFEC0  }
0x42: {  	_ =	swait.ge [sflag:s31], $0x140  }
0x43: {  	[sflag:s31] =	ssyncset.done $0x0  }
0x44: {  	[sflag:s31] =	ssyncadd.s32 $0xFFFFFEC0  }
0x45: {  	_ =	swait.ge [sflag:s31], $0x140  }
0x46: {  	[sflag:s31] =	ssyncset.done $0x0  }
0x47: {  	[sflag:s31] =	ssyncadd.s32 $0xFFFFFEC0  }
0x48: {  	_ =	swait.ge [sflag:s31], $0x140  }
0x49: {  	[sflag:s31] =	ssyncset.done $0x0  }
0x4a: {  	[sflag:s31] =	ssyncadd.s32 $0xFFFFFEC0  }
0x4b: {  	_ =	swait.ge [sflag:s31], $0x140  }
0x4c: {  	[sflag:s31] =	ssyncset.done $0x0  }
0x4d: {  	[sflag:s31] =	ssyncadd.s32 $0xFFFFFEC0  }
0x4e: {  	p0 =	por $0x1, $0x1;
	_ =	swait.ge [sflag:s31], $0x140  }
0x4f: {  	p0 =	por p0, p0;
	[sflag:s31] =	ssyncset.done $0x0  }
0x50: {  	s6 =	simm.s32 @!p0 $0x0;
	[sflag:s31] =	ssyncadd.s32 $0xFFFFFEC0  }
0x51: {  	s11 =	simm.s32 @!p0 $0x6;
	s9 =	simm.s32 @!p0 $0x2800;
	[bflag:$0x0] =	sbarrier.arrive $0xFFFF  }
0x52: {  	[tilespmem:s9], [sflag:$0x6] =	stream.linear.gather @!p0 [hbm4b:s10+s6], $0x1400, $0x38;
	[tilespmem:$0xC710] =	vst v63  }
0x53: {  	_ =	swait.ge @!p0 [sflag:s11], $0x1400  }
0x54: {  	[sflag:s11] =	ssyncset.done @!p0 $0x0  }
0x55: {  	s6 =	simm.s32 $0xFFFFB000;
	[sflag:s11] =	ssyncadd.s32 @!p0 $0xFFFFEC00;
	p0 =	por $0x1, $0x1  }
0x56: {  	_ =	swait.ge [sflag:s1], $0x1388;
	s6 =	smov.u32 @p0 s4  }
0x57: {  	[sflag:s1] =	ssyncset.done $0x0;
	s6 =	sshra.s32 s6, $0x2  }
0x58: {  	[sflag:s1] =	ssyncadd.s32 $0xFFFFEC78;
	s14 =	sadd.s32 $0x2800, s6  }
0x59: {  	[spmem:s3] =	stream.indirect.scatter.add.f32 [tilespmem:s28], [sflag:$0x3], $0x28, s14, s26, $0xb8;
	[tilespmem:$0xC710] =	vst v63  }
0x5a: {  	_ =	swait.ge [sflag:s0], $0x1388  }
0x5b: {  	[sflag:s0] =	ssyncset.done $0x0  }
0x5c: {  	s6 =	sadd.s32 $0x2880, s6;
	[sflag:s0] =	ssyncadd.s32 $0xFFFFEC78  }
0x5d: {  	[spmem:s3] =	stream.indirect.scatter.add.f32 [tilespmem:s30], [sflag:$0x4], $0x28, s6, s26, $0xb8;
	[tilespmem:$0xC710] =	vst v63  }
0x5e: {  	_ =	swait.ge [sflag:s24], $0x1388  }
0x5f: {  	[sflag:s24] =	ssyncset.done $0x0  }
0x60: {  	s15 =	simm.s32 $0x100;
	[sflag:s24] =	ssyncadd.s32 $0xFFFFEC78  }
0x61: {  	[tilespmem:s28], [sflag:$0x1] =	stream.indirect.gather [hbm4b:s2+s26], $0x28, s15, s26, $0xb8;
	[tilespmem:$0xC710] =	vst v63  }
0x62: {  	p6 =	por $0x1, $0x1;
	s12 =	simm.s32 $0x180;
	_ =	swait.ge [sflag:s29], $0x1388  }
0x63: {  	s9 =	simm.s32 $0x400;
	s11 =	simm.s32 $0x800;
	[sflag:s29] =	ssyncset.done $0x0  }
0x64: {  	p0 =	por p6, p6;
	s6 =	simm.s32 $0x1;
	[sflag:s29] =	ssyncadd.s32 $0xFFFFEC78  }
.LBB2_2:
0x65: {  	[tilespmem:s30], [sflag:$0x2] =	stream.indirect.gather [hbm4b:s2+s26], $0x28, s12, s26, $0xb8;
	[tilespmem:$0xC710] =	vst v63  }
0x66: {  	s12 =	smov.u32 s11  }
0x67: {  	s13 =	simm.s32 @!p0 $0x0;
	s14 =	simm.s32 @!p0 $0x2800;
	s15 =	simm.s32 @!p0 $0x6  }
0x68: {  	[tilespmem:s14], [sflag:$0x6] =	stream.linear.gather @!p0 [hbm4b:s10+s13], $0x1400, $0x38;
	[tilespmem:$0xC710] =	vst v63  }
0x69: {  	s11 =	sadd.s32 $0x400, s11;
	p2 =	sne.s32 s12, $0x5000;
	_ =	swait.ge @!p0 [sflag:s15], $0x1400  }
0x6a: {  	p1 =	sne.s32 s11, $0x9C00;
	[sflag:s15] =	ssyncset.done @!p0 $0x0  }
0x6b: {  	s13 =	sadd.s32 $0xFFFFB000, s9;
	[sflag:s15] =	ssyncadd.s32 @!p0 $0xFFFFEC00;
	p0 =	slt.u32 s6, $0x14  }
0x6c: {  	_ =	swait.ge [sflag:s1], $0x1388;
	s13 =	smov.u32 @p0 s9;
	p0 =	por p2, p2  }
0x6d: {  	[sflag:s1] =	ssyncset.done $0x0;
	s13 =	sshra.s32 s13, $0x2  }
0x6e: {  	[sflag:s1] =	ssyncadd.s32 $0xFFFFEC78;
	s14 =	sadd.s32 $0x2800, s13  }
0x6f: {  	[spmem:s3] =	stream.indirect.scatter.add.f32 [tilespmem:s28], [sflag:$0x3], $0x28, s14, s26, $0xb8;
	[tilespmem:$0xC710] =	vst v63  }
0x70: {  	_ =	swait.ge [sflag:s0], $0x1388  }
0x71: {  	[sflag:s0] =	ssyncset.done $0x0  }
0x72: {  	s13 =	sadd.s32 $0x2880, s13;
	[sflag:s0] =	ssyncadd.s32 $0xFFFFEC78  }
0x73: {  	[spmem:s3] =	stream.indirect.scatter.add.f32 [tilespmem:s30], [sflag:$0x4], $0x28, s13, s26, $0xb8;
	[tilespmem:$0xC710] =	vst v63  }
0x74: {  	_ =	swait.ge [sflag:s24], $0x1388  }
0x75: {  	s13 =	sshra.s32 s9, $0x2;
	s9 =	smov.u32 s12;
	[sflag:s24] =	ssyncset.done $0x0  }
.Ltmp0:
0x76: {  	s12 =	sadd.s32 $0x100, s13;
	[sflag:s24] =	ssyncadd.s32 $0xFFFFEC78;
	(pc) =	sbr.rel @p1 .LBB2_2-.Ltmp0, $4  }
0x77: {  	[tilespmem:s28], [sflag:$0x1] =	stream.indirect.gather [hbm4b:s2+s26], $0x28, s12, s26, $0xb8;
	[tilespmem:$0xC710] =	vst v63  }
0x78: {  	_ =	swait.ge [sflag:s29], $0x1388  }
0x79: {  	[sflag:s29] =	ssyncset.done $0x0  }
0x7a: {  	s6 =	sadd.s32 $0x1, s6;
	s12 =	sadd.s32 $0x180, s13;
	[sflag:s29] =	ssyncadd.s32 $0xFFFFEC78  }
0x7b: {  	[tilespmem:s30], [sflag:$0x2] =	stream.indirect.gather [hbm4b:s2+s26], $0x28, s12, s26, $0xb8;
	[tilespmem:$0xC710] =	vst v63  }
0x7c: {  	s11 =	simm.s32 @!p0 $0x0;
	s12 =	simm.s32 @!p0 $0x2800;
	s13 =	simm.s32 @!p0 $0x6  }
0x7d: {  	[tilespmem:s12], [sflag:$0x6] =	stream.linear.gather @!p0 [hbm4b:s10+s11], $0x1400, $0x38;
	[tilespmem:$0xC710] =	vst v63  }
0x7e: {  	_ =	swait.ge @!p0 [sflag:s13], $0x1400  }
0x7f: {  	[sflag:s13] =	ssyncset.done @!p0 $0x0  }
0x80: {  	[sflag:s13] =	ssyncadd.s32 @!p0 $0xFFFFEC00;
	p0 =	slt.u32 s6, $0x14;
	s6 =	sadd.s32 $0xFFFFB000, s9  }
0x81: {  	_ =	swait.ge [sflag:s1], $0x1388;
	s6 =	smov.u32 @p0 s9  }
0x82: {  	[sflag:s1] =	ssyncset.done $0x0;
	s6 =	sshra.s32 s6, $0x2  }
0x83: {  	[sflag:s1] =	ssyncadd.s32 $0xFFFFEC78;
	s14 =	sadd.s32 $0x2800, s6  }
0x84: {  	[spmem:s3] =	stream.indirect.scatter.add.f32 [tilespmem:s28], [sflag:$0x3], $0x28, s14, s26, $0xb8;
	[tilespmem:$0xC710] =	vst v63  }
0x85: {  	_ =	swait.ge [sflag:s0], $0x1388  }
0x86: {  	[sflag:s0] =	ssyncset.done $0x0  }
0x87: {  	s6 =	sadd.s32 $0x2880, s6;
	[sflag:s0] =	ssyncadd.s32 $0xFFFFEC78  }
0x88: {  	[spmem:s3] =	stream.indirect.scatter.add.f32 [tilespmem:s30], [sflag:$0x4], $0x28, s6, s26, $0xb8;
	[tilespmem:$0xC710] =	vst v63  }
0x89: {  	_ =	swait.ge [sflag:s24], $0x1388  }
0x8a: {  	s15 =	sshra.s32 s9, $0x2;
	[sflag:s24] =	ssyncset.done $0x0  }
0x8b: {  	s9 =	sadd.s32 $0x100, s15;
	[sflag:s24] =	ssyncadd.s32 $0xFFFFEC78  }
0x8c: {  	[tilespmem:s28], [sflag:$0x1] =	stream.indirect.gather [hbm4b:s2+s26], $0x28, s9, s26, $0xb8;
	[tilespmem:$0xC710] =	vst v63  }
0x8d: {  	_ =	swait.ge [sflag:s29], $0x1388  }
0x8e: {  	[sflag:s29] =	ssyncset.done $0x0  }
0x8f: {  	s6 =	sadd.s32 $0x180, s15;
	[sflag:s29] =	ssyncadd.s32 $0xFFFFEC78  }
0x90: {  	[tilespmem:s30], [sflag:$0x2] =	stream.indirect.gather [hbm4b:s2+s26], $0x28, s6, s26, $0xb8;
	[tilespmem:$0xC710] =	vst v63  }
0x91: {  	_ =	swait.ge [sflag:s1], $0x1388  }
0x92: {  	[sflag:s1] =	ssyncset.done $0x0  }
0x93: {  	s11 =	simm.s32 $0x3B00;
	[sflag:s1] =	ssyncadd.s32 $0xFFFFEC78  }
0x94: {  	[spmem:s3] =	stream.indirect.scatter.add.f32 [tilespmem:s28], [sflag:$0x3], $0x28, s11, s26, $0xb8;
	[tilespmem:$0xC710] =	vst v63  }
0x95: {  	_ =	swait.ge [sflag:s0], $0x1388  }
0x96: {  	[sflag:s0] =	ssyncset.done $0x0  }
0x97: {  	s12 =	simm.s32 $0x3B80;
	[sflag:s0] =	ssyncadd.s32 $0xFFFFEC78  }
0x98: {  	[spmem:s3] =	stream.indirect.scatter.add.f32 [tilespmem:s30], [sflag:$0x4], $0x28, s12, s26, $0xb8;
	[tilespmem:$0xC710] =	vst v63  }
0x99: {  	_ =	swait.ge [sflag:s24], $0x1388  }
0x9a: {  	[sflag:s24] =	ssyncset.done $0x0  }
0x9b: {  	[sflag:s24] =	ssyncadd.s32 $0xFFFFEC78  }
0x9c: {  	_ =	swait.ge [sflag:s29], $0x1388  }
0x9d: {  	[sflag:s29] =	ssyncset.done $0x0  }
0x9e: {  	[sflag:s29] =	ssyncadd.s32 $0xFFFFEC78  }
0x9f: {  	[bflag:$0x0] =	sbarrier.arrive $0xFFFF  }
0xa0: {  	s13 =	rddreg [dreg:$0x4]  }
0xa1: {  	s14 =	rddreg [dreg:$0x7];
	s6 =	sor.u32 $0x1C06, s13  }
0xa2: {  	[hbm:s14], [sflag:s6] =	dma.local [spmem:s25], $0xC80  }
0xa3: {  	_ =	swait.ge [sflag:s23], $0xC80  }
0xa4: {  	s8 =	sadd.s32 $0x1, s8;
	s15 =	rddreg [dreg:$0x8]  }
0xa5: {  	p0 =	sne.s32 s8, s15  }
.Ltmp1:
0xa6: {  	_ = 	snop;
	(pc) =	sbr.rel @p0 .LBB2_1-.Ltmp1, $3  }
0xa7: {  	_ =	sdelay $0x1  }
0xa8: {  	[sflag:s23] =	ssyncset.done $0x0  }
0xa9: {  	[sflag:s23] =	ssyncadd.s32 $0xFFFFF380  }
0xaa: {  	_ =	sfence.sel $0x180000  }
0xab: {  	[bflag:$0x0] =	sbarrier.arrive $0xFFFF  }
0xac: {  	_ =	strace $0x9000004D  }
0xad: {  	s0 =	stileid.u32;
	[bflag:$0x2] =	sbarrier.arrive $0xFFFF  }
0xae: {  	p0 =	sne.s32 s0, $0x0;
	s0 =	rddreg [dreg:$0x3]  }
0xaf: {  	s0 =	sadd.s32 @!p0 $0x100000, s0  }
0xb0: {  	[sflag:s0] =	ssyncadd.tile.s32 @!p0 $0x1;
	_ =	shalt  }
.Lfunc_end2:
_tile_overlayer_lowered:
.L_overlay_start_2:
0xb1: {  	(tag) =	ssettag $0x2  }
0xb2: {  	s0 =	rddreg [dreg:$0x0];
	s2 =	stileid.u32  }
0xb3: {  	s1 =	rddreg [dreg:$0x1];
	p0 =	sne.s32 s2, $0x0  }
0xb4: {  	s3 =	rddreg [dreg:$0x2];
	[bflag:$0x3] =	sbarrier.arrive $0xFFFF;
	s2 =	simm.s32 @!p0 $0x1C06  }
0xb5: {  	[timem:s3], [sflag:s2] =	dma.local @!p0 [hbm:s0], s1  }
0xb6: {  	s0 =	simm.s32 @!p0 $0x6  }
0xb7: {  	_ =	swait.ge @!p0 [sflag:s0], s1  }
0xb8: {  	s1 =	ssub.s32 @!p0 $0x0, s1;
	[sflag:s0] =	ssyncset.done @!p0 $0x0  }
0xb9: {  	[sflag:s0] =	ssyncadd.s32 @!p0 s1  }
0xba: {  	[bflag:$0x3] =	sbarrier.arrive $0xFFFF  }
0xbb: {  	_ =	shalt  }

// kernel: kernel.9.cloned.1.call-start
scs
__scs_entry_jumppad:
0x0: {  	(pc) =	sbr.rel $0x88, $3  }
0x1: {  	(tag) =	ssettag $0x0;
	lr =	simm.s32 $0x1  }
0x2: {  	[smem:$0x3F9B] =	sst lr;
	_ =	strace $0xD0000000  }
0x3: {  	_ = 	snop  }
0x4: {  	_ = 	snop  }
0x5: {  	_ = 	snop  }
0x6: {  	_ = 	snop  }
0x7: {  	_ = 	snop  }
__scs_overlays_trampoline_lowered:
0x8: {  	[smem:$0x3FAA] =	sst s0  }
0x9: {  	[smem:$0x3FAB] =	sst s1  }
0xa: {  	[smem:$0x3FAC] =	sst s2  }
0xb: {  	[smem:$0x3FAD] =	sst s3  }
0xc: {  	[smem:$0x3FAE] =	sst s4  }
0xd: {  	[smem:$0x3FAF] =	sst s5  }
0xe: {  	[smem:$0x3FB0] =	sst s6  }
0xf: {  	[smem:$0x3FB1] =	sst s7  }
0x10: {  	[smem:$0x3FB2] =	sst s8  }
0x11: {  	[smem:$0x3FB3] =	sst s9;
	s0 =	simm.s32 @!p0 $0x0  }
0x12: {  	s1 =	sld [smem:$0x3F99];
	s0 =	simm.s32 @p0 $0x1  }
0x13: {  	[smem:$0x3FB4] =	sst s0;
	s0 =	simm.s32 @!p1 $0x0  }
0x14: {  	s2 =	sld [smem:$0x3F98];
	s0 =	simm.s32 @p1 $0x1  }
0x15: {  	[smem:$0x3FB5] =	sst s0;
	s0 =	simm.s32 @!p2 $0x0  }
0x16: {  	s3 =	sld [smem:$0x3FDB];
	s0 =	simm.s32 @p2 $0x1  }
0x17: {  	s4 =	simm.s32 $0x1BF5;
	[smem:$0x3FB7] =	sst s0  }
0x18: {  	s0 =	sld [smem:$0x3F9A];
	_ =	swait.ge [sflag:s4], $0x0  }
0x19: {  	s7 =	sld [smem:$0x3F9B]  }
0x1a: {  	s8 =	sadd.s32 $0xFFFFE003, lr  }
0x1b: {  	s9 =	sadd.s32 $0xFFFFFEF7, lr;
	s5 =	simm.s32 $0xFFFFFFFF;
	p2 =	slt.u32 s8, $0xFFFFF086  }
0x1c: {  	p1 =	slt.u32 s9, $0xF7A;
	s5 =	simm.s32 @!p2 $0x0  }
0x1d: {  	s5 =	simm.s32 @p1 $0x1;
	p0 =	seq.s32 s7, s2  }
0x1e: {  	s7 =	smul.u32 @!p0 $0xF7A, s2;
	p2 =	seq.s32 @!p0 s5, $0x0  }
0x1f: {  	s9 =	smul.u32 $0xF7A, s1;
	s8 =	simm.s32 @!p0 $0x1BF5;
	p2 =	por !p2, p0  }
0x20: {  	[sflag:s8] =	ssyncset.s32 @!p0 $0xFFFFF086;
	s6 =	sadd.s32 @!p0 s3, s7;
	s7 =	simm.s32 @!p0 $0x108  }
0x21: {  	s3 =	sadd.s32 s3, s9;
	s6 =	sadd.s32 @!p0 $0x88, s6;
	s7 =	simm.s32 @p2 $0x1082  }
0x22: {  	[simem:s7], [sflag:s8] =	dma.local @!p0 [hbm:s6], $0xF7A  }
0x23: {  	s9 =	sor.u32 $0xD0000000, s2;
	s6 =	simm.s32 $0x108;
	_ =	swait.ge @!p0 [sflag:s8], $0x0  }
0x24: {  	s3 =	sadd.s32 $0x88, s3;
	s6 =	simm.s32 @!p1 $0x1082;
	[sflag:s4] =	ssyncset.s32 $0xFFFFF086  }
0x25: {  	[simem:s6], [sflag:s4] =	dma.local [hbm:s3], $0xF7A  }
0x26: {  	[smem:$0x3F9B] =	sst s1;
	(tag) =	ssettag s2;
	_ =	strace s9  }
0x27: {  	s1 =	sld [smem:$0x3FAB]  }
0x28: {  	s2 =	sld [smem:$0x3FAC]  }
0x29: {  	s4 =	sld [smem:$0x3FAE]  }
0x2a: {  	p0 =	seq.s32 s5, $0x0;
	s5 =	sld [smem:$0x3FAF]  }
0x2b: {  	s6 =	sld [smem:$0x3FB0]  }
0x2c: {  	s7 =	sld [smem:$0x3FB1]  }
0x2d: {  	s3 =	simm.s32 $0x108;
	s8 =	sld [smem:$0x3FB2]  }
0x2e: {  	s3 =	simm.s32 @!p0 $0x1082;
	s9 =	sld [smem:$0x3FB3]  }
0x2f: {  	lr =	sadd.s32 s0, s3;
	s0 =	sld [smem:$0x3FAA]  }
0x30: {  	s3 =	sld [smem:$0x3FAD]  }
0x31: {  	[smem:$0x3FB6] =	sst s10  }
0x32: {  	s10 =	sld [smem:$0x3FB4];
	_ =	sdelay $0x3  }
0x33: {  	p0 =	seq.s32 s10, $0x1;
	s10 =	sld [smem:$0x3FB6];
	_ =	sdelay $0x3  }
0x34: {  	[smem:$0x3FB6] =	sst s10  }
0x35: {  	s10 =	sld [smem:$0x3FB5];
	_ =	sdelay $0x3  }
0x36: {  	p1 =	seq.s32 s10, $0x1;
	s10 =	sld [smem:$0x3FB6];
	_ =	sdelay $0x3  }
0x37: {  	[smem:$0x3FB6] =	sst s10  }
0x38: {  	s10 =	sld [smem:$0x3FB7]  }
0x39: {  	_ = 	snop;
	(pc) =	sbr.ind lr, $3  }
0x3a: {  	_ = 	snop  }
0x3b: {  	_ = 	snop  }
0x3c: {  	p2 =	seq.s32 s10, $0x1;
	s10 =	sld [smem:$0x3FB6]  }
0x3d: {  	_ =	shalt  }
0x3e: {  	_ =	shalt  }
0x3f: {  	_ =	shalt  }
0x40: {  	_ =	shalt  }
0x41: {  	_ =	shalt  }
0x42: {  	_ =	shalt  }
0x43: {  	_ =	shalt  }
0x44: {  	_ =	shalt  }
0x45: {  	_ =	shalt  }
0x46: {  	_ =	shalt  }
0x47: {  	_ =	shalt  }
0x48: {  	_ =	shalt  }
0x49: {  	_ =	shalt  }
0x4a: {  	_ =	shalt  }
0x4b: {  	_ =	shalt  }
0x4c: {  	_ =	shalt  }
0x4d: {  	_ =	shalt  }
0x4e: {  	_ =	shalt  }
0x4f: {  	_ =	shalt  }
0x50: {  	_ =	shalt  }
0x51: {  	_ =	shalt  }
0x52: {  	_ =	shalt  }
0x53: {  	_ =	shalt  }
0x54: {  	_ =	shalt  }
0x55: {  	_ =	shalt  }
0x56: {  	_ =	shalt  }
0x57: {  	_ =	shalt  }
0x58: {  	_ =	shalt  }
0x59: {  	_ =	shalt  }
0x5a: {  	_ =	shalt  }
0x5b: {  	_ =	shalt  }
0x5c: {  	_ =	shalt  }
0x5d: {  	_ =	shalt  }
0x5e: {  	_ =	shalt  }
0x5f: {  	_ =	shalt  }
0x60: {  	_ =	shalt  }
0x61: {  	_ =	shalt  }
0x62: {  	_ =	shalt  }
0x63: {  	_ =	shalt  }
0x64: {  	_ =	shalt  }
0x65: {  	_ =	shalt  }
0x66: {  	_ =	shalt  }
0x67: {  	_ =	shalt  }
0x68: {  	_ =	shalt  }
0x69: {  	_ =	shalt  }
0x6a: {  	_ =	shalt  }
0x6b: {  	_ =	shalt  }
0x6c: {  	_ =	shalt  }
0x6d: {  	_ =	shalt  }
0x6e: {  	_ =	shalt  }
0x6f: {  	_ =	shalt  }
0x70: {  	_ =	shalt  }
0x71: {  	_ =	shalt  }
0x72: {  	_ =	shalt  }
0x73: {  	_ =	shalt  }
0x74: {  	_ =	shalt  }
0x75: {  	_ =	shalt  }
0x76: {  	_ =	shalt  }
0x77: {  	_ =	shalt  }
0x78: {  	_ =	shalt  }
0x79: {  	_ =	shalt  }
0x7a: {  	_ =	shalt  }
0x7b: {  	_ =	shalt  }
0x7c: {  	_ =	shalt  }
0x7d: {  	_ =	shalt  }
0x7e: {  	_ =	shalt  }
0x7f: {  	_ =	shalt  }
0x80: {  	_ =	shalt  }
0x81: {  	_ =	shalt  }
0x82: {  	_ =	shalt  }
0x83: {  	_ =	shalt  }
0x84: {  	_ =	shalt  }
0x85: {  	_ =	shalt  }
0x86: {  	_ =	shalt  }
0x87: {  	_ =	shalt  }
.Lfunc_end0:
.L_simem_size_0:
called_computation_lowered:
.L_overlay_start_0:
0x88: {  	s2 =	sld [smem:$0x3FD9]  }
0x89: {  	s3 =	sld [smem:$0x3FFE];
	_ =	sdelay $0x1  }
0x8a: {  	s1 =	srdreg.scid  }
0x8b: {  	s0 =	sand.u32 $0x1, s1  }
0x8c: {  	s16 =	sshll.u32 s0, $0xA;
	s2 =	sadd.s32 s3, s2  }
0x8d: {  	s2 =	sadd.s32 s2, s16  }
0x8e: {  	[smem:$0x3FC2] =	sst s2  }
0x8f: {  	_ = 	snop  }
0x90: {  	(tm) =	ssettm $0x1  }
0x91: {  	s17 =	sld [smem:$0x3FFB];
	_ =	sdelay $0x3  }
0x92: {  	_ =	strace s17  }
0x93: {  	s2 =	sld [smem:$0x3FFC];
	_ =	sdelay $0x3  }
0x94: {  	_ =	strace s2  }
0x95: {  	s2 =	sld [smem:$0x3FFD];
	_ =	sdelay $0x3  }
0x96: {  	_ =	strace s2  }
0x97: {  	_ =	strace $0x8FFFFFFF  }
0x98: {  	s18 =	sld [smem:$0x3FDB];
	_ =	sdelay $0x1  }
0x99: {  	s19 =	simm.s32 $_scs_section_size  }
0x9a: {  	s4 =	simm.s32 $_size__tile_overlayer_lowered;
	s5 =	simm.s32 $_tile_overlayer_lowered  }
0x9b: {  	s22 =	simm.s32 $0x1BFF;
	s21 =	sshll.u32 s5, $0x1;
	s2 =	sadd.s32 s19, s18  }
0x9c: {  	s6 =	simm.s32 $0x0;
	s20 =	sshll.u32 s4, $0x1;
	s4 =	sadd.s32 s21, s2  }
0x9d: {  	[timem:s6], [sflag:s22] =	dma.local [hbm:s4], s20  }
0x9e: {  	_ =	swait.ge [sflag:s22], s20  }
0x9f: {  	s3 =	ssub.s32 $0x0, s20;
	[sflag:s22] =	ssyncset.done $0x0  }
0xa0: {  	[sflag:s22] =	ssyncadd.s32 s3;
	_ =	sdelay $0x1  }
0xa1: {  	s23 =	simm.s32 $0x1B8B  }
0xa2: {  	_ =	swait.ge [sflag:s23], $0x1  }
0xa3: {  	[sflag:s23] =	ssyncset.done $0x0  }
0xa4: {  	s25 =	simm.s32 $0x1B8E;
	s24 =	sld [smem:$0x3FFE];
	[sflag:s23] =	ssyncadd.s32 $0xFFFFFFFF  }
0xa5: {  	s26 =	simm.s32 $execute0_lowered;
	[smem:$0x3FD2] =	sst s25  }
0xa6: {  	s4 =	sshll.u32 s26, $0x1;
	_ =	strace $0x80000046;
	[dreg:$0x1] =	wrdreg $0xFFFFFFFF  }
0xa7: {  	s28 =	simm.s32 $_size_execute0_lowered;
	s2 =	sadd.s32 s2, s4;
	[dreg:$0x0] =	wrdreg $0x0  }
0xa8: {  	s4 =	sshll.u32 s28, $0x1;
	[dreg:$0x2] =	wrdreg s2  }
0xa9: {  	[dreg:$0x3] =	wrdreg s4  }
0xaa: {  	[dreg:$0x4] =	wrdreg $0xC0  }
0xab: {  	_ =	task [dreg:s6], $0x5FFFF  }
0xac: {  	[dreg:$0x1] =	wrdreg $0xFFFFFFFF  }
0xad: {  	[dreg:$0x0] =	wrdreg $0x60  }
0xae: {  	[dreg:$0x2] =	wrdreg s24  }
0xaf: {  	[dreg:$0x3] =	wrdreg $0x37A00  }
0xb0: {  	[dreg:$0x4] =	wrdreg $0x9  }
0xb1: {  	_ =	task.clear_ibuf [dreg:s6], $0x5FFFF;
	_ =	strace $0x90000046  }
0xb2: {  	s29 =	simm.s32 $0x9;
	_ =	strace $0x80000048  }
0xb3: {  	_ =	swait.ge [sflag:s29], $0x1  }
0xb4: {  	[sflag:s29] =	ssyncadd.s32 $0xFFFFFFFF  }
0xb5: {  	_ =	strace $0x90000048  }
0xb6: {  	_ =	sfence  }
0xb7: {  	s30 =	sld [smem:$0x0];
	_ =	sdelay $0x2  }
0xb8: {  	s31 =	sshll.u32 s1, $0xD;
	s1 =	sshrl.u32 s1, $0x2  }
0xb9: {  	s3 =	sand.u32 $0x4000, s31;
	s1 =	sadd.s32 s1, s30  }
0xba: {  	s0 =	sor.u32 s3, s0;
	s1 =	sshll.u32 s1, $0x11  }
0xbb: {  	s0 =	sor.u32 s1, s0  }
0xbc: {  	s0 =	sadd.s32 $0x8F2B, s0  }
0xbd: {  	[sflag:s0] =	ssyncadd.remote.s32 $0x1  }
0xbe: {  	_ =	sfence.sel $0xFFFF  }
0xbf: {  	[dreg:$0x0] =	wrdreg $0xFFFFFFFF;
	(pc) =	sbr.abs _section_cstart, $3  }
0xc0: {  	[dreg:$0x1] =	wrdreg $0xFFFFFFFF  }
0xc1: {  	_ =	task.clear_ibuf [dreg:s6], $0x2FFFF;
	_ =	strace $0x9FFFFFFF  }
0xc2: {  	(tm) =	ssettm $0x7FFFFFFF  }
0xc3: {  	_ =	shalt  }
tec
execute0_lowered:
.L_overlay_start_1:
0x0: {  	(tag) =	ssettag $0x1  }
0x1: {  	s0 =	rddreg [dreg:$0x0]  }
0x2: {  	s1 =	rddreg [dreg:$0x1];
	s2 =	srdreg.scid;
	s3 =	simm.s32 $0x0  }
0x3: {  	s13 =	stileid.u32;
	s23 =	simm.s32 $0x3;
	s24 =	simm.s32 $0x1400  }
0x4: {  	s28 =	simm.s32 $0x7D;
	s29 =	simm.s32 $0x2800;
	s30 =	simm.s32 $0x2FD0  }
0x5: {  	s31 =	simm.s32 $0x2;
	s2 =	sand.u32 $0x1, s2;
	s8 =	smul.u32 $0x2800, s13  }
0x6: {  	[smem:$0x7FF] =	sst s3;
	s10 =	sadd.s32 $0x15C00, s0;
	s6 =	smul.u32 $0xA000, s13  }
0x7: {  	s11 =	sadd.s32 $0xBC00, s0;
	s4 =	smul.u32 $0x28000, s2;
	s5 =	sshll.u32 s2, $0x4  }
0x8: {  	_ =	strace $0x80000047;
	s2 =	ssub.s32 $0x2, s2;
	s5 =	sor.u32 s13, s5  }
0x9: {  	s9 =	sshrl.u32 s2, $0x1;
	s6 =	sshrl.u32 s6, $0x2;
	s4 =	sadd.s32 s8, s4  }
0xa: {  	s12 =	smul.u32 $0x2800, s5;
	s2 =	ssub.s32 s2, s9;
	s5 =	sshll.u32 s13, $0x6  }
0xb: {  	s6 =	sadd.s32 s6, s1;
	s7 =	sshrl.u32 s4, $0x3;
	s4 =	sadd.s32 $0x1FC00, s0  }
0xc: {  	s13 =	smax.u32 s2, $0x1;
	s16 =	sadd.s32 $0xC00, s6;
	s17 =	sadd.s32 $0x1000, s6  }
0xd: {  	s18 =	sadd.s32 $0x1400, s6;
	s19 =	sadd.s32 $0x1800, s6;
	s20 =	sadd.s32 $0x1C00, s6  }
0xe: {  	s21 =	sadd.s32 $0x2000, s6;
	s22 =	sadd.s32 $0x2400, s6;
	s0 =	sadd.s32 s7, s0  }
0xf: {  	s25 =	sshrl.u32 s12, $0x3;
	s7 =	sor.u32 $0x1C01, s5;
	s16 =	sshrl.u32 s16, $0x3  }
0x10: {  	s17 =	sshrl.u32 s17, $0x3;
	s18 =	sshrl.u32 s18, $0x3;
	s19 =	sshrl.u32 s19, $0x3  }
0x11: {  	s20 =	sshrl.u32 s20, $0x3;
	s21 =	sshrl.u32 s21, $0x3;
	s26 =	sadd.s32 s10, s25  }
0x12: {  	s22 =	sshrl.u32 s22, $0x3;
	s9 =	sadd.s32 s11, s25;
	[dreg:$0x3] =	wrdreg s26  }
0x13: {  	s12 =	sadd.s32 $0x280, s25;
	s25 =	sadd.s32 $0x400, s6;
	[dreg:$0x4] =	wrdreg s9  }
0x14: {  	s10 =	sadd.s32 s10, s12;
	s11 =	sadd.s32 s11, s12;
	s12 =	sadd.s32 $0x1FE00, s0  }
0x15: {  	vm0 =	vcmask $0x1F00;
	v0 =	vimm.f32 $0.0e+00;
	v1 =	vimm.f32 $1.000000000e+00;
	s9 =	sadd.s32 s8, s1;
	s26 =	sadd.s32 $0x800, s6;
	s14 =	sshrl.u32 s25, $0x3  }
0x16: {  	v0 =	vsel vm0, $0x3F800000, v0;
	v1 =	vsel vm0, $0x0, v1;
	s15 =	sshrl.u32 s26, $0x3;
	s25 =	sshrl.u32 s9, $0x3;
	s26 =	simm.s32 $0x1  }
.LBB2_1:
0x17: {  	s0 =	simm.s32 $0x40;
	s2 =	simm.s32 $0x0  }
.LBB2_2:
0x18: {  	p0 =	sne.s32 s0, $0x1F00;
	[tilespmem:s2+$0x2800] =	vst v0;
	s8 =	smov.u32 s0;
	s0 =	sadd.s32 $0x40, s0  }
.Ltmp0:
0x19: {  	[tilespmem:s2+$0x2FD0] =	vst v1;
	(pc) =	sbr.rel @p0 .LBB2_2-.Ltmp0, $2  }
0x1a: {  	_ =	sdelay $0x2  }
0x1b: {  	s2 =	sshra.s32 s8, $0x2  }
0x1c: {  	[tilespmem:s2+$0x2800] =	vst v0  }
0x1d: {  	[tilespmem:s2+$0x2FD0] =	vst v1;
	s0 =	sshrl.u32 s6, $0x3  }
0x1e: {  	[spmem:s0], [sflag:s7] =	dma.local [hbm:s4], $0x80  }
0x1f: {  	[spmem:s14], [sflag:s7] =	dma.local [hbm:s4], $0x80  }
0x20: {  	[spmem:s15], [sflag:s7] =	dma.local [hbm:s4], $0x80  }
0x21: {  	[spmem:s16], [sflag:s7] =	dma.local [hbm:s4], $0x80  }
0x22: {  	[spmem:s17], [sflag:s7] =	dma.local [hbm:s4], $0x80  }
0x23: {  	[spmem:s18], [sflag:s7] =	dma.local [hbm:s4], $0x80  }
0x24: {  	[spmem:s19], [sflag:s7] =	dma.local [hbm:s4], $0x80  }
0x25: {  	[spmem:s20], [sflag:s7] =	dma.local [hbm:s4], $0x80  }
0x26: {  	[spmem:s21], [sflag:s7] =	dma.local [hbm:s4], $0x80  }
0x27: {  	[spmem:s22], [sflag:s7] =	dma.local [hbm:s4], $0x80  }
0x28: {  	s0 =	simm.s32 $0x0;
	s8 =	rddreg [dreg:$0x3]  }
0x29: {  	[tilespmem:s0], [sflag:$0x3] =	stream.linear.gather [hbm4b:s8+s0], $0x1400, $0x38;
	[tilespmem:$0x5FA0] =	vst v63  }
0x2a: {  	_ =	swait.ge [sflag:s23], $0x1400  }
0x2b: {  	[sflag:s23] =	ssyncset.done $0x0  }
0x2c: {  	s9 =	rddreg [dreg:$0x4];
	[sflag:s23] =	ssyncadd.s32 $0xFFFFEC00  }
0x2d: {  	[tilespmem:s24], [sflag:$0x3] =	stream.linear.gather [hbm4b:s9+s0], $0x1400, $0x38;
	[tilespmem:$0x5FA0] =	vst v63  }
0x2e: {  	_ =	swait.ge [sflag:s23], $0x1400  }
0x2f: {  	[sflag:s23] =	ssyncset.done $0x0  }
0x30: {  	[sflag:s23] =	ssyncadd.s32 $0xFFFFEC00  }
0x31: {  	_ =	swait.ge [sflag:s26], $0x80  }
0x32: {  	[sflag:s26] =	ssyncset.done $0x0  }
0x33: {  	[sflag:s26] =	ssyncadd.s32 $0xFFFFFF80  }
0x34: {  	_ =	swait.ge [sflag:s26], $0x80  }
0x35: {  	[sflag:s26] =	ssyncset.done $0x0  }
0x36: {  	[sflag:s26] =	ssyncadd.s32 $0xFFFFFF80  }
0x37: {  	_ =	swait.ge [sflag:s26], $0x80  }
0x38: {  	[sflag:s26] =	ssyncset.done $0x0  }
0x39: {  	[sflag:s26] =	ssyncadd.s32 $0xFFFFFF80  }
0x3a: {  	_ =	swait.ge [sflag:s26], $0x80  }
0x3b: {  	[sflag:s26] =	ssyncset.done $0x0  }
0x3c: {  	[sflag:s26] =	ssyncadd.s32 $0xFFFFFF80  }
0x3d: {  	_ =	swait.ge [sflag:s26], $0x80  }
0x3e: {  	[sflag:s26] =	ssyncset.done $0x0  }
0x3f: {  	[sflag:s26] =	ssyncadd.s32 $0xFFFFFF80  }
0x40: {  	_ =	swait.ge [sflag:s26], $0x80  }
0x41: {  	[sflag:s26] =	ssyncset.done $0x0  }
0x42: {  	[sflag:s26] =	ssyncadd.s32 $0xFFFFFF80  }
0x43: {  	_ =	swait.ge [sflag:s26], $0x80  }
0x44: {  	[sflag:s26] =	ssyncset.done $0x0  }
0x45: {  	[sflag:s26] =	ssyncadd.s32 $0xFFFFFF80  }
0x46: {  	_ =	swait.ge [sflag:s26], $0x80  }
0x47: {  	[sflag:s26] =	ssyncset.done $0x0  }
0x48: {  	[sflag:s26] =	ssyncadd.s32 $0xFFFFFF80  }
0x49: {  	_ =	swait.ge [sflag:s26], $0x80  }
0x4a: {  	[sflag:s26] =	ssyncset.done $0x0  }
0x4b: {  	[sflag:s26] =	ssyncadd.s32 $0xFFFFFF80  }
0x4c: {  	_ =	swait.ge [sflag:s26], $0x80  }
0x4d: {  	[sflag:s26] =	ssyncset.done $0x0  }
0x4e: {  	[sflag:s26] =	ssyncadd.s32 $0xFFFFFF80  }
0x4f: {  	s8 =	simm.s32 $0x0;
	[bflag:$0x0] =	sbarrier.arrive $0xFFFF  }
0x50: {  	[spmem:s1] =	stream.indirect.scatter.add.f32 [tilespmem:s29], [sflag:$0x2], $0x10, s8, s28, $0xb8;
	[tilespmem:$0x5FA0] =	vst v63  }
0x51: {  	s9 =	simm.s32 $0x1400  }
0x52: {  	[spmem:s1] =	stream.indirect.scatter.add.f32 [tilespmem:s30], [sflag:$0x2], $0x10, s9, s28, $0xb8;
	[tilespmem:$0x5FA0] =	vst v63  }
0x53: {  	s2 =	simm.s32 $0x80  }
0x54: {  	[spmem:s1] =	stream.indirect.scatter.add.f32 [tilespmem:s29], [sflag:$0x2], $0x10, s2, s28, $0xb8;
	[tilespmem:$0x5FA0] =	vst v63  }
0x55: {  	s8 =	simm.s32 $0x1480  }
0x56: {  	[spmem:s1] =	stream.indirect.scatter.add.f32 [tilespmem:s30], [sflag:$0x2], $0x10, s8, s28, $0xb8;
	[tilespmem:$0x5FA0] =	vst v63  }
0x57: {  	s9 =	simm.s32 $0x100  }
0x58: {  	[spmem:s1] =	stream.indirect.scatter.add.f32 [tilespmem:s29], [sflag:$0x2], $0x10, s9, s28, $0xb8;
	[tilespmem:$0x5FA0] =	vst v63  }
0x59: {  	s2 =	simm.s32 $0x1500  }
0x5a: {  	[spmem:s1] =	stream.indirect.scatter.add.f32 [tilespmem:s30], [sflag:$0x2], $0x10, s2, s28, $0xb8;
	[tilespmem:$0x5FA0] =	vst v63  }
0x5b: {  	s8 =	simm.s32 $0x180  }
0x5c: {  	[spmem:s1] =	stream.indirect.scatter.add.f32 [tilespmem:s29], [sflag:$0x2], $0x10, s8, s28, $0xb8;
	[tilespmem:$0x5FA0] =	vst v63  }
0x5d: {  	s9 =	simm.s32 $0x1580  }
0x5e: {  	[spmem:s1] =	stream.indirect.scatter.add.f32 [tilespmem:s30], [sflag:$0x2], $0x10, s9, s28, $0xb8;
	[tilespmem:$0x5FA0] =	vst v63  }
0x5f: {  	_ =	swait.ge [sflag:s31], $0x7D0  }
0x60: {  	[sflag:s31] =	ssyncset.done $0x0  }
0x61: {  	[sflag:s31] =	ssyncadd.s32 $0xFFFFF830  }
0x62: {  	_ =	swait.ge [sflag:s31], $0x7D0  }
0x63: {  	[sflag:s31] =	ssyncset.done $0x0  }
0x64: {  	[sflag:s31] =	ssyncadd.s32 $0xFFFFF830  }
0x65: {  	_ =	swait.ge [sflag:s31], $0x7D0  }
0x66: {  	[sflag:s31] =	ssyncset.done $0x0  }
0x67: {  	[sflag:s31] =	ssyncadd.s32 $0xFFFFF830  }
0x68: {  	_ =	swait.ge [sflag:s31], $0x7D0  }
0x69: {  	[sflag:s31] =	ssyncset.done $0x0  }
0x6a: {  	[sflag:s31] =	ssyncadd.s32 $0xFFFFF830  }
0x6b: {  	_ =	swait.ge [sflag:s31], $0x7D0  }
0x6c: {  	[sflag:s31] =	ssyncset.done $0x0  }
0x6d: {  	[sflag:s31] =	ssyncadd.s32 $0xFFFFF830  }
0x6e: {  	_ =	swait.ge [sflag:s31], $0x7D0  }
0x6f: {  	[sflag:s31] =	ssyncset.done $0x0  }
0x70: {  	[sflag:s31] =	ssyncadd.s32 $0xFFFFF830  }
0x71: {  	_ =	swait.ge [sflag:s31], $0x7D0  }
0x72: {  	[sflag:s31] =	ssyncset.done $0x0  }
0x73: {  	[sflag:s31] =	ssyncadd.s32 $0xFFFFF830  }
0x74: {  	_ =	swait.ge [sflag:s31], $0x7D0  }
0x75: {  	s0 =	simm.s32 $0x800;
	s2 =	simm.s32 $0x1000;
	[sflag:s31] =	ssyncset.done $0x0  }
.LBB2_4:
0x76: {  	s9 =	sshra.s32 s0, $0x2  }
0x77: {  	[sflag:s31] =	ssyncadd.s32 $0xFFFFF830;
	s0 =	smov.u32 s2;
	s8 =	sadd.s32 $0x800, s2  }
0x78: {  	[spmem:s1] =	stream.indirect.scatter.add.f32 [tilespmem:s29], [sflag:$0x2], $0x10, s9, s28, $0xb8;
	[tilespmem:$0x5FA0] =	vst v63  }
0x79: {  	p0 =	sne.s32 s2, $0x4800;
	s2 =	sadd.s32 $0x1400, s9  }
0x7a: {  	[spmem:s1] =	stream.indirect.scatter.add.f32 [tilespmem:s30], [sflag:$0x2], $0x10, s2, s28, $0xb8;
	[tilespmem:$0x5FA0] =	vst v63  }
0x7b: {  	s2 =	sadd.s32 $0x80, s9  }
0x7c: {  	[spmem:s1] =	stream.indirect.scatter.add.f32 [tilespmem:s29], [sflag:$0x2], $0x10, s2, s28, $0xb8;
	[tilespmem:$0x5FA0] =	vst v63  }
0x7d: {  	s2 =	sadd.s32 $0x1480, s9  }
0x7e: {  	[spmem:s1] =	stream.indirect.scatter.add.f32 [tilespmem:s30], [sflag:$0x2], $0x10, s2, s28, $0xb8;
	[tilespmem:$0x5FA0] =	vst v63  }
0x7f: {  	s2 =	sadd.s32 $0x100, s9  }
0x80: {  	[spmem:s1] =	stream.indirect.scatter.add.f32 [tilespmem:s29], [sflag:$0x2], $0x10, s2, s28, $0xb8;
	[tilespmem:$0x5FA0] =	vst v63  }
0x81: {  	s2 =	sadd.s32 $0x1500, s9  }
0x82: {  	[spmem:s1] =	stream.indirect.scatter.add.f32 [tilespmem:s30], [sflag:$0x2], $0x10, s2, s28, $0xb8;
	[tilespmem:$0x5FA0] =	vst v63  }
0x83: {  	s2 =	sadd.s32 $0x180, s9  }
0x84: {  	[spmem:s1] =	stream.indirect.scatter.add.f32 [tilespmem:s29], [sflag:$0x2], $0x10, s2, s28, $0xb8;
	[tilespmem:$0x5FA0] =	vst v63  }
0x85: {  	s2 =	sadd.s32 $0x1580, s9  }
0x86: {  	[spmem:s1] =	stream.indirect.scatter.add.f32 [tilespmem:s30], [sflag:$0x2], $0x10, s2, s28, $0xb8;
	[tilespmem:$0x5FA0] =	vst v63  }
0x87: {  	_ =	swait.ge [sflag:s31], $0x7D0  }
0x88: {  	[sflag:s31] =	ssyncset.done $0x0  }
0x89: {  	[sflag:s31] =	ssyncadd.s32 $0xFFFFF830  }
0x8a: {  	_ =	swait.ge [sflag:s31], $0x7D0  }
0x8b: {  	[sflag:s31] =	ssyncset.done $0x0  }
0x8c: {  	[sflag:s31] =	ssyncadd.s32 $0xFFFFF830  }
0x8d: {  	_ =	swait.ge [sflag:s31], $0x7D0  }
0x8e: {  	[sflag:s31] =	ssyncset.done $0x0  }
0x8f: {  	[sflag:s31] =	ssyncadd.s32 $0xFFFFF830  }
0x90: {  	_ =	swait.ge [sflag:s31], $0x7D0  }
0x91: {  	[sflag:s31] =	ssyncset.done $0x0  }
0x92: {  	[sflag:s31] =	ssyncadd.s32 $0xFFFFF830  }
0x93: {  	_ =	swait.ge [sflag:s31], $0x7D0  }
0x94: {  	[sflag:s31] =	ssyncset.done $0x0  }
0x95: {  	[sflag:s31] =	ssyncadd.s32 $0xFFFFF830  }
0x96: {  	_ =	swait.ge [sflag:s31], $0x7D0  }
0x97: {  	[sflag:s31] =	ssyncset.done $0x0  }
0x98: {  	[sflag:s31] =	ssyncadd.s32 $0xFFFFF830  }
.Ltmp1:
0x99: {  	_ =	swait.ge [sflag:s31], $0x7D0;
	(pc) =	sbr.rel @p0 .LBB2_4-.Ltmp1, $4  }
0x9a: {  	[sflag:s31] =	ssyncset.done $0x0  }
0x9b: {  	[sflag:s31] =	ssyncadd.s32 $0xFFFFF830  }
0x9c: {  	_ =	swait.ge [sflag:s31], $0x7D0  }
0x9d: {  	s2 =	smov.u32 s8;
	[sflag:s31] =	ssyncset.done $0x0  }
0x9e: {  	s0 =	sshra.s32 s0, $0x2;
	[sflag:s31] =	ssyncadd.s32 $0xFFFFF830  }
0x9f: {  	[spmem:s1] =	stream.indirect.scatter.add.f32 [tilespmem:s29], [sflag:$0x2], $0x10, s0, s28, $0xb8;
	[tilespmem:$0x5FA0] =	vst v63  }
0xa0: {  	s2 =	sadd.s32 $0x1400, s0  }
0xa1: {  	[spmem:s1] =	stream.indirect.scatter.add.f32 [tilespmem:s30], [sflag:$0x2], $0x10, s2, s28, $0xb8;
	[tilespmem:$0x5FA0] =	vst v63  }
0xa2: {  	s9 =	sadd.s32 $0x80, s0  }
0xa3: {  	[spmem:s1] =	stream.indirect.scatter.add.f32 [tilespmem:s29], [sflag:$0x2], $0x10, s9, s28, $0xb8;
	[tilespmem:$0x5FA0] =	vst v63  }
0xa4: {  	s8 =	sadd.s32 $0x1480, s0  }
0xa5: {  	[spmem:s1] =	stream.indirect.scatter.add.f32 [tilespmem:s30], [sflag:$0x2], $0x10, s8, s28, $0xb8;
	[tilespmem:$0x5FA0] =	vst v63  }
0xa6: {  	s9 =	sadd.s32 $0x100, s0  }
0xa7: {  	[spmem:s1] =	stream.indirect.scatter.add.f32 [tilespmem:s29], [sflag:$0x2], $0x10, s9, s28, $0xb8;
	[tilespmem:$0x5FA0] =	vst v63  }
0xa8: {  	s8 =	sadd.s32 $0x1500, s0  }
0xa9: {  	[spmem:s1] =	stream.indirect.scatter.add.f32 [tilespmem:s30], [sflag:$0x2], $0x10, s8, s28, $0xb8;
	[tilespmem:$0x5FA0] =	vst v63  }
0xaa: {  	s9 =	sadd.s32 $0x180, s0  }
0xab: {  	[spmem:s1] =	stream.indirect.scatter.add.f32 [tilespmem:s29], [sflag:$0x2], $0x10, s9, s28, $0xb8;
	[tilespmem:$0x5FA0] =	vst v63  }
0xac: {  	s0 =	sadd.s32 $0x1580, s0  }
0xad: {  	[spmem:s1] =	stream.indirect.scatter.add.f32 [tilespmem:s30], [sflag:$0x2], $0x10, s0, s28, $0xb8;
	[tilespmem:$0x5FA0] =	vst v63  }
0xae: {  	_ =	swait.ge [sflag:s31], $0x7D0  }
0xaf: {  	[sflag:s31] =	ssyncset.done $0x0  }
0xb0: {  	[sflag:s31] =	ssyncadd.s32 $0xFFFFF830  }
0xb1: {  	_ =	swait.ge [sflag:s31], $0x7D0  }
0xb2: {  	[sflag:s31] =	ssyncset.done $0x0  }
0xb3: {  	[sflag:s31] =	ssyncadd.s32 $0xFFFFF830  }
0xb4: {  	_ =	swait.ge [sflag:s31], $0x7D0  }
0xb5: {  	[sflag:s31] =	ssyncset.done $0x0  }
0xb6: {  	[sflag:s31] =	ssyncadd.s32 $0xFFFFF830  }
0xb7: {  	_ =	swait.ge [sflag:s31], $0x7D0  }
0xb8: {  	[sflag:s31] =	ssyncset.done $0x0  }
0xb9: {  	[sflag:s31] =	ssyncadd.s32 $0xFFFFF830  }
0xba: {  	_ =	swait.ge [sflag:s31], $0x7D0  }
0xbb: {  	[sflag:s31] =	ssyncset.done $0x0  }
0xbc: {  	[sflag:s31] =	ssyncadd.s32 $0xFFFFF830  }
0xbd: {  	_ =	swait.ge [sflag:s31], $0x7D0  }
0xbe: {  	[sflag:s31] =	ssyncset.done $0x0  }
0xbf: {  	[sflag:s31] =	ssyncadd.s32 $0xFFFFF830  }
0xc0: {  	_ =	swait.ge [sflag:s31], $0x7D0  }
0xc1: {  	[sflag:s31] =	ssyncset.done $0x0  }
0xc2: {  	[sflag:s31] =	ssyncadd.s32 $0xFFFFF830  }
0xc3: {  	_ =	swait.ge [sflag:s31], $0x7D0  }
0xc4: {  	[sflag:s31] =	ssyncset.done $0x0  }
0xc5: {  	s2 =	simm.s32 $0x0;
	[sflag:s31] =	ssyncadd.s32 $0xFFFFF830  }
0xc6: {  	[tilespmem:s2], [sflag:$0x3] =	stream.linear.gather [hbm4b:s10+s2], $0x1400, $0x38;
	[tilespmem:$0x5FA0] =	vst v63  }
0xc7: {  	_ =	swait.ge [sflag:s23], $0x1400  }
0xc8: {  	[sflag:s23] =	ssyncset.done $0x0  }
0xc9: {  	[sflag:s23] =	ssyncadd.s32 $0xFFFFEC00  }
0xca: {  	[tilespmem:s24], [sflag:$0x3] =	stream.linear.gather [hbm4b:s11+s2], $0x1400, $0x38;
	[tilespmem:$0x5FA0] =	vst v63  }
0xcb: {  	_ =	swait.ge [sflag:s23], $0x1400  }
0xcc: {  	[sflag:s23] =	ssyncset.done $0x0  }
0xcd: {  	s8 =	simm.s32 $0x0;
	[sflag:s23] =	ssyncadd.s32 $0xFFFFEC00  }
0xce: {  	[spmem:s1] =	stream.indirect.scatter.add.f32 [tilespmem:s29], [sflag:$0x2], $0x10, s8, s28, $0xb8;
	[tilespmem:$0x5FA0] =	vst v63  }
0xcf: {  	s9 =	simm.s32 $0x1400  }
0xd0: {  	[spmem:s1] =	stream.indirect.scatter.add.f32 [tilespmem:s30], [sflag:$0x2], $0x10, s9, s28, $0xb8;
	[tilespmem:$0x5FA0] =	vst v63  }
0xd1: {  	s2 =	simm.s32 $0x80  }
0xd2: {  	[spmem:s1] =	stream.indirect.scatter.add.f32 [tilespmem:s29], [sflag:$0x2], $0x10, s2, s28, $0xb8;
	[tilespmem:$0x5FA0] =	vst v63  }
0xd3: {  	s8 =	simm.s32 $0x1480  }
0xd4: {  	[spmem:s1] =	stream.indirect.scatter.add.f32 [tilespmem:s30], [sflag:$0x2], $0x10, s8, s28, $0xb8;
	[tilespmem:$0x5FA0] =	vst v63  }
0xd5: {  	s9 =	simm.s32 $0x100  }
0xd6: {  	[spmem:s1] =	stream.indirect.scatter.add.f32 [tilespmem:s29], [sflag:$0x2], $0x10, s9, s28, $0xb8;
	[tilespmem:$0x5FA0] =	vst v63  }
0xd7: {  	s2 =	simm.s32 $0x1500  }
0xd8: {  	[spmem:s1] =	stream.indirect.scatter.add.f32 [tilespmem:s30], [sflag:$0x2], $0x10, s2, s28, $0xb8;
	[tilespmem:$0x5FA0] =	vst v63  }
0xd9: {  	s8 =	simm.s32 $0x180  }
0xda: {  	[spmem:s1] =	stream.indirect.scatter.add.f32 [tilespmem:s29], [sflag:$0x2], $0x10, s8, s28, $0xb8;
	[tilespmem:$0x5FA0] =	vst v63  }
0xdb: {  	s9 =	simm.s32 $0x1580  }
0xdc: {  	[spmem:s1] =	stream.indirect.scatter.add.f32 [tilespmem:s30], [sflag:$0x2], $0x10, s9, s28, $0xb8;
	[tilespmem:$0x5FA0] =	vst v63  }
0xdd: {  	_ =	swait.ge [sflag:s31], $0x7D0  }
0xde: {  	[sflag:s31] =	ssyncset.done $0x0  }
0xdf: {  	[sflag:s31] =	ssyncadd.s32 $0xFFFFF830  }
0xe0: {  	_ =	swait.ge [sflag:s31], $0x7D0  }
0xe1: {  	[sflag:s31] =	ssyncset.done $0x0  }
0xe2: {  	[sflag:s31] =	ssyncadd.s32 $0xFFFFF830  }
0xe3: {  	_ =	swait.ge [sflag:s31], $0x7D0  }
0xe4: {  	[sflag:s31] =	ssyncset.done $0x0  }
0xe5: {  	[sflag:s31] =	ssyncadd.s32 $0xFFFFF830  }
0xe6: {  	_ =	swait.ge [sflag:s31], $0x7D0  }
0xe7: {  	[sflag:s31] =	ssyncset.done $0x0  }
0xe8: {  	[sflag:s31] =	ssyncadd.s32 $0xFFFFF830  }
0xe9: {  	_ =	swait.ge [sflag:s31], $0x7D0  }
0xea: {  	[sflag:s31] =	ssyncset.done $0x0  }
0xeb: {  	[sflag:s31] =	ssyncadd.s32 $0xFFFFF830  }
0xec: {  	_ =	swait.ge [sflag:s31], $0x7D0  }
0xed: {  	[sflag:s31] =	ssyncset.done $0x0  }
0xee: {  	[sflag:s31] =	ssyncadd.s32 $0xFFFFF830  }
0xef: {  	_ =	swait.ge [sflag:s31], $0x7D0  }
0xf0: {  	[sflag:s31] =	ssyncset.done $0x0  }
0xf1: {  	[sflag:s31] =	ssyncadd.s32 $0xFFFFF830  }
0xf2: {  	_ =	swait.ge [sflag:s31], $0x7D0  }
0xf3: {  	s0 =	simm.s32 $0x800;
	s8 =	simm.s32 $0x1000;
	[sflag:s31] =	ssyncset.done $0x0  }
.LBB2_6:
0xf4: {  	s9 =	sshra.s32 s0, $0x2  }
0xf5: {  	[sflag:s31] =	ssyncadd.s32 $0xFFFFF830;
	s0 =	smov.u32 s8;
	s2 =	sadd.s32 $0x800, s8  }
0xf6: {  	[spmem:s1] =	stream.indirect.scatter.add.f32 [tilespmem:s29], [sflag:$0x2], $0x10, s9, s28, $0xb8;
	[tilespmem:$0x5FA0] =	vst v63  }
0xf7: {  	p0 =	sne.s32 s8, $0x4800;
	s8 =	sadd.s32 $0x1400, s9  }
0xf8: {  	[spmem:s1] =	stream.indirect.scatter.add.f32 [tilespmem:s30], [sflag:$0x2], $0x10, s8, s28, $0xb8;
	[tilespmem:$0x5FA0] =	vst v63  }
0xf9: {  	s8 =	sadd.s32 $0x80, s9  }
0xfa: {  	[spmem:s1] =	stream.indirect.scatter.add.f32 [tilespmem:s29], [sflag:$0x2], $0x10, s8, s28, $0xb8;
	[tilespmem:$0x5FA0] =	vst v63  }
0xfb: {  	s8 =	sadd.s32 $0x1480, s9  }
0xfc: {  	[spmem:s1] =	stream.indirect.scatter.add.f32 [tilespmem:s30], [sflag:$0x2], $0x10, s8, s28, $0xb8;
	[tilespmem:$0x5FA0] =	vst v63  }
0xfd: {  	s8 =	sadd.s32 $0x100, s9  }
0xfe: {  	[spmem:s1] =	stream.indirect.scatter.add.f32 [tilespmem:s29], [sflag:$0x2], $0x10, s8, s28, $0xb8;
	[tilespmem:$0x5FA0] =	vst v63  }
0xff: {  	s8 =	sadd.s32 $0x1500, s9  }
0x100: {  	[spmem:s1] =	stream.indirect.scatter.add.f32 [tilespmem:s30], [sflag:$0x2], $0x10, s8, s28, $0xb8;
	[tilespmem:$0x5FA0] =	vst v63  }
0x101: {  	s8 =	sadd.s32 $0x180, s9  }
0x102: {  	[spmem:s1] =	stream.indirect.scatter.add.f32 [tilespmem:s29], [sflag:$0x2], $0x10, s8, s28, $0xb8;
	[tilespmem:$0x5FA0] =	vst v63  }
0x103: {  	s8 =	sadd.s32 $0x1580, s9  }
0x104: {  	[spmem:s1] =	stream.indirect.scatter.add.f32 [tilespmem:s30], [sflag:$0x2], $0x10, s8, s28, $0xb8;
	[tilespmem:$0x5FA0] =	vst v63  }
0x105: {  	_ =	swait.ge [sflag:s31], $0x7D0  }
0x106: {  	[sflag:s31] =	ssyncset.done $0x0  }
0x107: {  	[sflag:s31] =	ssyncadd.s32 $0xFFFFF830  }
0x108: {  	_ =	swait.ge [sflag:s31], $0x7D0  }
0x109: {  	[sflag:s31] =	ssyncset.done $0x0  }
0x10a: {  	[sflag:s31] =	ssyncadd.s32 $0xFFFFF830  }
0x10b: {  	_ =	swait.ge [sflag:s31], $0x7D0  }
0x10c: {  	[sflag:s31] =	ssyncset.done $0x0  }
0x10d: {  	[sflag:s31] =	ssyncadd.s32 $0xFFFFF830  }
0x10e: {  	_ =	swait.ge [sflag:s31], $0x7D0  }
0x10f: {  	[sflag:s31] =	ssyncset.done $0x0  }
0x110: {  	[sflag:s31] =	ssyncadd.s32 $0xFFFFF830  }
0x111: {  	_ =	swait.ge [sflag:s31], $0x7D0  }
0x112: {  	[sflag:s31] =	ssyncset.done $0x0  }
0x113: {  	[sflag:s31] =	ssyncadd.s32 $0xFFFFF830  }
0x114: {  	_ =	swait.ge [sflag:s31], $0x7D0  }
0x115: {  	[sflag:s31] =	ssyncset.done $0x0  }
0x116: {  	[sflag:s31] =	ssyncadd.s32 $0xFFFFF830  }
.Ltmp2:
0x117: {  	_ =	swait.ge [sflag:s31], $0x7D0;
	(pc) =	sbr.rel @p0 .LBB2_6-.Ltmp2, $4  }
0x118: {  	[sflag:s31] =	ssyncset.done $0x0  }
0x119: {  	[sflag:s31] =	ssyncadd.s32 $0xFFFFF830  }
0x11a: {  	_ =	swait.ge [sflag:s31], $0x7D0  }
0x11b: {  	s8 =	smov.u32 s2;
	[sflag:s31] =	ssyncset.done $0x0  }
0x11c: {  	s0 =	sshra.s32 s0, $0x2;
	[sflag:s31] =	ssyncadd.s32 $0xFFFFF830  }
0x11d: {  	[spmem:s1] =	stream.indirect.scatter.add.f32 [tilespmem:s29], [sflag:$0x2], $0x10, s0, s28, $0xb8;
	[tilespmem:$0x5FA0] =	vst v63  }
0x11e: {  	s2 =	sadd.s32 $0x1400, s0  }
0x11f: {  	[spmem:s1] =	stream.indirect.scatter.add.f32 [tilespmem:s30], [sflag:$0x2], $0x10, s2, s28, $0xb8;
	[tilespmem:$0x5FA0] =	vst v63  }
0x120: {  	s8 =	sadd.s32 $0x80, s0  }
0x121: {  	[spmem:s1] =	stream.indirect.scatter.add.f32 [tilespmem:s29], [sflag:$0x2], $0x10, s8, s28, $0xb8;
	[tilespmem:$0x5FA0] =	vst v63  }
0x122: {  	s9 =	sadd.s32 $0x1480, s0  }
0x123: {  	[spmem:s1] =	stream.indirect.scatter.add.f32 [tilespmem:s30], [sflag:$0x2], $0x10, s9, s28, $0xb8;
	[tilespmem:$0x5FA0] =	vst v63  }
0x124: {  	s8 =	sadd.s32 $0x100, s0  }
0x125: {  	[spmem:s1] =	stream.indirect.scatter.add.f32 [tilespmem:s29], [sflag:$0x2], $0x10, s8, s28, $0xb8;
	[tilespmem:$0x5FA0] =	vst v63  }
0x126: {  	s9 =	sadd.s32 $0x1500, s0  }
0x127: {  	[spmem:s1] =	stream.indirect.scatter.add.f32 [tilespmem:s30], [sflag:$0x2], $0x10, s9, s28, $0xb8;
	[tilespmem:$0x5FA0] =	vst v63  }
0x128: {  	s8 =	sadd.s32 $0x180, s0  }
0x129: {  	[spmem:s1] =	stream.indirect.scatter.add.f32 [tilespmem:s29], [sflag:$0x2], $0x10, s8, s28, $0xb8;
	[tilespmem:$0x5FA0] =	vst v63  }
0x12a: {  	s0 =	sadd.s32 $0x1580, s0  }
0x12b: {  	[spmem:s1] =	stream.indirect.scatter.add.f32 [tilespmem:s30], [sflag:$0x2], $0x10, s0, s28, $0xb8;
	[tilespmem:$0x5FA0] =	vst v63  }
0x12c: {  	_ =	swait.ge [sflag:s31], $0x7D0  }
0x12d: {  	[sflag:s31] =	ssyncset.done $0x0  }
0x12e: {  	[sflag:s31] =	ssyncadd.s32 $0xFFFFF830  }
0x12f: {  	_ =	swait.ge [sflag:s31], $0x7D0  }
0x130: {  	[sflag:s31] =	ssyncset.done $0x0  }
0x131: {  	[sflag:s31] =	ssyncadd.s32 $0xFFFFF830  }
0x132: {  	_ =	swait.ge [sflag:s31], $0x7D0  }
0x133: {  	[sflag:s31] =	ssyncset.done $0x0  }
0x134: {  	[sflag:s31] =	ssyncadd.s32 $0xFFFFF830  }
0x135: {  	_ =	swait.ge [sflag:s31], $0x7D0  }
0x136: {  	[sflag:s31] =	ssyncset.done $0x0  }
0x137: {  	[sflag:s31] =	ssyncadd.s32 $0xFFFFF830  }
0x138: {  	_ =	swait.ge [sflag:s31], $0x7D0  }
0x139: {  	[sflag:s31] =	ssyncset.done $0x0  }
0x13a: {  	[sflag:s31] =	ssyncadd.s32 $0xFFFFF830  }
0x13b: {  	_ =	swait.ge [sflag:s31], $0x7D0  }
0x13c: {  	[sflag:s31] =	ssyncset.done $0x0  }
0x13d: {  	[sflag:s31] =	ssyncadd.s32 $0xFFFFF830  }
0x13e: {  	_ =	swait.ge [sflag:s31], $0x7D0  }
0x13f: {  	[sflag:s31] =	ssyncset.done $0x0  }
0x140: {  	[sflag:s31] =	ssyncadd.s32 $0xFFFFF830  }
0x141: {  	_ =	swait.ge [sflag:s31], $0x7D0  }
0x142: {  	s3 =	sadd.s32 $0x1, s3;
	[sflag:s31] =	ssyncset.done $0x0  }
0x143: {  	p0 =	sne.s32 s3, s13;
	[sflag:s31] =	ssyncadd.s32 $0xFFFFF830  }
.Ltmp3:
0x144: {  	s9 =	sor.u32 $0x1C03, s5;
	[bflag:$0x0] =	sbarrier.arrive $0xFFFF;
	(pc) =	sbr.rel @p0 .LBB2_1-.Ltmp3, $4  }
0x145: {  	[hbm:s12], [sflag:s9] =	dma.local [spmem:s25], $0x500  }
0x146: {  	_ =	swait.ge [sflag:s23], $0x500  }
0x147: {  	[sflag:s23] =	ssyncset.done $0x0  }
0x148: {  	[sflag:s23] =	ssyncadd.s32 $0xFFFFFB00  }
0x149: {  	_ =	sfence.sel $0x180000  }
0x14a: {  	[bflag:$0x0] =	sbarrier.arrive $0xFFFF  }
0x14b: {  	_ =	strace $0x90000047  }
0x14c: {  	s0 =	stileid.u32;
	[bflag:$0x2] =	sbarrier.arrive $0xFFFF  }
0x14d: {  	p0 =	sne.s32 s0, $0x0;
	s0 =	rddreg [dreg:$0x2]  }
0x14e: {  	s0 =	sadd.s32 @!p0 $0x100000, s0  }
0x14f: {  	[sflag:s0] =	ssyncadd.tile.s32 @!p0 $0x1;
	_ =	shalt  }
.Lfunc_end2:
_tile_overlayer_lowered:
.L_overlay_start_2:
0x150: {  	(tag) =	ssettag $0x2  }
0x151: {  	s0 =	rddreg [dreg:$0x0];
	s2 =	stileid.u32  }
0x152: {  	s1 =	rddreg [dreg:$0x1];
	p0 =	sne.s32 s2, $0x0  }
0x153: {  	s3 =	rddreg [dreg:$0x2];
	[bflag:$0x3] =	sbarrier.arrive $0xFFFF;
	s2 =	simm.s32 @!p0 $0x1C03  }
0x154: {  	[timem:s3], [sflag:s2] =	dma.local @!p0 [hbm:s0], s1  }
0x155: {  	s0 =	simm.s32 @!p0 $0x3  }
0x156: {  	_ =	swait.ge @!p0 [sflag:s0], s1  }
0x157: {  	s1 =	ssub.s32 @!p0 $0x0, s1;
	[sflag:s0] =	ssyncset.done @!p0 $0x0  }
0x158: {  	[sflag:s0] =	ssyncadd.s32 @!p0 s1  }
0x159: {  	[bflag:$0x3] =	sbarrier.arrive $0xFFFF  }
0x15a: {  	_ =	shalt  }

</sc_bundles>
